<compile_context>
chip_gen: v7x
topology: tpu7x:2x2x1
jax: 0.10.2.dev20260603
libtpu: 0.0.44.dev20260713+nightly
codegen_flags: <defaults>
</compile_context>

<pallas_src>
import functools

import jax
import jax.numpy as jnp
from jax import lax
from jax.experimental import pallas as pl
from jax.experimental.pallas import tpu as pltpu
from jax.experimental.pallas import tpu_sc as plsc

_NW = 16
_L = 16


def _fifth_root(u):
    um = jnp.maximum(u, 1e-30)
    bits = plsc.bitcast(um, jnp.int32)
    y = plsc.bitcast(bits // 5 + 852282573, jnp.float32)
    for _ in range(4):
        y2 = y * y
        y = 0.2 * (4.0 * y + um / (y2 * y2))
    return jnp.where(u > 0.0, y, 0.0)


def _stage(cls_t, bbox_t, gtb_t, stride):
    n_cls, n = cls_t.shape
    n_gt = gtb_t.shape[1]
    rows = 16
    cls_steps = n_cls // rows
    grid = cls_steps + 1

    def body(c_ref, b_ref, g_ref, o_ref):
        i = pl.program_id(0)

        @pl.when(i < cls_steps)
        def _():
            for k in range(rows):
                o_ref[pl.ds(k * stride, n)] = c_ref[k, :]

        @pl.when(i == cls_steps)
        def _():
            for k in range(4):
                o_ref[pl.ds(k * stride, n)] = b_ref[k, :]
                o_ref[pl.ds((8 + k) * stride, n_gt)] = g_ref[k, :]

    return pl.pallas_call(
        body,
        grid=(grid,),
        in_specs=[
            pl.BlockSpec((rows, n),
                         lambda i: (jnp.minimum(i, cls_steps - 1), 0)),
            pl.BlockSpec((4, n), lambda i: (0, 0)),
            pl.BlockSpec((4, n_gt), lambda i: (0, 0)),
        ],
        out_specs=pl.BlockSpec((rows * stride,), lambda i: (i,)),
        out_shape=jax.ShapeDtypeStruct((grid * rows * stride,), jnp.float32),
    )(cls_t, bbox_t, gtb_t)


def _make_sc_kernel(n, stride, n_pos, n_gt, n_cls):
    chunk = -(-n // (_NW * _L)) * _L
    tail = n - chunk * (_NW - 1)
    assert 0 < tail <= chunk and tail % 8 == 0
    ppw = n_pos // _NW
    mesh = plsc.VectorSubcoreMesh(
        core_axis_name="c", subcore_axis_name="s", num_cores=1)

    @functools.partial(
        pl.kernel,
        out_type=jax.ShapeDtypeStruct((n,), jnp.float32),
        mesh=mesh,
        compiler_params=pltpu.CompilerParams(
            needs_layout_passes=False, use_tc_tiling_on_sc=False),
        scratch_types=[
            pltpu.VMEM((chunk,), jnp.float32),
            pltpu.VMEM((ppw,), jnp.int32),
            pltpu.VMEM((4 * ppw,), jnp.int32),
            pltpu.VMEM((4 * ppw,), jnp.float32),
            pltpu.VMEM((ppw * n_cls,), jnp.int32),
            pltpu.VMEM((ppw * n_cls,), jnp.float32),
            pltpu.VMEM((4 * 104,), jnp.float32),
            pltpu.VMEM((n_gt,), jnp.int32),
            pltpu.VMEM((ppw,), jnp.float32),
            pltpu.SemaphoreType.DMA,
            pltpu.SemaphoreType.DMA,
            pltpu.SemaphoreType.DMA,
        ],
    )
    def sc_kernel(staged_flat, positive_inds, gt_labels,
                  out,
                  zero_v, idx_v, bidx_v, boxc_v, cidx_v, clsf_v, gtb_v,
                  gtl_v, val_v, sem0, sem1, sem2):
        w = lax.axis_index("s")

        def zbody(i, carry):
            zero_v[pl.ds(i * _L, _L)] = jnp.zeros((_L,), jnp.float32)
            return carry
        lax.fori_loop(0, chunk // _L, zbody, 0)

        @pl.when(w < _NW - 1)
        def _():
            pltpu.sync_copy(zero_v, out.at[pl.ds(w * chunk, chunk)])

        @pl.when(w == _NW - 1)
        def _():
            pltpu.sync_copy(zero_v.at[pl.ds(0, tail)],
                            out.at[pl.ds((_NW - 1) * chunk, tail)])

        plsc.subcore_barrier()

        cp_gtl = pltpu.async_copy(gt_labels, gtl_v, sem2)
        gt_copies = [
            pltpu.async_copy(staged_flat.at[pl.ds((88 + c) * stride, n_gt)],
                             gtb_v.at[pl.ds(c * 104, n_gt)], sem2)
            for c in range(4)]
        pltpu.sync_copy(positive_inds.at[pl.ds(w * ppw, ppw)], idx_v)
        idx_lo = idx_v[pl.ds(0, _L)]
        idx_hi = idx_v[pl.ds(_L, _L)]
        for c in range(4):
            base = (n_cls + c) * stride
            bidx_v[pl.ds(c * ppw, _L)] = idx_lo + base
            bidx_v[pl.ds(c * ppw + _L, _L)] = idx_hi + base
        cp_box = pltpu.async_copy(staged_flat.at[bidx_v], boxc_v, sem0)
        def cbody(c, carry):
            cidx_v[pl.ds(c * ppw, _L)] = idx_lo + c * stride
            cidx_v[pl.ds(c * ppw + _L, _L)] = idx_hi + c * stride
            return carry
        lax.fori_loop(0, n_cls, cbody, 0)
        cls_copies = []
        n_chunk = ppw * n_cls // 128
        for k in range(n_chunk):
            cls_copies.append(pltpu.async_copy(
                staged_flat.at[cidx_v.at[pl.ds(k * 128, 128)]],
                clsf_v.at[pl.ds(k * 128, 128)], sem1))
        cp_gtl.wait()
        for cp in gt_copies:
            cp.wait()
        cp_box.wait()
        for cp in cls_copies:
            cp.wait()

        lanes = lax.iota(jnp.int32, _L)
        zeros_i = jnp.zeros((_L,), jnp.int32)
        for pb in range(ppw // _L):
            ax1 = boxc_v[pl.ds(0 * ppw + pb * _L, _L)]
            ay1 = boxc_v[pl.ds(1 * ppw + pb * _L, _L)]
            ax2 = boxc_v[pl.ds(2 * ppw + pb * _L, _L)]
            ay2 = boxc_v[pl.ds(3 * ppw + pb * _L, _L)]
            area1 = (ax2 - ax1) * (ay2 - ay1)
            pidx = lanes + pb * _L

            def one_gt(g):
                lab = plsc.load_gather(gtl_v, [zeros_i + g])
                gx1 = plsc.load_gather(gtb_v, [zeros_i + g])
                gy1 = plsc.load_gather(gtb_v, [zeros_i + (104 + g)])
                gx2 = plsc.load_gather(gtb_v, [zeros_i + (2 * 104 + g)])
                gy2 = plsc.load_gather(gtb_v, [zeros_i + (3 * 104 + g)])
                sraw = plsc.load_gather(clsf_v, [lab * ppw + pidx])
                s = 1.0 / (1.0 + jnp.exp(-sraw))
                area2 = (gx2 - gx1) * (gy2 - gy1)
                iw = jnp.maximum(
                    jnp.minimum(ax2, gx2) - jnp.maximum(ax1, gx1), 0.0)
                ih = jnp.maximum(
                    jnp.minimum(ay2, gy2) - jnp.maximum(ay1, gy1), 0.0)
                inter = iw * ih
                union = jnp.maximum(area1 + area2 - inter, 1e-6)
                iou = inter / union
                iou2 = iou * iou
                return s * (iou2 * iou2)

            def gbody(i, m):
                us = [one_gt(i * 4 + j) for j in range(4)]
                u01 = jnp.maximum(us[0], us[1])
                u23 = jnp.maximum(us[2], us[3])
                return jnp.maximum(m, jnp.maximum(u01, u23))

            assert n_gt % 4 == 0
            m = lax.fori_loop(0, n_gt // 4, gbody,
                              jnp.zeros((_L,), jnp.float32))
            val_v[pl.ds(pb * _L, _L)] = _fifth_root(m)

        pltpu.async_copy(val_v, out.at[idx_v], sem0).wait()

    return sc_kernel


def kernel(bboxes, cls_scores, bbox_preds, gt_bboxes, bbox_levels,
           positive_inds, gt_labels):
    del bboxes, bbox_levels
    n, n_cls = cls_scores.shape
    n_pos = positive_inds.shape[0]
    n_gt = gt_bboxes.shape[0]
    stride = -(-n // 128) * 128
    staged = _stage(cls_scores.T, bbox_preds[:, :4].T, gt_bboxes[:, :4].T,
                    stride)
    sc_kernel = _make_sc_kernel(n, stride, n_pos, n_gt, n_cls)
    return sc_kernel(staged,
                     positive_inds.astype(jnp.int32),
                     gt_labels.astype(jnp.int32))

# --- scband reference (transcript-rebuilt; emitter-appended) ---
"""Pipeline reference for scband-pgwanchor-module-11811160064320 (READ-ONLY COPY).

The authoritative reference and input builder live on the scoring server;
editing this copy changes nothing except your own understanding.
"""

import jax, jax.numpy as jnp
import numpy as np

ALPHA = 0.8
LOW_BOUND = 0.0


def _make_boxes(key, n):
    k1, k2, k3, k4 = jax.random.split(key, 4)
    x1 = jax.random.uniform(k1, (n,), dtype=jnp.float32) * 1000.0
    y1 = jax.random.uniform(k2, (n,), dtype=jnp.float32) * 1000.0
    w = jax.random.uniform(k3, (n,), dtype=jnp.float32) * 100.0 + 1.0
    h = jax.random.uniform(k4, (n,), dtype=jnp.float32) * 100.0 + 1.0
    return jnp.stack([x1, y1, x1 + w, y1 + h], axis=1)


def setup_inputs(seed: int = 0) -> dict:
    key = jax.random.key(seed)
    ks = jax.random.split(key, 8)
    N, G, C = 20000, 100, 80
    bboxes = _make_boxes(ks[0], N)
    cls_scores = jax.random.normal(ks[1], (N, C), dtype=jnp.float32)
    bbox_preds = _make_boxes(ks[2], N)
    gt_bboxes = _make_boxes(ks[3], G)
    bbox_levels = jax.random.randint(ks[4], (N,), 0, 5, dtype=jnp.int64)
    positive_inds = jax.random.randint(ks[5], (512,), 0, N, dtype=jnp.int64)
    gt_labels = jax.random.randint(ks[6], (G,), 0, C, dtype=jnp.int64)
    return {
        "bboxes": bboxes,
        "cls_scores": cls_scores,
        "bbox_preds": bbox_preds,
        "gt_bboxes": gt_bboxes,
        "bbox_levels": bbox_levels,
        "positive_inds": positive_inds,
        "gt_labels": gt_labels,
    }


def _bbox_overlaps_iou(b1, b2):
    # pairwise IoU (BboxOverlaps2D, mode='iou'): b1 [N,4], b2 [G,4] -> [N,G]
    area1 = (b1[:, 2] - b1[:, 0]) * (b1[:, 3] - b1[:, 1])
    area2 = (b2[:, 2] - b2[:, 0]) * (b2[:, 3] - b2[:, 1])
    lt = jnp.maximum(b1[:, None, :2], b2[None, :, :2])
    rb = jnp.minimum(b1[:, None, 2:4], b2[None, :, 2:4])
    wh = jnp.clip(rb - lt, 0.0)
    inter = wh[..., 0] * wh[..., 1]
    union = area1[:, None] + area2[None, :] - inter
    return inter / jnp.maximum(union, 1e-6)


def _safe_pow(x, p):
    # x ** p with zero-safe gradient at x == 0 (value identical to x**p for x >= 0)
    safe = jnp.where(x > 0, x, 1.0)
    return jnp.where(x > 0, safe ** p, 0.0)


def reference(bboxes, cls_scores, bbox_preds, gt_bboxes, bbox_levels, positive_inds, gt_labels):
    bboxes = bboxes[:, :4]
    num_bboxes = bboxes.shape[0]
    # overlaps between predicted boxes and GT boxes
    overlaps = _bbox_overlaps_iou(bbox_preds, gt_bboxes)  # [N, G]
    # classification cost: sigmoid score at each GT's label, gathered per anchor
    cls_cost = jax.nn.sigmoid(cls_scores[:, gt_labels])  # [N, G]
    overlaps = _safe_pow(cls_cost, 1.0 - ALPHA) * _safe_pow(overlaps, ALPHA)
    quality_score = jnp.max(overlaps, axis=1)  # [N]
    pos = jnp.zeros((num_bboxes,), dtype=quality_score.dtype).at[positive_inds].set(1.0)
    # ignore_iof_thr = -1 -> ignore branch skipped; assigned_gt_inds stays 0
    quality_score = quality_score * pos
    quality_score = jnp.where(quality_score < LOW_BOUND, 0.0, quality_score)
    return quality_score

if __name__ == "__main__":
    import jax
    _d = setup_inputs()
    print(jax.jit(kernel)(*tuple(_d.values())))

</pallas_src>

<mosaic_0001>
#map = affine_map<(d0, d1) -> (0)>
module attributes {stable_mosaic.version = 14 : i64} {
  func.func @sc_kernel(%arg0: i32, %arg1: i32, %arg2: memref<1929216xf32, #tpu.memory_space<hbm>>, %arg3: memref<512xi32, #tpu.memory_space<hbm>>, %arg4: memref<100xi32, #tpu.memory_space<hbm>>, %arg5: memref<20000xf32, #tpu.memory_space<hbm>>, %arg6: memref<1264xf32, #tpu.memory_space<vmem>>, %arg7: memref<32xi32, #tpu.memory_space<vmem>>, %arg8: memref<128xi32, #tpu.memory_space<vmem>>, %arg9: memref<128xf32, #tpu.memory_space<vmem>>, %arg10: memref<2560xi32, #tpu.memory_space<vmem>>, %arg11: memref<2560xf32, #tpu.memory_space<vmem>>, %arg12: memref<416xf32, #tpu.memory_space<vmem>>, %arg13: memref<100xi32, #tpu.memory_space<vmem>>, %arg14: memref<32xf32, #tpu.memory_space<vmem>>, %arg15: memref<!tpu.dma_semaphore, #tpu.memory_space<semaphore_mem>>, %arg16: memref<!tpu.dma_semaphore, #tpu.memory_space<semaphore_mem>>, %arg17: memref<!tpu.dma_semaphore, #tpu.memory_space<semaphore_mem>>) attributes {dimension_semantics = [#tpu.dimension_semantics<core_parallel>, #tpu.dimension_semantics<subcore_parallel>], iteration_bounds = array<i64: 1, 16>, scalar_prefetch = 0 : i64, scratch_operands = 12 : i64, tpu.core_type = #tpu.core_type<sc_vector_subcore>, window_params = [{transform_indices = #map}, {transform_indices = #map}, {transform_indices = #map}, {transform_indices = #map}]} {
    %scan3A = arith.constant 0 : i32
    %scan3A_0 = arith.constant 0 : i32
    %scan3A_1 = arith.constant 79 : i32
    %scan3A_2 = arith.addi %scan3A_0, %scan3A_1 : i32
    %scan3A_3 = arith.constant 1 : i32
    scf.for %scan3A_577 = %scan3A_0 to %scan3A_2 step %scan3A_3  : i32 {
      %broadcast_in_dim3A_578 = arith.constant 0.000000e+00 : f32
      %broadcast_in_dim3A_579 = vector.broadcast %broadcast_in_dim3A_578 : f32 to vector<16xf32>
      %mul3A_580 = arith.constant 16 : i32
      %mul3A_581 = arith.muli %scan3A_577, %mul3A_580 : i32
      %swap3A_582 = arith.index_cast %mul3A_581 : i32 to index
      %swap3A_583 = tpu.vector_load %arg6[%swap3A_582] {strides = array<i32>} : memref<1264xf32, #tpu.memory_space<vmem>>, vector<16xf32>,
      tpu.vector_store %arg6[%swap3A_582], %broadcast_in_dim3A_579 {strides = array<i32>} : memref<1264xf32, #tpu.memory_space<vmem>>, vector<16xf32>,
    }
    %scan3A_4 = arith.constant 79 : i32
    %lt3A = arith.constant 15 : i32
    %lt3A_5 = arith.cmpi slt, %arg1, %lt3A : i32
    %convert_element_type3A = arith.extui %lt3A_5 : i1 to i32
    %cond3A = arith.constant 0 : i32
    %cond3A_6 = arith.cmpi ne, %convert_element_type3A, %cond3A : i32
    scf.if %cond3A_6 {
      %mul3A_577 = arith.constant 1264 : i32
      %mul3A_578 = arith.muli %arg1, %mul3A_577 : i32
      "tpu.region"() ({
        %run_scoped3A = tpu.sem_alloc : memref<!tpu.dma_semaphore, #tpu.memory_space<semaphore_mem>>
        %dma_start3A_579 = tpu.memref_slice %arg5[%mul3A_578] : memref<20000xf32, #tpu.memory_space<hbm>> -> memref<1264xf32, #tpu.memory_space<hbm>>
        %dma_start3A_580 = tpu.memref_slice %arg5[%mul3A_578] : memref<20000xf32, #tpu.memory_space<hbm>> -> memref<1264xf32, #tpu.memory_space<hbm>>
        tpu.enqueue_dma source(%arg6 : memref<1264xf32, #tpu.memory_space<vmem>>) target(%dma_start3A_580 : memref<1264xf32, #tpu.memory_space<hbm>>) target_semaphore(%run_scoped3A : memref<!tpu.dma_semaphore, #tpu.memory_space<semaphore_mem>>)
        %dma_wait3A_581 = tpu.memref_slice %arg5[%mul3A_578] : memref<20000xf32, #tpu.memory_space<hbm>> -> memref<1264xf32, #tpu.memory_space<hbm>>
        %dma_wait3A_582 = tpu.memref_slice %arg5[%mul3A_578] : memref<20000xf32, #tpu.memory_space<hbm>> -> memref<1264xf32, #tpu.memory_space<hbm>>
        tpu.wait_dma2 semaphore(%run_scoped3A : memref<!tpu.dma_semaphore, #tpu.memory_space<semaphore_mem>>) src(%arg6 : memref<1264xf32, #tpu.memory_space<vmem>>) dst(%dma_wait3A_582 : memref<1264xf32, #tpu.memory_space<hbm>>)
        tpu.yield
      }) : () -> ()
    } else {
    }
    %eq3A = arith.constant 15 : i32
    %eq3A_7 = arith.cmpi eq, %arg1, %eq3A : i32
    %convert_element_type3A_8 = arith.extui %eq3A_7 : i1 to i32
    %cond3A_9 = arith.constant 0 : i32
    %cond3A_10 = arith.cmpi ne, %convert_element_type3A_8, %cond3A_9 : i32
    scf.if %cond3A_10 {
      "tpu.region"() ({
        %run_scoped3A = tpu.sem_alloc : memref<!tpu.dma_semaphore, #tpu.memory_space<semaphore_mem>>
        %dma_start3A_577 = arith.constant 0 : i32
        %dma_start3A_578 = tpu.memref_slice %arg6[%dma_start3A_577] : memref<1264xf32, #tpu.memory_space<vmem>> -> memref<1040xf32, #tpu.memory_space<vmem>>
        %dma_start3A_579 = arith.constant 18960 : i32
        %dma_start3A_580 = tpu.memref_slice %arg5[%dma_start3A_579] : memref<20000xf32, #tpu.memory_space<hbm>> -> memref<1040xf32, #tpu.memory_space<hbm>>
        %dma_start3A_581 = arith.constant 18960 : i32
        %dma_start3A_582 = tpu.memref_slice %arg5[%dma_start3A_581] : memref<20000xf32, #tpu.memory_space<hbm>> -> memref<1040xf32, #tpu.memory_space<hbm>>
        %dma_start3A_583 = arith.constant 0 : i32
        %dma_start3A_584 = tpu.memref_slice %arg6[%dma_start3A_583] : memref<1264xf32, #tpu.memory_space<vmem>> -> memref<1040xf32, #tpu.memory_space<vmem>>
        tpu.enqueue_dma source(%dma_start3A_584 : memref<1040xf32, #tpu.memory_space<vmem>>) target(%dma_start3A_582 : memref<1040xf32, #tpu.memory_space<hbm>>) target_semaphore(%run_scoped3A : memref<!tpu.dma_semaphore, #tpu.memory_space<semaphore_mem>>)
        %dma_wait3A_585 = arith.constant 0 : i32
        %dma_wait3A_586 = tpu.memref_slice %arg6[%dma_wait3A_585] : memref<1264xf32, #tpu.memory_space<vmem>> -> memref<1040xf32, #tpu.memory_space<vmem>>
        %dma_wait3A_587 = arith.constant 18960 : i32
        %dma_wait3A_588 = tpu.memref_slice %arg5[%dma_wait3A_587] : memref<20000xf32, #tpu.memory_space<hbm>> -> memref<1040xf32, #tpu.memory_space<hbm>>
        %dma_wait3A_589 = arith.constant 18960 : i32
        %dma_wait3A_590 = tpu.memref_slice %arg5[%dma_wait3A_589] : memref<20000xf32, #tpu.memory_space<hbm>> -> memref<1040xf32, #tpu.memory_space<hbm>>
        %dma_wait3A_591 = arith.constant 0 : i32
        %dma_wait3A_592 = tpu.memref_slice %arg6[%dma_wait3A_591] : memref<1264xf32, #tpu.memory_space<vmem>> -> memref<1040xf32, #tpu.memory_space<vmem>>
        tpu.wait_dma2 semaphore(%run_scoped3A : memref<!tpu.dma_semaphore, #tpu.memory_space<semaphore_mem>>) src(%dma_wait3A_592 : memref<1040xf32, #tpu.memory_space<vmem>>) dst(%dma_wait3A_590 : memref<1040xf32, #tpu.memory_space<hbm>>)
        tpu.yield
      }) : () -> ()
    } else {
    }
    %barrier3A = arith.constant 0 : index
    tpu.barrier barrier_id(%barrier3A)
    tpu.enqueue_dma source(%arg4 : memref<100xi32, #tpu.memory_space<hbm>>) target(%arg13 : memref<100xi32, #tpu.memory_space<vmem>>) target_semaphore(%arg17 : memref<!tpu.dma_semaphore, #tpu.memory_space<semaphore_mem>>)
    %dma_start3A = arith.constant 0 : i32
    %dma_start3A_11 = tpu.memref_slice %arg12[%dma_start3A] : memref<416xf32, #tpu.memory_space<vmem>> -> memref<100xf32, #tpu.memory_space<vmem>>
    %dma_start3A_12 = arith.constant 1768448 : i32
    %dma_start3A_13 = tpu.memref_slice %arg2[%dma_start3A_12] : memref<1929216xf32, #tpu.memory_space<hbm>> -> memref<100xf32, #tpu.memory_space<hbm>>
    %dma_start3A_14 = arith.constant 0 : i32
    %dma_start3A_15 = tpu.memref_slice %arg12[%dma_start3A_14] : memref<416xf32, #tpu.memory_space<vmem>> -> memref<100xf32, #tpu.memory_space<vmem>>
    %dma_start3A_16 = arith.constant 1768448 : i32
    %dma_start3A_17 = tpu.memref_slice %arg2[%dma_start3A_16] : memref<1929216xf32, #tpu.memory_space<hbm>> -> memref<100xf32, #tpu.memory_space<hbm>>
    tpu.enqueue_dma source(%dma_start3A_17 : memref<100xf32, #tpu.memory_space<hbm>>) target(%dma_start3A_15 : memref<100xf32, #tpu.memory_space<vmem>>) target_semaphore(%arg17 : memref<!tpu.dma_semaphore, #tpu.memory_space<semaphore_mem>>)
    %dma_start3A_18 = arith.constant 104 : i32
    %dma_start3A_19 = tpu.memref_slice %arg12[%dma_start3A_18] : memref<416xf32, #tpu.memory_space<vmem>> -> memref<100xf32, #tpu.memory_space<vmem>>
    %dma_start3A_20 = arith.constant 1788544 : i32
    %dma_start3A_21 = tpu.memref_slice %arg2[%dma_start3A_20] : memref<1929216xf32, #tpu.memory_space<hbm>> -> memref<100xf32, #tpu.memory_space<hbm>>
    %dma_start3A_22 = arith.constant 104 : i32
    %dma_start3A_23 = tpu.memref_slice %arg12[%dma_start3A_22] : memref<416xf32, #tpu.memory_space<vmem>> -> memref<100xf32, #tpu.memory_space<vmem>>
    %dma_start3A_24 = arith.constant 1788544 : i32
    %dma_start3A_25 = tpu.memref_slice %arg2[%dma_start3A_24] : memref<1929216xf32, #tpu.memory_space<hbm>> -> memref<100xf32, #tpu.memory_space<hbm>>
    tpu.enqueue_dma source(%dma_start3A_25 : memref<100xf32, #tpu.memory_space<hbm>>) target(%dma_start3A_23 : memref<100xf32, #tpu.memory_space<vmem>>) target_semaphore(%arg17 : memref<!tpu.dma_semaphore, #tpu.memory_space<semaphore_mem>>)
    %dma_start3A_26 = arith.constant 208 : i32
    %dma_start3A_27 = tpu.memref_slice %arg12[%dma_start3A_26] : memref<416xf32, #tpu.memory_space<vmem>> -> memref<100xf32, #tpu.memory_space<vmem>>
    %dma_start3A_28 = arith.constant 1808640 : i32
    %dma_start3A_29 = tpu.memref_slice %arg2[%dma_start3A_28] : memref<1929216xf32, #tpu.memory_space<hbm>> -> memref<100xf32, #tpu.memory_space<hbm>>
    %dma_start3A_30 = arith.constant 208 : i32
    %dma_start3A_31 = tpu.memref_slice %arg12[%dma_start3A_30] : memref<416xf32, #tpu.memory_space<vmem>> -> memref<100xf32, #tpu.memory_space<vmem>>
    %dma_start3A_32 = arith.constant 1808640 : i32
    %dma_start3A_33 = tpu.memref_slice %arg2[%dma_start3A_32] : memref<1929216xf32, #tpu.memory_space<hbm>> -> memref<100xf32, #tpu.memory_space<hbm>>
    tpu.enqueue_dma source(%dma_start3A_33 : memref<100xf32, #tpu.memory_space<hbm>>) target(%dma_start3A_31 : memref<100xf32, #tpu.memory_space<vmem>>) target_semaphore(%arg17 : memref<!tpu.dma_semaphore, #tpu.memory_space<semaphore_mem>>)
    %dma_start3A_34 = arith.constant 312 : i32
    %dma_start3A_35 = tpu.memref_slice %arg12[%dma_start3A_34] : memref<416xf32, #tpu.memory_space<vmem>> -> memref<100xf32, #tpu.memory_space<vmem>>
    %dma_start3A_36 = arith.constant 1828736 : i32
    %dma_start3A_37 = tpu.memref_slice %arg2[%dma_start3A_36] : memref<1929216xf32, #tpu.memory_space<hbm>> -> memref<100xf32, #tpu.memory_space<hbm>>
    %dma_start3A_38 = arith.constant 312 : i32
    %dma_start3A_39 = tpu.memref_slice %arg12[%dma_start3A_38] : memref<416xf32, #tpu.memory_space<vmem>> -> memref<100xf32, #tpu.memory_space<vmem>>
    %dma_start3A_40 = arith.constant 1828736 : i32
    %dma_start3A_41 = tpu.memref_slice %arg2[%dma_start3A_40] : memref<1929216xf32, #tpu.memory_space<hbm>> -> memref<100xf32, #tpu.memory_space<hbm>>
    tpu.enqueue_dma source(%dma_start3A_41 : memref<100xf32, #tpu.memory_space<hbm>>) target(%dma_start3A_39 : memref<100xf32, #tpu.memory_space<vmem>>) target_semaphore(%arg17 : memref<!tpu.dma_semaphore, #tpu.memory_space<semaphore_mem>>)
    %mul3A = arith.constant 32 : i32
    %mul3A_42 = arith.muli %arg1, %mul3A : i32
    "tpu.region"() ({
      %run_scoped3A = tpu.sem_alloc : memref<!tpu.dma_semaphore, #tpu.memory_space<semaphore_mem>>
      %dma_start3A_577 = tpu.memref_slice %arg3[%mul3A_42] : memref<512xi32, #tpu.memory_space<hbm>> -> memref<32xi32, #tpu.memory_space<hbm>>
      %dma_start3A_578 = tpu.memref_slice %arg3[%mul3A_42] : memref<512xi32, #tpu.memory_space<hbm>> -> memref<32xi32, #tpu.memory_space<hbm>>
      tpu.enqueue_dma source(%dma_start3A_578 : memref<32xi32, #tpu.memory_space<hbm>>) target(%arg7 : memref<32xi32, #tpu.memory_space<vmem>>) target_semaphore(%run_scoped3A : memref<!tpu.dma_semaphore, #tpu.memory_space<semaphore_mem>>)
      %dma_wait3A_579 = tpu.memref_slice %arg3[%mul3A_42] : memref<512xi32, #tpu.memory_space<hbm>> -> memref<32xi32, #tpu.memory_space<hbm>>
      %dma_wait3A_580 = tpu.memref_slice %arg3[%mul3A_42] : memref<512xi32, #tpu.memory_space<hbm>> -> memref<32xi32, #tpu.memory_space<hbm>>
      tpu.wait_dma2 semaphore(%run_scoped3A : memref<!tpu.dma_semaphore, #tpu.memory_space<semaphore_mem>>) src(%dma_wait3A_580 : memref<32xi32, #tpu.memory_space<hbm>>) dst(%arg7 : memref<32xi32, #tpu.memory_space<vmem>>)
      tpu.yield
    }) : () -> ()
    %get3A = arith.constant 0 : index
    %get3A_43 = tpu.vector_load %arg7[%get3A] {strides = array<i32>} : memref<32xi32, #tpu.memory_space<vmem>>, vector<16xi32>,
    %get3A_44 = arith.constant 16 : index
    %get3A_45 = tpu.vector_load %arg7[%get3A_44] {strides = array<i32>} : memref<32xi32, #tpu.memory_space<vmem>>, vector<16xi32>,
    %add3A = arith.constant 1607680 : i32
    %add3A_46 = vector.broadcast %add3A : i32 to vector<16xi32>
    %add3A_47 = arith.addi %get3A_43, %add3A_46 : vector<16xi32>
    %swap3A = arith.constant 0 : index
    %swap3A_48 = tpu.vector_load %arg8[%swap3A] {strides = array<i32>} : memref<128xi32, #tpu.memory_space<vmem>>, vector<16xi32>,
    tpu.vector_store %arg8[%swap3A], %add3A_47 {strides = array<i32>} : memref<128xi32, #tpu.memory_space<vmem>>, vector<16xi32>,
    %add3A_49 = arith.constant 1607680 : i32
    %add3A_50 = vector.broadcast %add3A_49 : i32 to vector<16xi32>
    %add3A_51 = arith.addi %get3A_45, %add3A_50 : vector<16xi32>
    %swap3A_52 = arith.constant 16 : index
    %swap3A_53 = tpu.vector_load %arg8[%swap3A_52] {strides = array<i32>} : memref<128xi32, #tpu.memory_space<vmem>>, vector<16xi32>,
    tpu.vector_store %arg8[%swap3A_52], %add3A_51 {strides = array<i32>} : memref<128xi32, #tpu.memory_space<vmem>>, vector<16xi32>,
    %add3A_54 = arith.constant 1627776 : i32
    %add3A_55 = vector.broadcast %add3A_54 : i32 to vector<16xi32>
    %add3A_56 = arith.addi %get3A_43, %add3A_55 : vector<16xi32>
    %swap3A_57 = arith.constant 32 : index
    %swap3A_58 = tpu.vector_load %arg8[%swap3A_57] {strides = array<i32>} : memref<128xi32, #tpu.memory_space<vmem>>, vector<16xi32>,
    tpu.vector_store %arg8[%swap3A_57], %add3A_56 {strides = array<i32>} : memref<128xi32, #tpu.memory_space<vmem>>, vector<16xi32>,
    %add3A_59 = arith.constant 1627776 : i32
    %add3A_60 = vector.broadcast %add3A_59 : i32 to vector<16xi32>
    %add3A_61 = arith.addi %get3A_45, %add3A_60 : vector<16xi32>
    %swap3A_62 = arith.constant 48 : index
    %swap3A_63 = tpu.vector_load %arg8[%swap3A_62] {strides = array<i32>} : memref<128xi32, #tpu.memory_space<vmem>>, vector<16xi32>,
    tpu.vector_store %arg8[%swap3A_62], %add3A_61 {strides = array<i32>} : memref<128xi32, #tpu.memory_space<vmem>>, vector<16xi32>,
    %add3A_64 = arith.constant 1647872 : i32
    %add3A_65 = vector.broadcast %add3A_64 : i32 to vector<16xi32>
    %add3A_66 = arith.addi %get3A_43, %add3A_65 : vector<16xi32>
    %swap3A_67 = arith.constant 64 : index
    %swap3A_68 = tpu.vector_load %arg8[%swap3A_67] {strides = array<i32>} : memref<128xi32, #tpu.memory_space<vmem>>, vector<16xi32>,
    tpu.vector_store %arg8[%swap3A_67], %add3A_66 {strides = array<i32>} : memref<128xi32, #tpu.memory_space<vmem>>, vector<16xi32>,
    %add3A_69 = arith.constant 1647872 : i32
    %add3A_70 = vector.broadcast %add3A_69 : i32 to vector<16xi32>
    %add3A_71 = arith.addi %get3A_45, %add3A_70 : vector<16xi32>
    %swap3A_72 = arith.constant 80 : index
    %swap3A_73 = tpu.vector_load %arg8[%swap3A_72] {strides = array<i32>} : memref<128xi32, #tpu.memory_space<vmem>>, vector<16xi32>,
    tpu.vector_store %arg8[%swap3A_72], %add3A_71 {strides = array<i32>} : memref<128xi32, #tpu.memory_space<vmem>>, vector<16xi32>,
    %add3A_74 = arith.constant 1667968 : i32
    %add3A_75 = vector.broadcast %add3A_74 : i32 to vector<16xi32>
    %add3A_76 = arith.addi %get3A_43, %add3A_75 : vector<16xi32>
    %swap3A_77 = arith.constant 96 : index
    %swap3A_78 = tpu.vector_load %arg8[%swap3A_77] {strides = array<i32>} : memref<128xi32, #tpu.memory_space<vmem>>, vector<16xi32>,
    tpu.vector_store %arg8[%swap3A_77], %add3A_76 {strides = array<i32>} : memref<128xi32, #tpu.memory_space<vmem>>, vector<16xi32>,
    %add3A_79 = arith.constant 1667968 : i32
    %add3A_80 = vector.broadcast %add3A_79 : i32 to vector<16xi32>
    %add3A_81 = arith.addi %get3A_45, %add3A_80 : vector<16xi32>
    %swap3A_82 = arith.constant 112 : index
    %swap3A_83 = tpu.vector_load %arg8[%swap3A_82] {strides = array<i32>} : memref<128xi32, #tpu.memory_space<vmem>>, vector<16xi32>,
    tpu.vector_store %arg8[%swap3A_82], %add3A_81 {strides = array<i32>} : memref<128xi32, #tpu.memory_space<vmem>>, vector<16xi32>,
    %dma_start3A_84 = arith.constant 0 : i32
    %dma_start3A_85 = tpu.memref_slice %arg2[%dma_start3A_84] : memref<1929216xf32, #tpu.memory_space<hbm>> -> memref<1929216xf32, #tpu.memory_space<hbm>>
    tpu.enqueue_indirect_dma source(%dma_start3A_85 : memref<1929216xf32, #tpu.memory_space<hbm>>) target(%arg9 : memref<128xf32, #tpu.memory_space<vmem>>) offsets(%arg8 : memref<128xi32, #tpu.memory_space<vmem>>) semaphore(%arg15 : memref<!tpu.dma_semaphore, #tpu.memory_space<semaphore_mem>>)
    %scan3A_86 = arith.constant 0 : i32
    %scan3A_87 = arith.constant 0 : i32
    %scan3A_88 = arith.constant 80 : i32
    %scan3A_89 = arith.addi %scan3A_87, %scan3A_88 : i32
    %scan3A_90 = arith.constant 1 : i32
    scf.for %scan3A_577 = %scan3A_87 to %scan3A_89 step %scan3A_90  : i32 {
      %mul3A_578 = arith.constant 20096 : i32
      %mul3A_579 = arith.muli %scan3A_577, %mul3A_578 : i32
      %add3A_580 = vector.broadcast %mul3A_579 : i32 to vector<16xi32>
      %add3A_581 = arith.addi %get3A_43, %add3A_580 : vector<16xi32>
      %mul3A_582 = arith.constant 32 : i32
      %mul3A_583 = arith.muli %scan3A_577, %mul3A_582 : i32
      %swap3A_584 = arith.index_cast %mul3A_583 : i32 to index
      %swap3A_585 = tpu.vector_load %arg10[%swap3A_584] {strides = array<i32>} : memref<2560xi32, #tpu.memory_space<vmem>>, vector<16xi32>,
      tpu.vector_store %arg10[%swap3A_584], %add3A_581 {strides = array<i32>} : memref<2560xi32, #tpu.memory_space<vmem>>, vector<16xi32>,
      %mul3A_586 = arith.constant 20096 : i32
      %mul3A_587 = arith.muli %scan3A_577, %mul3A_586 : i32
      %add3A_588 = vector.broadcast %mul3A_587 : i32 to vector<16xi32>
      %add3A_589 = arith.addi %get3A_45, %add3A_588 : vector<16xi32>
      %mul3A_590 = arith.constant 32 : i32
      %mul3A_591 = arith.muli %scan3A_577, %mul3A_590 : i32
      %add3A_592 = arith.constant 16 : i32
      %add3A_593 = arith.addi %mul3A_591, %add3A_592 : i32
      %swap3A_594 = arith.index_cast %add3A_593 : i32 to index
      %swap3A_595 = tpu.vector_load %arg10[%swap3A_594] {strides = array<i32>} : memref<2560xi32, #tpu.memory_space<vmem>>, vector<16xi32>,
      tpu.vector_store %arg10[%swap3A_594], %add3A_589 {strides = array<i32>} : memref<2560xi32, #tpu.memory_space<vmem>>, vector<16xi32>,
    }
    %scan3A_91 = arith.constant 80 : i32
    %dma_start3A_92 = arith.constant 0 : i32
    %dma_start3A_93 = tpu.memref_slice %arg11[%dma_start3A_92] : memref<2560xf32, #tpu.memory_space<vmem>> -> memref<128xf32, #tpu.memory_space<vmem>>
    %dma_start3A_94 = arith.constant 0 : i32
    %dma_start3A_95 = tpu.memref_slice %arg10[%dma_start3A_94] : memref<2560xi32, #tpu.memory_space<vmem>> -> memref<128xi32, #tpu.memory_space<vmem>>
    %dma_start3A_96 = arith.constant 0 : i32
    %dma_start3A_97 = tpu.memref_slice %arg2[%dma_start3A_96] : memref<1929216xf32, #tpu.memory_space<hbm>> -> memref<1929216xf32, #tpu.memory_space<hbm>>
    tpu.enqueue_indirect_dma source(%dma_start3A_97 : memref<1929216xf32, #tpu.memory_space<hbm>>) target(%dma_start3A_93 : memref<128xf32, #tpu.memory_space<vmem>>) offsets(%dma_start3A_95 : memref<128xi32, #tpu.memory_space<vmem>>) semaphore(%arg16 : memref<!tpu.dma_semaphore, #tpu.memory_space<semaphore_mem>>)
    %dma_start3A_98 = arith.constant 128 : i32
    %dma_start3A_99 = tpu.memref_slice %arg11[%dma_start3A_98] : memref<2560xf32, #tpu.memory_space<vmem>> -> memref<128xf32, #tpu.memory_space<vmem>>
    %dma_start3A_100 = arith.constant 128 : i32
    %dma_start3A_101 = tpu.memref_slice %arg10[%dma_start3A_100] : memref<2560xi32, #tpu.memory_space<vmem>> -> memref<128xi32, #tpu.memory_space<vmem>>
    %dma_start3A_102 = arith.constant 0 : i32
    %dma_start3A_103 = tpu.memref_slice %arg2[%dma_start3A_102] : memref<1929216xf32, #tpu.memory_space<hbm>> -> memref<1929216xf32, #tpu.memory_space<hbm>>
    tpu.enqueue_indirect_dma source(%dma_start3A_103 : memref<1929216xf32, #tpu.memory_space<hbm>>) target(%dma_start3A_99 : memref<128xf32, #tpu.memory_space<vmem>>) offsets(%dma_start3A_101 : memref<128xi32, #tpu.memory_space<vmem>>) semaphore(%arg16 : memref<!tpu.dma_semaphore, #tpu.memory_space<semaphore_mem>>)
    %dma_start3A_104 = arith.constant 256 : i32
    %dma_start3A_105 = tpu.memref_slice %arg11[%dma_start3A_104] : memref<2560xf32, #tpu.memory_space<vmem>> -> memref<128xf32, #tpu.memory_space<vmem>>
    %dma_start3A_106 = arith.constant 256 : i32
    %dma_start3A_107 = tpu.memref_slice %arg10[%dma_start3A_106] : memref<2560xi32, #tpu.memory_space<vmem>> -> memref<128xi32, #tpu.memory_space<vmem>>
    %dma_start3A_108 = arith.constant 0 : i32
    %dma_start3A_109 = tpu.memref_slice %arg2[%dma_start3A_108] : memref<1929216xf32, #tpu.memory_space<hbm>> -> memref<1929216xf32, #tpu.memory_space<hbm>>
    tpu.enqueue_indirect_dma source(%dma_start3A_109 : memref<1929216xf32, #tpu.memory_space<hbm>>) target(%dma_start3A_105 : memref<128xf32, #tpu.memory_space<vmem>>) offsets(%dma_start3A_107 : memref<128xi32, #tpu.memory_space<vmem>>) semaphore(%arg16 : memref<!tpu.dma_semaphore, #tpu.memory_space<semaphore_mem>>)
    %dma_start3A_110 = arith.constant 384 : i32
    %dma_start3A_111 = tpu.memref_slice %arg11[%dma_start3A_110] : memref<2560xf32, #tpu.memory_space<vmem>> -> memref<128xf32, #tpu.memory_space<vmem>>
    %dma_start3A_112 = arith.constant 384 : i32
    %dma_start3A_113 = tpu.memref_slice %arg10[%dma_start3A_112] : memref<2560xi32, #tpu.memory_space<vmem>> -> memref<128xi32, #tpu.memory_space<vmem>>
    %dma_start3A_114 = arith.constant 0 : i32
    %dma_start3A_115 = tpu.memref_slice %arg2[%dma_start3A_114] : memref<1929216xf32, #tpu.memory_space<hbm>> -> memref<1929216xf32, #tpu.memory_space<hbm>>
    tpu.enqueue_indirect_dma source(%dma_start3A_115 : memref<1929216xf32, #tpu.memory_space<hbm>>) target(%dma_start3A_111 : memref<128xf32, #tpu.memory_space<vmem>>) offsets(%dma_start3A_113 : memref<128xi32, #tpu.memory_space<vmem>>) semaphore(%arg16 : memref<!tpu.dma_semaphore, #tpu.memory_space<semaphore_mem>>)
    %dma_start3A_116 = arith.constant 512 : i32
    %dma_start3A_117 = tpu.memref_slice %arg11[%dma_start3A_116] : memref<2560xf32, #tpu.memory_space<vmem>> -> memref<128xf32, #tpu.memory_space<vmem>>
    %dma_start3A_118 = arith.constant 512 : i32
    %dma_start3A_119 = tpu.memref_slice %arg10[%dma_start3A_118] : memref<2560xi32, #tpu.memory_space<vmem>> -> memref<128xi32, #tpu.memory_space<vmem>>
    %dma_start3A_120 = arith.constant 0 : i32
    %dma_start3A_121 = tpu.memref_slice %arg2[%dma_start3A_120] : memref<1929216xf32, #tpu.memory_space<hbm>> -> memref<1929216xf32, #tpu.memory_space<hbm>>
    tpu.enqueue_indirect_dma source(%dma_start3A_121 : memref<1929216xf32, #tpu.memory_space<hbm>>) target(%dma_start3A_117 : memref<128xf32, #tpu.memory_space<vmem>>) offsets(%dma_start3A_119 : memref<128xi32, #tpu.memory_space<vmem>>) semaphore(%arg16 : memref<!tpu.dma_semaphore, #tpu.memory_space<semaphore_mem>>)
    %dma_start3A_122 = arith.constant 640 : i32
    %dma_start3A_123 = tpu.memref_slice %arg11[%dma_start3A_122] : memref<2560xf32, #tpu.memory_space<vmem>> -> memref<128xf32, #tpu.memory_space<vmem>>
    %dma_start3A_124 = arith.constant 640 : i32
    %dma_start3A_125 = tpu.memref_slice %arg10[%dma_start3A_124] : memref<2560xi32, #tpu.memory_space<vmem>> -> memref<128xi32, #tpu.memory_space<vmem>>
    %dma_start3A_126 = arith.constant 0 : i32
    %dma_start3A_127 = tpu.memref_slice %arg2[%dma_start3A_126] : memref<1929216xf32, #tpu.memory_space<hbm>> -> memref<1929216xf32, #tpu.memory_space<hbm>>
    tpu.enqueue_indirect_dma source(%dma_start3A_127 : memref<1929216xf32, #tpu.memory_space<hbm>>) target(%dma_start3A_123 : memref<128xf32, #tpu.memory_space<vmem>>) offsets(%dma_start3A_125 : memref<128xi32, #tpu.memory_space<vmem>>) semaphore(%arg16 : memref<!tpu.dma_semaphore, #tpu.memory_space<semaphore_mem>>)
    %dma_start3A_128 = arith.constant 768 : i32
    %dma_start3A_129 = tpu.memref_slice %arg11[%dma_start3A_128] : memref<2560xf32, #tpu.memory_space<vmem>> -> memref<128xf32, #tpu.memory_space<vmem>>
    %dma_start3A_130 = arith.constant 768 : i32
    %dma_start3A_131 = tpu.memref_slice %arg10[%dma_start3A_130] : memref<2560xi32, #tpu.memory_space<vmem>> -> memref<128xi32, #tpu.memory_space<vmem>>
    %dma_start3A_132 = arith.constant 0 : i32
    %dma_start3A_133 = tpu.memref_slice %arg2[%dma_start3A_132] : memref<1929216xf32, #tpu.memory_space<hbm>> -> memref<1929216xf32, #tpu.memory_space<hbm>>
    tpu.enqueue_indirect_dma source(%dma_start3A_133 : memref<1929216xf32, #tpu.memory_space<hbm>>) target(%dma_start3A_129 : memref<128xf32, #tpu.memory_space<vmem>>) offsets(%dma_start3A_131 : memref<128xi32, #tpu.memory_space<vmem>>) semaphore(%arg16 : memref<!tpu.dma_semaphore, #tpu.memory_space<semaphore_mem>>)
    %dma_start3A_134 = arith.constant 896 : i32
    %dma_start3A_135 = tpu.memref_slice %arg11[%dma_start3A_134] : memref<2560xf32, #tpu.memory_space<vmem>> -> memref<128xf32, #tpu.memory_space<vmem>>
    %dma_start3A_136 = arith.constant 896 : i32
    %dma_start3A_137 = tpu.memref_slice %arg10[%dma_start3A_136] : memref<2560xi32, #tpu.memory_space<vmem>> -> memref<128xi32, #tpu.memory_space<vmem>>
    %dma_start3A_138 = arith.constant 0 : i32
    %dma_start3A_139 = tpu.memref_slice %arg2[%dma_start3A_138] : memref<1929216xf32, #tpu.memory_space<hbm>> -> memref<1929216xf32, #tpu.memory_space<hbm>>
    tpu.enqueue_indirect_dma source(%dma_start3A_139 : memref<1929216xf32, #tpu.memory_space<hbm>>) target(%dma_start3A_135 : memref<128xf32, #tpu.memory_space<vmem>>) offsets(%dma_start3A_137 : memref<128xi32, #tpu.memory_space<vmem>>) semaphore(%arg16 : memref<!tpu.dma_semaphore, #tpu.memory_space<semaphore_mem>>)
    %dma_start3A_140 = arith.constant 1024 : i32
    %dma_start3A_141 = tpu.memref_slice %arg11[%dma_start3A_140] : memref<2560xf32, #tpu.memory_space<vmem>> -> memref<128xf32, #tpu.memory_space<vmem>>
    %dma_start3A_142 = arith.constant 1024 : i32
    %dma_start3A_143 = tpu.memref_slice %arg10[%dma_start3A_142] : memref<2560xi32, #tpu.memory_space<vmem>> -> memref<128xi32, #tpu.memory_space<vmem>>
    %dma_start3A_144 = arith.constant 0 : i32
    %dma_start3A_145 = tpu.memref_slice %arg2[%dma_start3A_144] : memref<1929216xf32, #tpu.memory_space<hbm>> -> memref<1929216xf32, #tpu.memory_space<hbm>>
    tpu.enqueue_indirect_dma source(%dma_start3A_145 : memref<1929216xf32, #tpu.memory_space<hbm>>) target(%dma_start3A_141 : memref<128xf32, #tpu.memory_space<vmem>>) offsets(%dma_start3A_143 : memref<128xi32, #tpu.memory_space<vmem>>) semaphore(%arg16 : memref<!tpu.dma_semaphore, #tpu.memory_space<semaphore_mem>>)
    %dma_start3A_146 = arith.constant 1152 : i32
    %dma_start3A_147 = tpu.memref_slice %arg11[%dma_start3A_146] : memref<2560xf32, #tpu.memory_space<vmem>> -> memref<128xf32, #tpu.memory_space<vmem>>
    %dma_start3A_148 = arith.constant 1152 : i32
    %dma_start3A_149 = tpu.memref_slice %arg10[%dma_start3A_148] : memref<2560xi32, #tpu.memory_space<vmem>> -> memref<128xi32, #tpu.memory_space<vmem>>
    %dma_start3A_150 = arith.constant 0 : i32
    %dma_start3A_151 = tpu.memref_slice %arg2[%dma_start3A_150] : memref<1929216xf32, #tpu.memory_space<hbm>> -> memref<1929216xf32, #tpu.memory_space<hbm>>
    tpu.enqueue_indirect_dma source(%dma_start3A_151 : memref<1929216xf32, #tpu.memory_space<hbm>>) target(%dma_start3A_147 : memref<128xf32, #tpu.memory_space<vmem>>) offsets(%dma_start3A_149 : memref<128xi32, #tpu.memory_space<vmem>>) semaphore(%arg16 : memref<!tpu.dma_semaphore, #tpu.memory_space<semaphore_mem>>)
    %dma_start3A_152 = arith.constant 1280 : i32
    %dma_start3A_153 = tpu.memref_slice %arg11[%dma_start3A_152] : memref<2560xf32, #tpu.memory_space<vmem>> -> memref<128xf32, #tpu.memory_space<vmem>>
    %dma_start3A_154 = arith.constant 1280 : i32
    %dma_start3A_155 = tpu.memref_slice %arg10[%dma_start3A_154] : memref<2560xi32, #tpu.memory_space<vmem>> -> memref<128xi32, #tpu.memory_space<vmem>>
    %dma_start3A_156 = arith.constant 0 : i32
    %dma_start3A_157 = tpu.memref_slice %arg2[%dma_start3A_156] : memref<1929216xf32, #tpu.memory_space<hbm>> -> memref<1929216xf32, #tpu.memory_space<hbm>>
    tpu.enqueue_indirect_dma source(%dma_start3A_157 : memref<1929216xf32, #tpu.memory_space<hbm>>) target(%dma_start3A_153 : memref<128xf32, #tpu.memory_space<vmem>>) offsets(%dma_start3A_155 : memref<128xi32, #tpu.memory_space<vmem>>) semaphore(%arg16 : memref<!tpu.dma_semaphore, #tpu.memory_space<semaphore_mem>>)
    %dma_start3A_158 = arith.constant 1408 : i32
    %dma_start3A_159 = tpu.memref_slice %arg11[%dma_start3A_158] : memref<2560xf32, #tpu.memory_space<vmem>> -> memref<128xf32, #tpu.memory_space<vmem>>
    %dma_start3A_160 = arith.constant 1408 : i32
    %dma_start3A_161 = tpu.memref_slice %arg10[%dma_start3A_160] : memref<2560xi32, #tpu.memory_space<vmem>> -> memref<128xi32, #tpu.memory_space<vmem>>
    %dma_start3A_162 = arith.constant 0 : i32
    %dma_start3A_163 = tpu.memref_slice %arg2[%dma_start3A_162] : memref<1929216xf32, #tpu.memory_space<hbm>> -> memref<1929216xf32, #tpu.memory_space<hbm>>
    tpu.enqueue_indirect_dma source(%dma_start3A_163 : memref<1929216xf32, #tpu.memory_space<hbm>>) target(%dma_start3A_159 : memref<128xf32, #tpu.memory_space<vmem>>) offsets(%dma_start3A_161 : memref<128xi32, #tpu.memory_space<vmem>>) semaphore(%arg16 : memref<!tpu.dma_semaphore, #tpu.memory_space<semaphore_mem>>)
    %dma_start3A_164 = arith.constant 1536 : i32
    %dma_start3A_165 = tpu.memref_slice %arg11[%dma_start3A_164] : memref<2560xf32, #tpu.memory_space<vmem>> -> memref<128xf32, #tpu.memory_space<vmem>>
    %dma_start3A_166 = arith.constant 1536 : i32
    %dma_start3A_167 = tpu.memref_slice %arg10[%dma_start3A_166] : memref<2560xi32, #tpu.memory_space<vmem>> -> memref<128xi32, #tpu.memory_space<vmem>>
    %dma_start3A_168 = arith.constant 0 : i32
    %dma_start3A_169 = tpu.memref_slice %arg2[%dma_start3A_168] : memref<1929216xf32, #tpu.memory_space<hbm>> -> memref<1929216xf32, #tpu.memory_space<hbm>>
    tpu.enqueue_indirect_dma source(%dma_start3A_169 : memref<1929216xf32, #tpu.memory_space<hbm>>) target(%dma_start3A_165 : memref<128xf32, #tpu.memory_space<vmem>>) offsets(%dma_start3A_167 : memref<128xi32, #tpu.memory_space<vmem>>) semaphore(%arg16 : memref<!tpu.dma_semaphore, #tpu.memory_space<semaphore_mem>>)
    %dma_start3A_170 = arith.constant 1664 : i32
    %dma_start3A_171 = tpu.memref_slice %arg11[%dma_start3A_170] : memref<2560xf32, #tpu.memory_space<vmem>> -> memref<128xf32, #tpu.memory_space<vmem>>
    %dma_start3A_172 = arith.constant 1664 : i32
    %dma_start3A_173 = tpu.memref_slice %arg10[%dma_start3A_172] : memref<2560xi32, #tpu.memory_space<vmem>> -> memref<128xi32, #tpu.memory_space<vmem>>
    %dma_start3A_174 = arith.constant 0 : i32
    %dma_start3A_175 = tpu.memref_slice %arg2[%dma_start3A_174] : memref<1929216xf32, #tpu.memory_space<hbm>> -> memref<1929216xf32, #tpu.memory_space<hbm>>
    tpu.enqueue_indirect_dma source(%dma_start3A_175 : memref<1929216xf32, #tpu.memory_space<hbm>>) target(%dma_start3A_171 : memref<128xf32, #tpu.memory_space<vmem>>) offsets(%dma_start3A_173 : memref<128xi32, #tpu.memory_space<vmem>>) semaphore(%arg16 : memref<!tpu.dma_semaphore, #tpu.memory_space<semaphore_mem>>)
    %dma_start3A_176 = arith.constant 1792 : i32
    %dma_start3A_177 = tpu.memref_slice %arg11[%dma_start3A_176] : memref<2560xf32, #tpu.memory_space<vmem>> -> memref<128xf32, #tpu.memory_space<vmem>>
    %dma_start3A_178 = arith.constant 1792 : i32
    %dma_start3A_179 = tpu.memref_slice %arg10[%dma_start3A_178] : memref<2560xi32, #tpu.memory_space<vmem>> -> memref<128xi32, #tpu.memory_space<vmem>>
    %dma_start3A_180 = arith.constant 0 : i32
    %dma_start3A_181 = tpu.memref_slice %arg2[%dma_start3A_180] : memref<1929216xf32, #tpu.memory_space<hbm>> -> memref<1929216xf32, #tpu.memory_space<hbm>>
    tpu.enqueue_indirect_dma source(%dma_start3A_181 : memref<1929216xf32, #tpu.memory_space<hbm>>) target(%dma_start3A_177 : memref<128xf32, #tpu.memory_space<vmem>>) offsets(%dma_start3A_179 : memref<128xi32, #tpu.memory_space<vmem>>) semaphore(%arg16 : memref<!tpu.dma_semaphore, #tpu.memory_space<semaphore_mem>>)
    %dma_start3A_182 = arith.constant 1920 : i32
    %dma_start3A_183 = tpu.memref_slice %arg11[%dma_start3A_182] : memref<2560xf32, #tpu.memory_space<vmem>> -> memref<128xf32, #tpu.memory_space<vmem>>
    %dma_start3A_184 = arith.constant 1920 : i32
    %dma_start3A_185 = tpu.memref_slice %arg10[%dma_start3A_184] : memref<2560xi32, #tpu.memory_space<vmem>> -> memref<128xi32, #tpu.memory_space<vmem>>
    %dma_start3A_186 = arith.constant 0 : i32
    %dma_start3A_187 = tpu.memref_slice %arg2[%dma_start3A_186] : memref<1929216xf32, #tpu.memory_space<hbm>> -> memref<1929216xf32, #tpu.memory_space<hbm>>
    tpu.enqueue_indirect_dma source(%dma_start3A_187 : memref<1929216xf32, #tpu.memory_space<hbm>>) target(%dma_start3A_183 : memref<128xf32, #tpu.memory_space<vmem>>) offsets(%dma_start3A_185 : memref<128xi32, #tpu.memory_space<vmem>>) semaphore(%arg16 : memref<!tpu.dma_semaphore, #tpu.memory_space<semaphore_mem>>)
    %dma_start3A_188 = arith.constant 2048 : i32
    %dma_start3A_189 = tpu.memref_slice %arg11[%dma_start3A_188] : memref<2560xf32, #tpu.memory_space<vmem>> -> memref<128xf32, #tpu.memory_space<vmem>>
    %dma_start3A_190 = arith.constant 2048 : i32
    %dma_start3A_191 = tpu.memref_slice %arg10[%dma_start3A_190] : memref<2560xi32, #tpu.memory_space<vmem>> -> memref<128xi32, #tpu.memory_space<vmem>>
    %dma_start3A_192 = arith.constant 0 : i32
    %dma_start3A_193 = tpu.memref_slice %arg2[%dma_start3A_192] : memref<1929216xf32, #tpu.memory_space<hbm>> -> memref<1929216xf32, #tpu.memory_space<hbm>>
    tpu.enqueue_indirect_dma source(%dma_start3A_193 : memref<1929216xf32, #tpu.memory_space<hbm>>) target(%dma_start3A_189 : memref<128xf32, #tpu.memory_space<vmem>>) offsets(%dma_start3A_191 : memref<128xi32, #tpu.memory_space<vmem>>) semaphore(%arg16 : memref<!tpu.dma_semaphore, #tpu.memory_space<semaphore_mem>>)
    %dma_start3A_194 = arith.constant 2176 : i32
    %dma_start3A_195 = tpu.memref_slice %arg11[%dma_start3A_194] : memref<2560xf32, #tpu.memory_space<vmem>> -> memref<128xf32, #tpu.memory_space<vmem>>
    %dma_start3A_196 = arith.constant 2176 : i32
    %dma_start3A_197 = tpu.memref_slice %arg10[%dma_start3A_196] : memref<2560xi32, #tpu.memory_space<vmem>> -> memref<128xi32, #tpu.memory_space<vmem>>
    %dma_start3A_198 = arith.constant 0 : i32
    %dma_start3A_199 = tpu.memref_slice %arg2[%dma_start3A_198] : memref<1929216xf32, #tpu.memory_space<hbm>> -> memref<1929216xf32, #tpu.memory_space<hbm>>
    tpu.enqueue_indirect_dma source(%dma_start3A_199 : memref<1929216xf32, #tpu.memory_space<hbm>>) target(%dma_start3A_195 : memref<128xf32, #tpu.memory_space<vmem>>) offsets(%dma_start3A_197 : memref<128xi32, #tpu.memory_space<vmem>>) semaphore(%arg16 : memref<!tpu.dma_semaphore, #tpu.memory_space<semaphore_mem>>)
    %dma_start3A_200 = arith.constant 2304 : i32
    %dma_start3A_201 = tpu.memref_slice %arg11[%dma_start3A_200] : memref<2560xf32, #tpu.memory_space<vmem>> -> memref<128xf32, #tpu.memory_space<vmem>>
    %dma_start3A_202 = arith.constant 2304 : i32
    %dma_start3A_203 = tpu.memref_slice %arg10[%dma_start3A_202] : memref<2560xi32, #tpu.memory_space<vmem>> -> memref<128xi32, #tpu.memory_space<vmem>>
    %dma_start3A_204 = arith.constant 0 : i32
    %dma_start3A_205 = tpu.memref_slice %arg2[%dma_start3A_204] : memref<1929216xf32, #tpu.memory_space<hbm>> -> memref<1929216xf32, #tpu.memory_space<hbm>>
    tpu.enqueue_indirect_dma source(%dma_start3A_205 : memref<1929216xf32, #tpu.memory_space<hbm>>) target(%dma_start3A_201 : memref<128xf32, #tpu.memory_space<vmem>>) offsets(%dma_start3A_203 : memref<128xi32, #tpu.memory_space<vmem>>) semaphore(%arg16 : memref<!tpu.dma_semaphore, #tpu.memory_space<semaphore_mem>>)
    %dma_start3A_206 = arith.constant 2432 : i32
    %dma_start3A_207 = tpu.memref_slice %arg11[%dma_start3A_206] : memref<2560xf32, #tpu.memory_space<vmem>> -> memref<128xf32, #tpu.memory_space<vmem>>
    %dma_start3A_208 = arith.constant 2432 : i32
    %dma_start3A_209 = tpu.memref_slice %arg10[%dma_start3A_208] : memref<2560xi32, #tpu.memory_space<vmem>> -> memref<128xi32, #tpu.memory_space<vmem>>
    %dma_start3A_210 = arith.constant 0 : i32
    %dma_start3A_211 = tpu.memref_slice %arg2[%dma_start3A_210] : memref<1929216xf32, #tpu.memory_space<hbm>> -> memref<1929216xf32, #tpu.memory_space<hbm>>
    tpu.enqueue_indirect_dma source(%dma_start3A_211 : memref<1929216xf32, #tpu.memory_space<hbm>>) target(%dma_start3A_207 : memref<128xf32, #tpu.memory_space<vmem>>) offsets(%dma_start3A_209 : memref<128xi32, #tpu.memory_space<vmem>>) semaphore(%arg16 : memref<!tpu.dma_semaphore, #tpu.memory_space<semaphore_mem>>)
    tpu.wait_dma2 semaphore(%arg17 : memref<!tpu.dma_semaphore, #tpu.memory_space<semaphore_mem>>) src(%arg4 : memref<100xi32, #tpu.memory_space<hbm>>) dst(%arg13 : memref<100xi32, #tpu.memory_space<vmem>>)
    %dma_wait3A = arith.constant 0 : i32
    %dma_wait3A_212 = tpu.memref_slice %arg12[%dma_wait3A] : memref<416xf32, #tpu.memory_space<vmem>> -> memref<100xf32, #tpu.memory_space<vmem>>
    %dma_wait3A_213 = arith.constant 1768448 : i32
    %dma_wait3A_214 = tpu.memref_slice %arg2[%dma_wait3A_213] : memref<1929216xf32, #tpu.memory_space<hbm>> -> memref<100xf32, #tpu.memory_space<hbm>>
    %dma_wait3A_215 = arith.constant 0 : i32
    %dma_wait3A_216 = tpu.memref_slice %arg12[%dma_wait3A_215] : memref<416xf32, #tpu.memory_space<vmem>> -> memref<100xf32, #tpu.memory_space<vmem>>
    %dma_wait3A_217 = arith.constant 1768448 : i32
    %dma_wait3A_218 = tpu.memref_slice %arg2[%dma_wait3A_217] : memref<1929216xf32, #tpu.memory_space<hbm>> -> memref<100xf32, #tpu.memory_space<hbm>>
    tpu.wait_dma2 semaphore(%arg17 : memref<!tpu.dma_semaphore, #tpu.memory_space<semaphore_mem>>) src(%dma_wait3A_218 : memref<100xf32, #tpu.memory_space<hbm>>) dst(%dma_wait3A_216 : memref<100xf32, #tpu.memory_space<vmem>>)
    %dma_wait3A_219 = arith.constant 104 : i32
    %dma_wait3A_220 = tpu.memref_slice %arg12[%dma_wait3A_219] : memref<416xf32, #tpu.memory_space<vmem>> -> memref<100xf32, #tpu.memory_space<vmem>>
    %dma_wait3A_221 = arith.constant 1788544 : i32
    %dma_wait3A_222 = tpu.memref_slice %arg2[%dma_wait3A_221] : memref<1929216xf32, #tpu.memory_space<hbm>> -> memref<100xf32, #tpu.memory_space<hbm>>
    %dma_wait3A_223 = arith.constant 104 : i32
    %dma_wait3A_224 = tpu.memref_slice %arg12[%dma_wait3A_223] : memref<416xf32, #tpu.memory_space<vmem>> -> memref<100xf32, #tpu.memory_space<vmem>>
    %dma_wait3A_225 = arith.constant 1788544 : i32
    %dma_wait3A_226 = tpu.memref_slice %arg2[%dma_wait3A_225] : memref<1929216xf32, #tpu.memory_space<hbm>> -> memref<100xf32, #tpu.memory_space<hbm>>
    tpu.wait_dma2 semaphore(%arg17 : memref<!tpu.dma_semaphore, #tpu.memory_space<semaphore_mem>>) src(%dma_wait3A_226 : memref<100xf32, #tpu.memory_space<hbm>>) dst(%dma_wait3A_224 : memref<100xf32, #tpu.memory_space<vmem>>)
    %dma_wait3A_227 = arith.constant 208 : i32
    %dma_wait3A_228 = tpu.memref_slice %arg12[%dma_wait3A_227] : memref<416xf32, #tpu.memory_space<vmem>> -> memref<100xf32, #tpu.memory_space<vmem>>
    %dma_wait3A_229 = arith.constant 1808640 : i32
    %dma_wait3A_230 = tpu.memref_slice %arg2[%dma_wait3A_229] : memref<1929216xf32, #tpu.memory_space<hbm>> -> memref<100xf32, #tpu.memory_space<hbm>>
    %dma_wait3A_231 = arith.constant 208 : i32
    %dma_wait3A_232 = tpu.memref_slice %arg12[%dma_wait3A_231] : memref<416xf32, #tpu.memory_space<vmem>> -> memref<100xf32, #tpu.memory_space<vmem>>
    %dma_wait3A_233 = arith.constant 1808640 : i32
    %dma_wait3A_234 = tpu.memref_slice %arg2[%dma_wait3A_233] : memref<1929216xf32, #tpu.memory_space<hbm>> -> memref<100xf32, #tpu.memory_space<hbm>>
    tpu.wait_dma2 semaphore(%arg17 : memref<!tpu.dma_semaphore, #tpu.memory_space<semaphore_mem>>) src(%dma_wait3A_234 : memref<100xf32, #tpu.memory_space<hbm>>) dst(%dma_wait3A_232 : memref<100xf32, #tpu.memory_space<vmem>>)
    %dma_wait3A_235 = arith.constant 312 : i32
    %dma_wait3A_236 = tpu.memref_slice %arg12[%dma_wait3A_235] : memref<416xf32, #tpu.memory_space<vmem>> -> memref<100xf32, #tpu.memory_space<vmem>>
    %dma_wait3A_237 = arith.constant 1828736 : i32
    %dma_wait3A_238 = tpu.memref_slice %arg2[%dma_wait3A_237] : memref<1929216xf32, #tpu.memory_space<hbm>> -> memref<100xf32, #tpu.memory_space<hbm>>
    %dma_wait3A_239 = arith.constant 312 : i32
    %dma_wait3A_240 = tpu.memref_slice %arg12[%dma_wait3A_239] : memref<416xf32, #tpu.memory_space<vmem>> -> memref<100xf32, #tpu.memory_space<vmem>>
    %dma_wait3A_241 = arith.constant 1828736 : i32
    %dma_wait3A_242 = tpu.memref_slice %arg2[%dma_wait3A_241] : memref<1929216xf32, #tpu.memory_space<hbm>> -> memref<100xf32, #tpu.memory_space<hbm>>
    tpu.wait_dma2 semaphore(%arg17 : memref<!tpu.dma_semaphore, #tpu.memory_space<semaphore_mem>>) src(%dma_wait3A_242 : memref<100xf32, #tpu.memory_space<hbm>>) dst(%dma_wait3A_240 : memref<100xf32, #tpu.memory_space<vmem>>)
    %dma_wait3A_243 = arith.constant 0 : i32
    %dma_wait3A_244 = tpu.memref_slice %arg2[%dma_wait3A_243] : memref<1929216xf32, #tpu.memory_space<hbm>> -> memref<1929216xf32, #tpu.memory_space<hbm>>
    tpu.wait_indirect_dma semaphore(%arg15 : memref<!tpu.dma_semaphore, #tpu.memory_space<semaphore_mem>>) src(%dma_wait3A_244 : memref<1929216xf32, #tpu.memory_space<hbm>>) dst(%arg9 : memref<128xf32, #tpu.memory_space<vmem>>)
    %dma_wait3A_245 = arith.constant 0 : i32
    %dma_wait3A_246 = tpu.memref_slice %arg11[%dma_wait3A_245] : memref<2560xf32, #tpu.memory_space<vmem>> -> memref<128xf32, #tpu.memory_space<vmem>>
    %dma_wait3A_247 = arith.constant 0 : i32
    %dma_wait3A_248 = tpu.memref_slice %arg10[%dma_wait3A_247] : memref<2560xi32, #tpu.memory_space<vmem>> -> memref<128xi32, #tpu.memory_space<vmem>>
    %dma_wait3A_249 = arith.constant 0 : i32
    %dma_wait3A_250 = tpu.memref_slice %arg2[%dma_wait3A_249] : memref<1929216xf32, #tpu.memory_space<hbm>> -> memref<1929216xf32, #tpu.memory_space<hbm>>
    tpu.wait_indirect_dma semaphore(%arg16 : memref<!tpu.dma_semaphore, #tpu.memory_space<semaphore_mem>>) src(%dma_wait3A_250 : memref<1929216xf32, #tpu.memory_space<hbm>>) dst(%dma_wait3A_246 : memref<128xf32, #tpu.memory_space<vmem>>)
    %dma_wait3A_251 = arith.constant 128 : i32
    %dma_wait3A_252 = tpu.memref_slice %arg11[%dma_wait3A_251] : memref<2560xf32, #tpu.memory_space<vmem>> -> memref<128xf32, #tpu.memory_space<vmem>>
    %dma_wait3A_253 = arith.constant 128 : i32
    %dma_wait3A_254 = tpu.memref_slice %arg10[%dma_wait3A_253] : memref<2560xi32, #tpu.memory_space<vmem>> -> memref<128xi32, #tpu.memory_space<vmem>>
    %dma_wait3A_255 = arith.constant 0 : i32
    %dma_wait3A_256 = tpu.memref_slice %arg2[%dma_wait3A_255] : memref<1929216xf32, #tpu.memory_space<hbm>> -> memref<1929216xf32, #tpu.memory_space<hbm>>
    tpu.wait_indirect_dma semaphore(%arg16 : memref<!tpu.dma_semaphore, #tpu.memory_space<semaphore_mem>>) src(%dma_wait3A_256 : memref<1929216xf32, #tpu.memory_space<hbm>>) dst(%dma_wait3A_252 : memref<128xf32, #tpu.memory_space<vmem>>)
    %dma_wait3A_257 = arith.constant 256 : i32
    %dma_wait3A_258 = tpu.memref_slice %arg11[%dma_wait3A_257] : memref<2560xf32, #tpu.memory_space<vmem>> -> memref<128xf32, #tpu.memory_space<vmem>>
    %dma_wait3A_259 = arith.constant 256 : i32
    %dma_wait3A_260 = tpu.memref_slice %arg10[%dma_wait3A_259] : memref<2560xi32, #tpu.memory_space<vmem>> -> memref<128xi32, #tpu.memory_space<vmem>>
    %dma_wait3A_261 = arith.constant 0 : i32
    %dma_wait3A_262 = tpu.memref_slice %arg2[%dma_wait3A_261] : memref<1929216xf32, #tpu.memory_space<hbm>> -> memref<1929216xf32, #tpu.memory_space<hbm>>
    tpu.wait_indirect_dma semaphore(%arg16 : memref<!tpu.dma_semaphore, #tpu.memory_space<semaphore_mem>>) src(%dma_wait3A_262 : memref<1929216xf32, #tpu.memory_space<hbm>>) dst(%dma_wait3A_258 : memref<128xf32, #tpu.memory_space<vmem>>)
    %dma_wait3A_263 = arith.constant 384 : i32
    %dma_wait3A_264 = tpu.memref_slice %arg11[%dma_wait3A_263] : memref<2560xf32, #tpu.memory_space<vmem>> -> memref<128xf32, #tpu.memory_space<vmem>>
    %dma_wait3A_265 = arith.constant 384 : i32
    %dma_wait3A_266 = tpu.memref_slice %arg10[%dma_wait3A_265] : memref<2560xi32, #tpu.memory_space<vmem>> -> memref<128xi32, #tpu.memory_space<vmem>>
    %dma_wait3A_267 = arith.constant 0 : i32
    %dma_wait3A_268 = tpu.memref_slice %arg2[%dma_wait3A_267] : memref<1929216xf32, #tpu.memory_space<hbm>> -> memref<1929216xf32, #tpu.memory_space<hbm>>
    tpu.wait_indirect_dma semaphore(%arg16 : memref<!tpu.dma_semaphore, #tpu.memory_space<semaphore_mem>>) src(%dma_wait3A_268 : memref<1929216xf32, #tpu.memory_space<hbm>>) dst(%dma_wait3A_264 : memref<128xf32, #tpu.memory_space<vmem>>)
    %dma_wait3A_269 = arith.constant 512 : i32
    %dma_wait3A_270 = tpu.memref_slice %arg11[%dma_wait3A_269] : memref<2560xf32, #tpu.memory_space<vmem>> -> memref<128xf32, #tpu.memory_space<vmem>>
    %dma_wait3A_271 = arith.constant 512 : i32
    %dma_wait3A_272 = tpu.memref_slice %arg10[%dma_wait3A_271] : memref<2560xi32, #tpu.memory_space<vmem>> -> memref<128xi32, #tpu.memory_space<vmem>>
    %dma_wait3A_273 = arith.constant 0 : i32
    %dma_wait3A_274 = tpu.memref_slice %arg2[%dma_wait3A_273] : memref<1929216xf32, #tpu.memory_space<hbm>> -> memref<1929216xf32, #tpu.memory_space<hbm>>
    tpu.wait_indirect_dma semaphore(%arg16 : memref<!tpu.dma_semaphore, #tpu.memory_space<semaphore_mem>>) src(%dma_wait3A_274 : memref<1929216xf32, #tpu.memory_space<hbm>>) dst(%dma_wait3A_270 : memref<128xf32, #tpu.memory_space<vmem>>)
    %dma_wait3A_275 = arith.constant 640 : i32
    %dma_wait3A_276 = tpu.memref_slice %arg11[%dma_wait3A_275] : memref<2560xf32, #tpu.memory_space<vmem>> -> memref<128xf32, #tpu.memory_space<vmem>>
    %dma_wait3A_277 = arith.constant 640 : i32
    %dma_wait3A_278 = tpu.memref_slice %arg10[%dma_wait3A_277] : memref<2560xi32, #tpu.memory_space<vmem>> -> memref<128xi32, #tpu.memory_space<vmem>>
    %dma_wait3A_279 = arith.constant 0 : i32
    %dma_wait3A_280 = tpu.memref_slice %arg2[%dma_wait3A_279] : memref<1929216xf32, #tpu.memory_space<hbm>> -> memref<1929216xf32, #tpu.memory_space<hbm>>
    tpu.wait_indirect_dma semaphore(%arg16 : memref<!tpu.dma_semaphore, #tpu.memory_space<semaphore_mem>>) src(%dma_wait3A_280 : memref<1929216xf32, #tpu.memory_space<hbm>>) dst(%dma_wait3A_276 : memref<128xf32, #tpu.memory_space<vmem>>)
    %dma_wait3A_281 = arith.constant 768 : i32
    %dma_wait3A_282 = tpu.memref_slice %arg11[%dma_wait3A_281] : memref<2560xf32, #tpu.memory_space<vmem>> -> memref<128xf32, #tpu.memory_space<vmem>>
    %dma_wait3A_283 = arith.constant 768 : i32
    %dma_wait3A_284 = tpu.memref_slice %arg10[%dma_wait3A_283] : memref<2560xi32, #tpu.memory_space<vmem>> -> memref<128xi32, #tpu.memory_space<vmem>>
    %dma_wait3A_285 = arith.constant 0 : i32
    %dma_wait3A_286 = tpu.memref_slice %arg2[%dma_wait3A_285] : memref<1929216xf32, #tpu.memory_space<hbm>> -> memref<1929216xf32, #tpu.memory_space<hbm>>
    tpu.wait_indirect_dma semaphore(%arg16 : memref<!tpu.dma_semaphore, #tpu.memory_space<semaphore_mem>>) src(%dma_wait3A_286 : memref<1929216xf32, #tpu.memory_space<hbm>>) dst(%dma_wait3A_282 : memref<128xf32, #tpu.memory_space<vmem>>)
    %dma_wait3A_287 = arith.constant 896 : i32
    %dma_wait3A_288 = tpu.memref_slice %arg11[%dma_wait3A_287] : memref<2560xf32, #tpu.memory_space<vmem>> -> memref<128xf32, #tpu.memory_space<vmem>>
    %dma_wait3A_289 = arith.constant 896 : i32
    %dma_wait3A_290 = tpu.memref_slice %arg10[%dma_wait3A_289] : memref<2560xi32, #tpu.memory_space<vmem>> -> memref<128xi32, #tpu.memory_space<vmem>>
    %dma_wait3A_291 = arith.constant 0 : i32
    %dma_wait3A_292 = tpu.memref_slice %arg2[%dma_wait3A_291] : memref<1929216xf32, #tpu.memory_space<hbm>> -> memref<1929216xf32, #tpu.memory_space<hbm>>
    tpu.wait_indirect_dma semaphore(%arg16 : memref<!tpu.dma_semaphore, #tpu.memory_space<semaphore_mem>>) src(%dma_wait3A_292 : memref<1929216xf32, #tpu.memory_space<hbm>>) dst(%dma_wait3A_288 : memref<128xf32, #tpu.memory_space<vmem>>)
    %dma_wait3A_293 = arith.constant 1024 : i32
    %dma_wait3A_294 = tpu.memref_slice %arg11[%dma_wait3A_293] : memref<2560xf32, #tpu.memory_space<vmem>> -> memref<128xf32, #tpu.memory_space<vmem>>
    %dma_wait3A_295 = arith.constant 1024 : i32
    %dma_wait3A_296 = tpu.memref_slice %arg10[%dma_wait3A_295] : memref<2560xi32, #tpu.memory_space<vmem>> -> memref<128xi32, #tpu.memory_space<vmem>>
    %dma_wait3A_297 = arith.constant 0 : i32
    %dma_wait3A_298 = tpu.memref_slice %arg2[%dma_wait3A_297] : memref<1929216xf32, #tpu.memory_space<hbm>> -> memref<1929216xf32, #tpu.memory_space<hbm>>
    tpu.wait_indirect_dma semaphore(%arg16 : memref<!tpu.dma_semaphore, #tpu.memory_space<semaphore_mem>>) src(%dma_wait3A_298 : memref<1929216xf32, #tpu.memory_space<hbm>>) dst(%dma_wait3A_294 : memref<128xf32, #tpu.memory_space<vmem>>)
    %dma_wait3A_299 = arith.constant 1152 : i32
    %dma_wait3A_300 = tpu.memref_slice %arg11[%dma_wait3A_299] : memref<2560xf32, #tpu.memory_space<vmem>> -> memref<128xf32, #tpu.memory_space<vmem>>
    %dma_wait3A_301 = arith.constant 1152 : i32
    %dma_wait3A_302 = tpu.memref_slice %arg10[%dma_wait3A_301] : memref<2560xi32, #tpu.memory_space<vmem>> -> memref<128xi32, #tpu.memory_space<vmem>>
    %dma_wait3A_303 = arith.constant 0 : i32
    %dma_wait3A_304 = tpu.memref_slice %arg2[%dma_wait3A_303] : memref<1929216xf32, #tpu.memory_space<hbm>> -> memref<1929216xf32, #tpu.memory_space<hbm>>
    tpu.wait_indirect_dma semaphore(%arg16 : memref<!tpu.dma_semaphore, #tpu.memory_space<semaphore_mem>>) src(%dma_wait3A_304 : memref<1929216xf32, #tpu.memory_space<hbm>>) dst(%dma_wait3A_300 : memref<128xf32, #tpu.memory_space<vmem>>)
    %dma_wait3A_305 = arith.constant 1280 : i32
    %dma_wait3A_306 = tpu.memref_slice %arg11[%dma_wait3A_305] : memref<2560xf32, #tpu.memory_space<vmem>> -> memref<128xf32, #tpu.memory_space<vmem>>
    %dma_wait3A_307 = arith.constant 1280 : i32
    %dma_wait3A_308 = tpu.memref_slice %arg10[%dma_wait3A_307] : memref<2560xi32, #tpu.memory_space<vmem>> -> memref<128xi32, #tpu.memory_space<vmem>>
    %dma_wait3A_309 = arith.constant 0 : i32
    %dma_wait3A_310 = tpu.memref_slice %arg2[%dma_wait3A_309] : memref<1929216xf32, #tpu.memory_space<hbm>> -> memref<1929216xf32, #tpu.memory_space<hbm>>
    tpu.wait_indirect_dma semaphore(%arg16 : memref<!tpu.dma_semaphore, #tpu.memory_space<semaphore_mem>>) src(%dma_wait3A_310 : memref<1929216xf32, #tpu.memory_space<hbm>>) dst(%dma_wait3A_306 : memref<128xf32, #tpu.memory_space<vmem>>)
    %dma_wait3A_311 = arith.constant 1408 : i32
    %dma_wait3A_312 = tpu.memref_slice %arg11[%dma_wait3A_311] : memref<2560xf32, #tpu.memory_space<vmem>> -> memref<128xf32, #tpu.memory_space<vmem>>
    %dma_wait3A_313 = arith.constant 1408 : i32
    %dma_wait3A_314 = tpu.memref_slice %arg10[%dma_wait3A_313] : memref<2560xi32, #tpu.memory_space<vmem>> -> memref<128xi32, #tpu.memory_space<vmem>>
    %dma_wait3A_315 = arith.constant 0 : i32
    %dma_wait3A_316 = tpu.memref_slice %arg2[%dma_wait3A_315] : memref<1929216xf32, #tpu.memory_space<hbm>> -> memref<1929216xf32, #tpu.memory_space<hbm>>
    tpu.wait_indirect_dma semaphore(%arg16 : memref<!tpu.dma_semaphore, #tpu.memory_space<semaphore_mem>>) src(%dma_wait3A_316 : memref<1929216xf32, #tpu.memory_space<hbm>>) dst(%dma_wait3A_312 : memref<128xf32, #tpu.memory_space<vmem>>)
    %dma_wait3A_317 = arith.constant 1536 : i32
    %dma_wait3A_318 = tpu.memref_slice %arg11[%dma_wait3A_317] : memref<2560xf32, #tpu.memory_space<vmem>> -> memref<128xf32, #tpu.memory_space<vmem>>
    %dma_wait3A_319 = arith.constant 1536 : i32
    %dma_wait3A_320 = tpu.memref_slice %arg10[%dma_wait3A_319] : memref<2560xi32, #tpu.memory_space<vmem>> -> memref<128xi32, #tpu.memory_space<vmem>>
    %dma_wait3A_321 = arith.constant 0 : i32
    %dma_wait3A_322 = tpu.memref_slice %arg2[%dma_wait3A_321] : memref<1929216xf32, #tpu.memory_space<hbm>> -> memref<1929216xf32, #tpu.memory_space<hbm>>
    tpu.wait_indirect_dma semaphore(%arg16 : memref<!tpu.dma_semaphore, #tpu.memory_space<semaphore_mem>>) src(%dma_wait3A_322 : memref<1929216xf32, #tpu.memory_space<hbm>>) dst(%dma_wait3A_318 : memref<128xf32, #tpu.memory_space<vmem>>)
    %dma_wait3A_323 = arith.constant 1664 : i32
    %dma_wait3A_324 = tpu.memref_slice %arg11[%dma_wait3A_323] : memref<2560xf32, #tpu.memory_space<vmem>> -> memref<128xf32, #tpu.memory_space<vmem>>
    %dma_wait3A_325 = arith.constant 1664 : i32
    %dma_wait3A_326 = tpu.memref_slice %arg10[%dma_wait3A_325] : memref<2560xi32, #tpu.memory_space<vmem>> -> memref<128xi32, #tpu.memory_space<vmem>>
    %dma_wait3A_327 = arith.constant 0 : i32
    %dma_wait3A_328 = tpu.memref_slice %arg2[%dma_wait3A_327] : memref<1929216xf32, #tpu.memory_space<hbm>> -> memref<1929216xf32, #tpu.memory_space<hbm>>
    tpu.wait_indirect_dma semaphore(%arg16 : memref<!tpu.dma_semaphore, #tpu.memory_space<semaphore_mem>>) src(%dma_wait3A_328 : memref<1929216xf32, #tpu.memory_space<hbm>>) dst(%dma_wait3A_324 : memref<128xf32, #tpu.memory_space<vmem>>)
    %dma_wait3A_329 = arith.constant 1792 : i32
    %dma_wait3A_330 = tpu.memref_slice %arg11[%dma_wait3A_329] : memref<2560xf32, #tpu.memory_space<vmem>> -> memref<128xf32, #tpu.memory_space<vmem>>
    %dma_wait3A_331 = arith.constant 1792 : i32
    %dma_wait3A_332 = tpu.memref_slice %arg10[%dma_wait3A_331] : memref<2560xi32, #tpu.memory_space<vmem>> -> memref<128xi32, #tpu.memory_space<vmem>>
    %dma_wait3A_333 = arith.constant 0 : i32
    %dma_wait3A_334 = tpu.memref_slice %arg2[%dma_wait3A_333] : memref<1929216xf32, #tpu.memory_space<hbm>> -> memref<1929216xf32, #tpu.memory_space<hbm>>
    tpu.wait_indirect_dma semaphore(%arg16 : memref<!tpu.dma_semaphore, #tpu.memory_space<semaphore_mem>>) src(%dma_wait3A_334 : memref<1929216xf32, #tpu.memory_space<hbm>>) dst(%dma_wait3A_330 : memref<128xf32, #tpu.memory_space<vmem>>)
    %dma_wait3A_335 = arith.constant 1920 : i32
    %dma_wait3A_336 = tpu.memref_slice %arg11[%dma_wait3A_335] : memref<2560xf32, #tpu.memory_space<vmem>> -> memref<128xf32, #tpu.memory_space<vmem>>
    %dma_wait3A_337 = arith.constant 1920 : i32
    %dma_wait3A_338 = tpu.memref_slice %arg10[%dma_wait3A_337] : memref<2560xi32, #tpu.memory_space<vmem>> -> memref<128xi32, #tpu.memory_space<vmem>>
    %dma_wait3A_339 = arith.constant 0 : i32
    %dma_wait3A_340 = tpu.memref_slice %arg2[%dma_wait3A_339] : memref<1929216xf32, #tpu.memory_space<hbm>> -> memref<1929216xf32, #tpu.memory_space<hbm>>
    tpu.wait_indirect_dma semaphore(%arg16 : memref<!tpu.dma_semaphore, #tpu.memory_space<semaphore_mem>>) src(%dma_wait3A_340 : memref<1929216xf32, #tpu.memory_space<hbm>>) dst(%dma_wait3A_336 : memref<128xf32, #tpu.memory_space<vmem>>)
    %dma_wait3A_341 = arith.constant 2048 : i32
    %dma_wait3A_342 = tpu.memref_slice %arg11[%dma_wait3A_341] : memref<2560xf32, #tpu.memory_space<vmem>> -> memref<128xf32, #tpu.memory_space<vmem>>
    %dma_wait3A_343 = arith.constant 2048 : i32
    %dma_wait3A_344 = tpu.memref_slice %arg10[%dma_wait3A_343] : memref<2560xi32, #tpu.memory_space<vmem>> -> memref<128xi32, #tpu.memory_space<vmem>>
    %dma_wait3A_345 = arith.constant 0 : i32
    %dma_wait3A_346 = tpu.memref_slice %arg2[%dma_wait3A_345] : memref<1929216xf32, #tpu.memory_space<hbm>> -> memref<1929216xf32, #tpu.memory_space<hbm>>
    tpu.wait_indirect_dma semaphore(%arg16 : memref<!tpu.dma_semaphore, #tpu.memory_space<semaphore_mem>>) src(%dma_wait3A_346 : memref<1929216xf32, #tpu.memory_space<hbm>>) dst(%dma_wait3A_342 : memref<128xf32, #tpu.memory_space<vmem>>)
    %dma_wait3A_347 = arith.constant 2176 : i32
    %dma_wait3A_348 = tpu.memref_slice %arg11[%dma_wait3A_347] : memref<2560xf32, #tpu.memory_space<vmem>> -> memref<128xf32, #tpu.memory_space<vmem>>
    %dma_wait3A_349 = arith.constant 2176 : i32
    %dma_wait3A_350 = tpu.memref_slice %arg10[%dma_wait3A_349] : memref<2560xi32, #tpu.memory_space<vmem>> -> memref<128xi32, #tpu.memory_space<vmem>>
    %dma_wait3A_351 = arith.constant 0 : i32
    %dma_wait3A_352 = tpu.memref_slice %arg2[%dma_wait3A_351] : memref<1929216xf32, #tpu.memory_space<hbm>> -> memref<1929216xf32, #tpu.memory_space<hbm>>
    tpu.wait_indirect_dma semaphore(%arg16 : memref<!tpu.dma_semaphore, #tpu.memory_space<semaphore_mem>>) src(%dma_wait3A_352 : memref<1929216xf32, #tpu.memory_space<hbm>>) dst(%dma_wait3A_348 : memref<128xf32, #tpu.memory_space<vmem>>)
    %dma_wait3A_353 = arith.constant 2304 : i32
    %dma_wait3A_354 = tpu.memref_slice %arg11[%dma_wait3A_353] : memref<2560xf32, #tpu.memory_space<vmem>> -> memref<128xf32, #tpu.memory_space<vmem>>
    %dma_wait3A_355 = arith.constant 2304 : i32
    %dma_wait3A_356 = tpu.memref_slice %arg10[%dma_wait3A_355] : memref<2560xi32, #tpu.memory_space<vmem>> -> memref<128xi32, #tpu.memory_space<vmem>>
    %dma_wait3A_357 = arith.constant 0 : i32
    %dma_wait3A_358 = tpu.memref_slice %arg2[%dma_wait3A_357] : memref<1929216xf32, #tpu.memory_space<hbm>> -> memref<1929216xf32, #tpu.memory_space<hbm>>
    tpu.wait_indirect_dma semaphore(%arg16 : memref<!tpu.dma_semaphore, #tpu.memory_space<semaphore_mem>>) src(%dma_wait3A_358 : memref<1929216xf32, #tpu.memory_space<hbm>>) dst(%dma_wait3A_354 : memref<128xf32, #tpu.memory_space<vmem>>)
    %dma_wait3A_359 = arith.constant 2432 : i32
    %dma_wait3A_360 = tpu.memref_slice %arg11[%dma_wait3A_359] : memref<2560xf32, #tpu.memory_space<vmem>> -> memref<128xf32, #tpu.memory_space<vmem>>
    %dma_wait3A_361 = arith.constant 2432 : i32
    %dma_wait3A_362 = tpu.memref_slice %arg10[%dma_wait3A_361] : memref<2560xi32, #tpu.memory_space<vmem>> -> memref<128xi32, #tpu.memory_space<vmem>>
    %dma_wait3A_363 = arith.constant 0 : i32
    %dma_wait3A_364 = tpu.memref_slice %arg2[%dma_wait3A_363] : memref<1929216xf32, #tpu.memory_space<hbm>> -> memref<1929216xf32, #tpu.memory_space<hbm>>
    tpu.wait_indirect_dma semaphore(%arg16 : memref<!tpu.dma_semaphore, #tpu.memory_space<semaphore_mem>>) src(%dma_wait3A_364 : memref<1929216xf32, #tpu.memory_space<hbm>>) dst(%dma_wait3A_360 : memref<128xf32, #tpu.memory_space<vmem>>)
    %iota3A = tpu.iota {dimensions = array<i32: 0>} : vector<16xi32>
    %broadcast_in_dim3A = arith.constant 0 : i32
    %broadcast_in_dim3A_365 = vector.broadcast %broadcast_in_dim3A : i32 to vector<16xi32>
    %get3A_366 = arith.constant 0 : index
    %get3A_367 = tpu.vector_load %arg9[%get3A_366] {strides = array<i32>} : memref<128xf32, #tpu.memory_space<vmem>>, vector<16xf32>,
    %get3A_368 = arith.constant 32 : index
    %get3A_369 = tpu.vector_load %arg9[%get3A_368] {strides = array<i32>} : memref<128xf32, #tpu.memory_space<vmem>>, vector<16xf32>,
    %get3A_370 = arith.constant 64 : index
    %get3A_371 = tpu.vector_load %arg9[%get3A_370] {strides = array<i32>} : memref<128xf32, #tpu.memory_space<vmem>>, vector<16xf32>,
    %get3A_372 = arith.constant 96 : index
    %get3A_373 = tpu.vector_load %arg9[%get3A_372] {strides = array<i32>} : memref<128xf32, #tpu.memory_space<vmem>>, vector<16xf32>,
    %sub3A = arith.subf %get3A_371, %get3A_367 : vector<16xf32>
    %sub3A_374 = arith.subf %get3A_373, %get3A_369 : vector<16xf32>
    %mul3A_375 = arith.mulf %sub3A, %sub3A_374 : vector<16xf32>
    %add3A_376 = arith.constant 0 : i32
    %add3A_377 = vector.broadcast %add3A_376 : i32 to vector<16xi32>
    %add3A_378 = arith.addi %iota3A, %add3A_377 : vector<16xi32>
    %broadcast_in_dim3A_379 = arith.constant 0.000000e+00 : f32
    %broadcast_in_dim3A_380 = vector.broadcast %broadcast_in_dim3A_379 : f32 to vector<16xf32>
    %scan3A_381 = arith.constant 0 : i32
    %scan3A_382 = arith.constant 25 : i32
    %scan3A_383 = arith.addi %scan3A_381, %scan3A_382 : i32
    %scan3A_384 = arith.constant 1 : i32
    %scan3A_385 = scf.for %scan3A_577 = %scan3A_381 to %scan3A_383 step %scan3A_384 iter_args(%scan3A_578 = %broadcast_in_dim3A_380) -> (vector<16xf32>)  : i32 {
      %mul3A_579 = arith.constant 4 : i32
      %mul3A_580 = arith.muli %scan3A_577, %mul3A_579 : i32
      %add3A_581 = arith.constant 0 : i32
      %add3A_582 = arith.addi %mul3A_580, %add3A_581 : i32
      %add3A_583 = vector.broadcast %add3A_582 : i32 to vector<16xi32>
      %add3A_584 = arith.addi %broadcast_in_dim3A_365, %add3A_583 : vector<16xi32>
      %gather3A = tpu.vector_load_idx %arg13[%add3A_584] : memref<100xi32, #tpu.memory_space<vmem>>[vector<16xi32>], vector<16xi32>,
      %add3A_585 = vector.broadcast %add3A_582 : i32 to vector<16xi32>
      %add3A_586 = arith.addi %broadcast_in_dim3A_365, %add3A_585 : vector<16xi32>
      %gather3A_587 = tpu.vector_load_idx %arg12[%add3A_586] : memref<416xf32, #tpu.memory_space<vmem>>[vector<16xi32>], vector<16xf32>,
      %add3A_588 = arith.constant 104 : i32
      %add3A_589 = arith.addi %add3A_588, %add3A_582 : i32
      %add3A_590 = vector.broadcast %add3A_589 : i32 to vector<16xi32>
      %add3A_591 = arith.addi %broadcast_in_dim3A_365, %add3A_590 : vector<16xi32>
      %gather3A_592 = tpu.vector_load_idx %arg12[%add3A_591] : memref<416xf32, #tpu.memory_space<vmem>>[vector<16xi32>], vector<16xf32>,
      %add3A_593 = arith.constant 208 : i32
      %add3A_594 = arith.addi %add3A_593, %add3A_582 : i32
      %add3A_595 = vector.broadcast %add3A_594 : i32 to vector<16xi32>
      %add3A_596 = arith.addi %broadcast_in_dim3A_365, %add3A_595 : vector<16xi32>
      %gather3A_597 = tpu.vector_load_idx %arg12[%add3A_596] : memref<416xf32, #tpu.memory_space<vmem>>[vector<16xi32>], vector<16xf32>,
      %add3A_598 = arith.constant 312 : i32
      %add3A_599 = arith.addi %add3A_598, %add3A_582 : i32
      %add3A_600 = vector.broadcast %add3A_599 : i32 to vector<16xi32>
      %add3A_601 = arith.addi %broadcast_in_dim3A_365, %add3A_600 : vector<16xi32>
      %gather3A_602 = tpu.vector_load_idx %arg12[%add3A_601] : memref<416xf32, #tpu.memory_space<vmem>>[vector<16xi32>], vector<16xf32>,
      %mul3A_603 = arith.constant 32 : i32
      %mul3A_604 = vector.broadcast %mul3A_603 : i32 to vector<16xi32>
      %mul3A_605 = arith.muli %gather3A, %mul3A_604 : vector<16xi32>
      %add3A_606 = arith.addi %mul3A_605, %add3A_378 : vector<16xi32>
      %gather3A_607 = tpu.vector_load_idx %arg11[%add3A_606] : memref<2560xf32, #tpu.memory_space<vmem>>[vector<16xi32>], vector<16xf32>,
      %neg3A = arith.constant 0.000000e+00 : f32
      %neg3A_608 = vector.broadcast %neg3A : f32 to vector<16xf32>
      %neg3A_609 = arith.subf %neg3A_608, %gather3A_607 : vector<16xf32>
      %exp3A = math.exp %neg3A_609 : vector<16xf32>
      %add3A_610 = arith.constant 1.000000e+00 : f32
      %add3A_611 = vector.broadcast %add3A_610 : f32 to vector<16xf32>
      %add3A_612 = arith.addf %add3A_611, %exp3A : vector<16xf32>
      %div3A_613 = arith.constant 1.000000e+00 : f32
      %div3A_614 = vector.broadcast %div3A_613 : f32 to vector<16xf32>
      %div3A_615 = arith.divf %div3A_614, %add3A_612 : vector<16xf32>
      %sub3A_616 = arith.subf %gather3A_597, %gather3A_587 : vector<16xf32>
      %sub3A_617 = arith.subf %gather3A_602, %gather3A_592 : vector<16xf32>
      %mul3A_618 = arith.mulf %sub3A_616, %sub3A_617 : vector<16xf32>
      %min3A = arith.minimumf %get3A_371, %gather3A_597 : vector<16xf32>
      %max3A_619 = arith.maximumf %get3A_367, %gather3A_587 : vector<16xf32>
      %sub3A_620 = arith.subf %min3A, %max3A_619 : vector<16xf32>
      %max3A_621 = arith.constant 0.000000e+00 : f32
      %max3A_622 = vector.broadcast %max3A_621 : f32 to vector<16xf32>
      %max3A_623 = arith.maximumf %sub3A_620, %max3A_622 : vector<16xf32>
      %min3A_624 = arith.minimumf %get3A_373, %gather3A_602 : vector<16xf32>
      %max3A_625 = arith.maximumf %get3A_369, %gather3A_592 : vector<16xf32>
      %sub3A_626 = arith.subf %min3A_624, %max3A_625 : vector<16xf32>
      %max3A_627 = arith.constant 0.000000e+00 : f32
      %max3A_628 = vector.broadcast %max3A_627 : f32 to vector<16xf32>
      %max3A_629 = arith.maximumf %sub3A_626, %max3A_628 : vector<16xf32>
      %mul3A_630 = arith.mulf %max3A_623, %max3A_629 : vector<16xf32>
      %add3A_631 = arith.addf %mul3A_375, %mul3A_618 : vector<16xf32>
      %sub3A_632 = arith.subf %add3A_631, %mul3A_630 : vector<16xf32>
      %max3A_633 = arith.constant 9.99999997E-7 : f32
      %max3A_634 = vector.broadcast %max3A_633 : f32 to vector<16xf32>
      %max3A_635 = arith.maximumf %sub3A_632, %max3A_634 : vector<16xf32>
      %div3A_636 = arith.divf %mul3A_630, %max3A_635 : vector<16xf32>
      %mul3A_637 = arith.mulf %div3A_636, %div3A_636 : vector<16xf32>
      %mul3A_638 = arith.mulf %mul3A_637, %mul3A_637 : vector<16xf32>
      %mul3A_639 = arith.mulf %div3A_615, %mul3A_638 : vector<16xf32>
      %mul3A_640 = arith.constant 4 : i32
      %mul3A_641 = arith.muli %scan3A_577, %mul3A_640 : i32
      %add3A_642 = arith.constant 1 : i32
      %add3A_643 = arith.addi %mul3A_641, %add3A_642 : i32
      %add3A_644 = vector.broadcast %add3A_643 : i32 to vector<16xi32>
      %add3A_645 = arith.addi %broadcast_in_dim3A_365, %add3A_644 : vector<16xi32>
      %gather3A_646 = tpu.vector_load_idx %arg13[%add3A_645] : memref<100xi32, #tpu.memory_space<vmem>>[vector<16xi32>], vector<16xi32>,
      %add3A_647 = vector.broadcast %add3A_643 : i32 to vector<16xi32>
      %add3A_648 = arith.addi %broadcast_in_dim3A_365, %add3A_647 : vector<16xi32>
      %gather3A_649 = tpu.vector_load_idx %arg12[%add3A_648] : memref<416xf32, #tpu.memory_space<vmem>>[vector<16xi32>], vector<16xf32>,
      %add3A_650 = arith.constant 104 : i32
      %add3A_651 = arith.addi %add3A_650, %add3A_643 : i32
      %add3A_652 = vector.broadcast %add3A_651 : i32 to vector<16xi32>
      %add3A_653 = arith.addi %broadcast_in_dim3A_365, %add3A_652 : vector<16xi32>
      %gather3A_654 = tpu.vector_load_idx %arg12[%add3A_653] : memref<416xf32, #tpu.memory_space<vmem>>[vector<16xi32>], vector<16xf32>,
      %add3A_655 = arith.constant 208 : i32
      %add3A_656 = arith.addi %add3A_655, %add3A_643 : i32
      %add3A_657 = vector.broadcast %add3A_656 : i32 to vector<16xi32>
      %add3A_658 = arith.addi %broadcast_in_dim3A_365, %add3A_657 : vector<16xi32>
      %gather3A_659 = tpu.vector_load_idx %arg12[%add3A_658] : memref<416xf32, #tpu.memory_space<vmem>>[vector<16xi32>], vector<16xf32>,
      %add3A_660 = arith.constant 312 : i32
      %add3A_661 = arith.addi %add3A_660, %add3A_643 : i32
      %add3A_662 = vector.broadcast %add3A_661 : i32 to vector<16xi32>
      %add3A_663 = arith.addi %broadcast_in_dim3A_365, %add3A_662 : vector<16xi32>
      %gather3A_664 = tpu.vector_load_idx %arg12[%add3A_663] : memref<416xf32, #tpu.memory_space<vmem>>[vector<16xi32>], vector<16xf32>,
      %mul3A_665 = arith.constant 32 : i32
      %mul3A_666 = vector.broadcast %mul3A_665 : i32 to vector<16xi32>
      %mul3A_667 = arith.muli %gather3A_646, %mul3A_666 : vector<16xi32>
      %add3A_668 = arith.addi %mul3A_667, %add3A_378 : vector<16xi32>
      %gather3A_669 = tpu.vector_load_idx %arg11[%add3A_668] : memref<2560xf32, #tpu.memory_space<vmem>>[vector<16xi32>], vector<16xf32>,
      %neg3A_670 = arith.constant 0.000000e+00 : f32
      %neg3A_671 = vector.broadcast %neg3A_670 : f32 to vector<16xf32>
      %neg3A_672 = arith.subf %neg3A_671, %gather3A_669 : vector<16xf32>
      %exp3A_673 = math.exp %neg3A_672 : vector<16xf32>
      %add3A_674 = arith.constant 1.000000e+00 : f32
      %add3A_675 = vector.broadcast %add3A_674 : f32 to vector<16xf32>
      %add3A_676 = arith.addf %add3A_675, %exp3A_673 : vector<16xf32>
      %div3A_677 = arith.constant 1.000000e+00 : f32
      %div3A_678 = vector.broadcast %div3A_677 : f32 to vector<16xf32>
      %div3A_679 = arith.divf %div3A_678, %add3A_676 : vector<16xf32>
      %sub3A_680 = arith.subf %gather3A_659, %gather3A_649 : vector<16xf32>
      %sub3A_681 = arith.subf %gather3A_664, %gather3A_654 : vector<16xf32>
      %mul3A_682 = arith.mulf %sub3A_680, %sub3A_681 : vector<16xf32>
      %min3A_683 = arith.minimumf %get3A_371, %gather3A_659 : vector<16xf32>
      %max3A_684 = arith.maximumf %get3A_367, %gather3A_649 : vector<16xf32>
      %sub3A_685 = arith.subf %min3A_683, %max3A_684 : vector<16xf32>
      %max3A_686 = arith.constant 0.000000e+00 : f32
      %max3A_687 = vector.broadcast %max3A_686 : f32 to vector<16xf32>
      %max3A_688 = arith.maximumf %sub3A_685, %max3A_687 : vector<16xf32>
      %min3A_689 = arith.minimumf %get3A_373, %gather3A_664 : vector<16xf32>
      %max3A_690 = arith.maximumf %get3A_369, %gather3A_654 : vector<16xf32>
      %sub3A_691 = arith.subf %min3A_689, %max3A_690 : vector<16xf32>
      %max3A_692 = arith.constant 0.000000e+00 : f32
      %max3A_693 = vector.broadcast %max3A_692 : f32 to vector<16xf32>
      %max3A_694 = arith.maximumf %sub3A_691, %max3A_693 : vector<16xf32>
      %mul3A_695 = arith.mulf %max3A_688, %max3A_694 : vector<16xf32>
      %add3A_696 = arith.addf %mul3A_375, %mul3A_682 : vector<16xf32>
      %sub3A_697 = arith.subf %add3A_696, %mul3A_695 : vector<16xf32>
      %max3A_698 = arith.constant 9.99999997E-7 : f32
      %max3A_699 = vector.broadcast %max3A_698 : f32 to vector<16xf32>
      %max3A_700 = arith.maximumf %sub3A_697, %max3A_699 : vector<16xf32>
      %div3A_701 = arith.divf %mul3A_695, %max3A_700 : vector<16xf32>
      %mul3A_702 = arith.mulf %div3A_701, %div3A_701 : vector<16xf32>
      %mul3A_703 = arith.mulf %mul3A_702, %mul3A_702 : vector<16xf32>
      %mul3A_704 = arith.mulf %div3A_679, %mul3A_703 : vector<16xf32>
      %mul3A_705 = arith.constant 4 : i32
      %mul3A_706 = arith.muli %scan3A_577, %mul3A_705 : i32
      %add3A_707 = arith.constant 2 : i32
      %add3A_708 = arith.addi %mul3A_706, %add3A_707 : i32
      %add3A_709 = vector.broadcast %add3A_708 : i32 to vector<16xi32>
      %add3A_710 = arith.addi %broadcast_in_dim3A_365, %add3A_709 : vector<16xi32>
      %gather3A_711 = tpu.vector_load_idx %arg13[%add3A_710] : memref<100xi32, #tpu.memory_space<vmem>>[vector<16xi32>], vector<16xi32>,
      %add3A_712 = vector.broadcast %add3A_708 : i32 to vector<16xi32>
      %add3A_713 = arith.addi %broadcast_in_dim3A_365, %add3A_712 : vector<16xi32>
      %gather3A_714 = tpu.vector_load_idx %arg12[%add3A_713] : memref<416xf32, #tpu.memory_space<vmem>>[vector<16xi32>], vector<16xf32>,
      %add3A_715 = arith.constant 104 : i32
      %add3A_716 = arith.addi %add3A_715, %add3A_708 : i32
      %add3A_717 = vector.broadcast %add3A_716 : i32 to vector<16xi32>
      %add3A_718 = arith.addi %broadcast_in_dim3A_365, %add3A_717 : vector<16xi32>
      %gather3A_719 = tpu.vector_load_idx %arg12[%add3A_718] : memref<416xf32, #tpu.memory_space<vmem>>[vector<16xi32>], vector<16xf32>,
      %add3A_720 = arith.constant 208 : i32
      %add3A_721 = arith.addi %add3A_720, %add3A_708 : i32
      %add3A_722 = vector.broadcast %add3A_721 : i32 to vector<16xi32>
      %add3A_723 = arith.addi %broadcast_in_dim3A_365, %add3A_722 : vector<16xi32>
      %gather3A_724 = tpu.vector_load_idx %arg12[%add3A_723] : memref<416xf32, #tpu.memory_space<vmem>>[vector<16xi32>], vector<16xf32>,
      %add3A_725 = arith.constant 312 : i32
      %add3A_726 = arith.addi %add3A_725, %add3A_708 : i32
      %add3A_727 = vector.broadcast %add3A_726 : i32 to vector<16xi32>
      %add3A_728 = arith.addi %broadcast_in_dim3A_365, %add3A_727 : vector<16xi32>
      %gather3A_729 = tpu.vector_load_idx %arg12[%add3A_728] : memref<416xf32, #tpu.memory_space<vmem>>[vector<16xi32>], vector<16xf32>,
      %mul3A_730 = arith.constant 32 : i32
      %mul3A_731 = vector.broadcast %mul3A_730 : i32 to vector<16xi32>
      %mul3A_732 = arith.muli %gather3A_711, %mul3A_731 : vector<16xi32>
      %add3A_733 = arith.addi %mul3A_732, %add3A_378 : vector<16xi32>
      %gather3A_734 = tpu.vector_load_idx %arg11[%add3A_733] : memref<2560xf32, #tpu.memory_space<vmem>>[vector<16xi32>], vector<16xf32>,
      %neg3A_735 = arith.constant 0.000000e+00 : f32
      %neg3A_736 = vector.broadcast %neg3A_735 : f32 to vector<16xf32>
      %neg3A_737 = arith.subf %neg3A_736, %gather3A_734 : vector<16xf32>
      %exp3A_738 = math.exp %neg3A_737 : vector<16xf32>
      %add3A_739 = arith.constant 1.000000e+00 : f32
      %add3A_740 = vector.broadcast %add3A_739 : f32 to vector<16xf32>
      %add3A_741 = arith.addf %add3A_740, %exp3A_738 : vector<16xf32>
      %div3A_742 = arith.constant 1.000000e+00 : f32
      %div3A_743 = vector.broadcast %div3A_742 : f32 to vector<16xf32>
      %div3A_744 = arith.divf %div3A_743, %add3A_741 : vector<16xf32>
      %sub3A_745 = arith.subf %gather3A_724, %gather3A_714 : vector<16xf32>
      %sub3A_746 = arith.subf %gather3A_729, %gather3A_719 : vector<16xf32>
      %mul3A_747 = arith.mulf %sub3A_745, %sub3A_746 : vector<16xf32>
      %min3A_748 = arith.minimumf %get3A_371, %gather3A_724 : vector<16xf32>
      %max3A_749 = arith.maximumf %get3A_367, %gather3A_714 : vector<16xf32>
      %sub3A_750 = arith.subf %min3A_748, %max3A_749 : vector<16xf32>
      %max3A_751 = arith.constant 0.000000e+00 : f32
      %max3A_752 = vector.broadcast %max3A_751 : f32 to vector<16xf32>
      %max3A_753 = arith.maximumf %sub3A_750, %max3A_752 : vector<16xf32>
      %min3A_754 = arith.minimumf %get3A_373, %gather3A_729 : vector<16xf32>
      %max3A_755 = arith.maximumf %get3A_369, %gather3A_719 : vector<16xf32>
      %sub3A_756 = arith.subf %min3A_754, %max3A_755 : vector<16xf32>
      %max3A_757 = arith.constant 0.000000e+00 : f32
      %max3A_758 = vector.broadcast %max3A_757 : f32 to vector<16xf32>
      %max3A_759 = arith.maximumf %sub3A_756, %max3A_758 : vector<16xf32>
      %mul3A_760 = arith.mulf %max3A_753, %max3A_759 : vector<16xf32>
      %add3A_761 = arith.addf %mul3A_375, %mul3A_747 : vector<16xf32>
      %sub3A_762 = arith.subf %add3A_761, %mul3A_760 : vector<16xf32>
      %max3A_763 = arith.constant 9.99999997E-7 : f32
      %max3A_764 = vector.broadcast %max3A_763 : f32 to vector<16xf32>
      %max3A_765 = arith.maximumf %sub3A_762, %max3A_764 : vector<16xf32>
      %div3A_766 = arith.divf %mul3A_760, %max3A_765 : vector<16xf32>
      %mul3A_767 = arith.mulf %div3A_766, %div3A_766 : vector<16xf32>
      %mul3A_768 = arith.mulf %mul3A_767, %mul3A_767 : vector<16xf32>
      %mul3A_769 = arith.mulf %div3A_744, %mul3A_768 : vector<16xf32>
      %mul3A_770 = arith.constant 4 : i32
      %mul3A_771 = arith.muli %scan3A_577, %mul3A_770 : i32
      %add3A_772 = arith.constant 3 : i32
      %add3A_773 = arith.addi %mul3A_771, %add3A_772 : i32
      %add3A_774 = vector.broadcast %add3A_773 : i32 to vector<16xi32>
      %add3A_775 = arith.addi %broadcast_in_dim3A_365, %add3A_774 : vector<16xi32>
      %gather3A_776 = tpu.vector_load_idx %arg13[%add3A_775] : memref<100xi32, #tpu.memory_space<vmem>>[vector<16xi32>], vector<16xi32>,
      %add3A_777 = vector.broadcast %add3A_773 : i32 to vector<16xi32>
      %add3A_778 = arith.addi %broadcast_in_dim3A_365, %add3A_777 : vector<16xi32>
      %gather3A_779 = tpu.vector_load_idx %arg12[%add3A_778] : memref<416xf32, #tpu.memory_space<vmem>>[vector<16xi32>], vector<16xf32>,
      %add3A_780 = arith.constant 104 : i32
      %add3A_781 = arith.addi %add3A_780, %add3A_773 : i32
      %add3A_782 = vector.broadcast %add3A_781 : i32 to vector<16xi32>
      %add3A_783 = arith.addi %broadcast_in_dim3A_365, %add3A_782 : vector<16xi32>
      %gather3A_784 = tpu.vector_load_idx %arg12[%add3A_783] : memref<416xf32, #tpu.memory_space<vmem>>[vector<16xi32>], vector<16xf32>,
      %add3A_785 = arith.constant 208 : i32
      %add3A_786 = arith.addi %add3A_785, %add3A_773 : i32
      %add3A_787 = vector.broadcast %add3A_786 : i32 to vector<16xi32>
      %add3A_788 = arith.addi %broadcast_in_dim3A_365, %add3A_787 : vector<16xi32>
      %gather3A_789 = tpu.vector_load_idx %arg12[%add3A_788] : memref<416xf32, #tpu.memory_space<vmem>>[vector<16xi32>], vector<16xf32>,
      %add3A_790 = arith.constant 312 : i32
      %add3A_791 = arith.addi %add3A_790, %add3A_773 : i32
      %add3A_792 = vector.broadcast %add3A_791 : i32 to vector<16xi32>
      %add3A_793 = arith.addi %broadcast_in_dim3A_365, %add3A_792 : vector<16xi32>
      %gather3A_794 = tpu.vector_load_idx %arg12[%add3A_793] : memref<416xf32, #tpu.memory_space<vmem>>[vector<16xi32>], vector<16xf32>,
      %mul3A_795 = arith.constant 32 : i32
      %mul3A_796 = vector.broadcast %mul3A_795 : i32 to vector<16xi32>
      %mul3A_797 = arith.muli %gather3A_776, %mul3A_796 : vector<16xi32>
      %add3A_798 = arith.addi %mul3A_797, %add3A_378 : vector<16xi32>
      %gather3A_799 = tpu.vector_load_idx %arg11[%add3A_798] : memref<2560xf32, #tpu.memory_space<vmem>>[vector<16xi32>], vector<16xf32>,
      %neg3A_800 = arith.constant 0.000000e+00 : f32
      %neg3A_801 = vector.broadcast %neg3A_800 : f32 to vector<16xf32>
      %neg3A_802 = arith.subf %neg3A_801, %gather3A_799 : vector<16xf32>
      %exp3A_803 = math.exp %neg3A_802 : vector<16xf32>
      %add3A_804 = arith.constant 1.000000e+00 : f32
      %add3A_805 = vector.broadcast %add3A_804 : f32 to vector<16xf32>
      %add3A_806 = arith.addf %add3A_805, %exp3A_803 : vector<16xf32>
      %div3A_807 = arith.constant 1.000000e+00 : f32
      %div3A_808 = vector.broadcast %div3A_807 : f32 to vector<16xf32>
      %div3A_809 = arith.divf %div3A_808, %add3A_806 : vector<16xf32>
      %sub3A_810 = arith.subf %gather3A_789, %gather3A_779 : vector<16xf32>
      %sub3A_811 = arith.subf %gather3A_794, %gather3A_784 : vector<16xf32>
      %mul3A_812 = arith.mulf %sub3A_810, %sub3A_811 : vector<16xf32>
      %min3A_813 = arith.minimumf %get3A_371, %gather3A_789 : vector<16xf32>
      %max3A_814 = arith.maximumf %get3A_367, %gather3A_779 : vector<16xf32>
      %sub3A_815 = arith.subf %min3A_813, %max3A_814 : vector<16xf32>
      %max3A_816 = arith.constant 0.000000e+00 : f32
      %max3A_817 = vector.broadcast %max3A_816 : f32 to vector<16xf32>
      %max3A_818 = arith.maximumf %sub3A_815, %max3A_817 : vector<16xf32>
      %min3A_819 = arith.minimumf %get3A_373, %gather3A_794 : vector<16xf32>
      %max3A_820 = arith.maximumf %get3A_369, %gather3A_784 : vector<16xf32>
      %sub3A_821 = arith.subf %min3A_819, %max3A_820 : vector<16xf32>
      %max3A_822 = arith.constant 0.000000e+00 : f32
      %max3A_823 = vector.broadcast %max3A_822 : f32 to vector<16xf32>
      %max3A_824 = arith.maximumf %sub3A_821, %max3A_823 : vector<16xf32>
      %mul3A_825 = arith.mulf %max3A_818, %max3A_824 : vector<16xf32>
      %add3A_826 = arith.addf %mul3A_375, %mul3A_812 : vector<16xf32>
      %sub3A_827 = arith.subf %add3A_826, %mul3A_825 : vector<16xf32>
      %max3A_828 = arith.constant 9.99999997E-7 : f32
      %max3A_829 = vector.broadcast %max3A_828 : f32 to vector<16xf32>
      %max3A_830 = arith.maximumf %sub3A_827, %max3A_829 : vector<16xf32>
      %div3A_831 = arith.divf %mul3A_825, %max3A_830 : vector<16xf32>
      %mul3A_832 = arith.mulf %div3A_831, %div3A_831 : vector<16xf32>
      %mul3A_833 = arith.mulf %mul3A_832, %mul3A_832 : vector<16xf32>
      %mul3A_834 = arith.mulf %div3A_809, %mul3A_833 : vector<16xf32>
      %max3A_835 = arith.maximumf %mul3A_639, %mul3A_704 : vector<16xf32>
      %max3A_836 = arith.maximumf %mul3A_769, %mul3A_834 : vector<16xf32>
      %max3A_837 = arith.maximumf %max3A_835, %max3A_836 : vector<16xf32>
      %max3A_838 = arith.maximumf %scan3A_578, %max3A_837 : vector<16xf32>
      scf.yield %max3A_838 : vector<16xf32>
    }
    %scan3A_386 = arith.constant 25 : i32
    %max3A = arith.constant 1.000000e-30 : f32
    %max3A_387 = vector.broadcast %max3A : f32 to vector<16xf32>
    %max3A_388 = arith.maximumf %scan3A_385, %max3A_387 : vector<16xf32>
    %bitcast3A = vector.bitcast %max3A_388 : vector<16xf32> to vector<16xi32>
    %jit3A = arith.constant 5 : i32
    %div3A = vector.broadcast %jit3A : i32 to vector<16xi32>
    %div3A_389 = arith.divsi %bitcast3A, %div3A : vector<16xi32>
    %sign3A = arith.constant 0 : i32
    %sign3A_390 = vector.broadcast %sign3A : i32 to vector<16xi32>
    %sign3A_391 = arith.cmpi sgt, %bitcast3A, %sign3A_390 : vector<16xi32>
    %sign3A_392 = arith.extui %sign3A_391 : vector<16xi1> to vector<16xi32>
    %sign3A_393 = arith.constant 0 : i32
    %sign3A_394 = vector.broadcast %sign3A_393 : i32 to vector<16xi32>
    %sign3A_395 = arith.cmpi slt, %bitcast3A, %sign3A_394 : vector<16xi32>
    %sign3A_396 = arith.extui %sign3A_395 : vector<16xi1> to vector<16xi32>
    %sign3A_397 = arith.subi %sign3A_392, %sign3A_396 : vector<16xi32>
    %sign3A_398 = arith.constant 0 : i32
    %sign3A_399 = arith.cmpi sgt, %jit3A, %sign3A_398 : i32
    %sign3A_400 = arith.extui %sign3A_399 : i1 to i32
    %sign3A_401 = arith.constant 0 : i32
    %sign3A_402 = arith.cmpi slt, %jit3A, %sign3A_401 : i32
    %sign3A_403 = arith.extui %sign3A_402 : i1 to i32
    %sign3A_404 = arith.subi %sign3A_400, %sign3A_403 : i32
    %ne3A = vector.broadcast %sign3A_404 : i32 to vector<16xi32>
    %ne3A_405 = arith.cmpi ne, %sign3A_397, %ne3A : vector<16xi32>
    %rem3A = vector.broadcast %jit3A : i32 to vector<16xi32>
    %rem3A_406 = arith.remsi %bitcast3A, %rem3A : vector<16xi32>
    %ne3A_407 = arith.constant 0 : i32
    %ne3A_408 = vector.broadcast %ne3A_407 : i32 to vector<16xi32>
    %ne3A_409 = arith.cmpi ne, %rem3A_406, %ne3A_408 : vector<16xi32>
    %and3A = arith.andi %ne3A_405, %ne3A_409 : vector<16xi1>
    %sub3A_410 = arith.constant 1 : i32
    %sub3A_411 = vector.broadcast %sub3A_410 : i32 to vector<16xi32>
    %sub3A_412 = arith.subi %div3A_389, %sub3A_411 : vector<16xi32>
    %select_n3A = arith.select %and3A, %sub3A_412, %div3A_389 : vector<16xi1>, vector<16xi32>
    %add3A_413 = arith.constant 852282573 : i32
    %add3A_414 = vector.broadcast %add3A_413 : i32 to vector<16xi32>
    %add3A_415 = arith.addi %select_n3A, %add3A_414 : vector<16xi32>
    %bitcast3A_416 = vector.bitcast %add3A_415 : vector<16xi32> to vector<16xf32>
    %mul3A_417 = arith.mulf %bitcast3A_416, %bitcast3A_416 : vector<16xf32>
    %mul3A_418 = arith.constant 4.000000e+00 : f32
    %mul3A_419 = vector.broadcast %mul3A_418 : f32 to vector<16xf32>
    %mul3A_420 = arith.mulf %mul3A_419, %bitcast3A_416 : vector<16xf32>
    %mul3A_421 = arith.mulf %mul3A_417, %mul3A_417 : vector<16xf32>
    %div3A_422 = arith.divf %max3A_388, %mul3A_421 : vector<16xf32>
    %add3A_423 = arith.addf %mul3A_420, %div3A_422 : vector<16xf32>
    %mul3A_424 = arith.constant 2.000000e-01 : f32
    %mul3A_425 = vector.broadcast %mul3A_424 : f32 to vector<16xf32>
    %mul3A_426 = arith.mulf %mul3A_425, %add3A_423 : vector<16xf32>
    %mul3A_427 = arith.mulf %mul3A_426, %mul3A_426 : vector<16xf32>
    %mul3A_428 = arith.constant 4.000000e+00 : f32
    %mul3A_429 = vector.broadcast %mul3A_428 : f32 to vector<16xf32>
    %mul3A_430 = arith.mulf %mul3A_429, %mul3A_426 : vector<16xf32>
    %mul3A_431 = arith.mulf %mul3A_427, %mul3A_427 : vector<16xf32>
    %div3A_432 = arith.divf %max3A_388, %mul3A_431 : vector<16xf32>
    %add3A_433 = arith.addf %mul3A_430, %div3A_432 : vector<16xf32>
    %mul3A_434 = arith.constant 2.000000e-01 : f32
    %mul3A_435 = vector.broadcast %mul3A_434 : f32 to vector<16xf32>
    %mul3A_436 = arith.mulf %mul3A_435, %add3A_433 : vector<16xf32>
    %mul3A_437 = arith.mulf %mul3A_436, %mul3A_436 : vector<16xf32>
    %mul3A_438 = arith.constant 4.000000e+00 : f32
    %mul3A_439 = vector.broadcast %mul3A_438 : f32 to vector<16xf32>
    %mul3A_440 = arith.mulf %mul3A_439, %mul3A_436 : vector<16xf32>
    %mul3A_441 = arith.mulf %mul3A_437, %mul3A_437 : vector<16xf32>
    %div3A_442 = arith.divf %max3A_388, %mul3A_441 : vector<16xf32>
    %add3A_443 = arith.addf %mul3A_440, %div3A_442 : vector<16xf32>
    %mul3A_444 = arith.constant 2.000000e-01 : f32
    %mul3A_445 = vector.broadcast %mul3A_444 : f32 to vector<16xf32>
    %mul3A_446 = arith.mulf %mul3A_445, %add3A_443 : vector<16xf32>
    %mul3A_447 = arith.mulf %mul3A_446, %mul3A_446 : vector<16xf32>
    %mul3A_448 = arith.constant 4.000000e+00 : f32
    %mul3A_449 = vector.broadcast %mul3A_448 : f32 to vector<16xf32>
    %mul3A_450 = arith.mulf %mul3A_449, %mul3A_446 : vector<16xf32>
    %mul3A_451 = arith.mulf %mul3A_447, %mul3A_447 : vector<16xf32>
    %div3A_452 = arith.divf %max3A_388, %mul3A_451 : vector<16xf32>
    %add3A_453 = arith.addf %mul3A_450, %div3A_452 : vector<16xf32>
    %mul3A_454 = arith.constant 2.000000e-01 : f32
    %mul3A_455 = vector.broadcast %mul3A_454 : f32 to vector<16xf32>
    %mul3A_456 = arith.mulf %mul3A_455, %add3A_453 : vector<16xf32>
    %gt3A = arith.constant 0.000000e+00 : f32
    %gt3A_457 = vector.broadcast %gt3A : f32 to vector<16xf32>
    %gt3A_458 = arith.cmpf ogt, %scan3A_385, %gt3A_457 : vector<16xf32>
    %jit3A_459 = arith.constant 0.000000e+00 : f32
    %broadcast_in_dim3A_460 = vector.broadcast %jit3A_459 : f32 to vector<16xf32>
    %select_n3A_461 = arith.select %gt3A_458, %mul3A_456, %broadcast_in_dim3A_460 : vector<16xi1>, vector<16xf32>
    %swap3A_462 = arith.constant 0 : index
    %swap3A_463 = tpu.vector_load %arg14[%swap3A_462] {strides = array<i32>} : memref<32xf32, #tpu.memory_space<vmem>>, vector<16xf32>,
    tpu.vector_store %arg14[%swap3A_462], %select_n3A_461 {strides = array<i32>} : memref<32xf32, #tpu.memory_space<vmem>>, vector<16xf32>,
    %get3A_464 = arith.constant 16 : index
    %get3A_465 = tpu.vector_load %arg9[%get3A_464] {strides = array<i32>} : memref<128xf32, #tpu.memory_space<vmem>>, vector<16xf32>,
    %get3A_466 = arith.constant 48 : index
    %get3A_467 = tpu.vector_load %arg9[%get3A_466] {strides = array<i32>} : memref<128xf32, #tpu.memory_space<vmem>>, vector<16xf32>,
    %get3A_468 = arith.constant 80 : index
    %get3A_469 = tpu.vector_load %arg9[%get3A_468] {strides = array<i32>} : memref<128xf32, #tpu.memory_space<vmem>>, vector<16xf32>,
    %get3A_470 = arith.constant 112 : index
    %get3A_471 = tpu.vector_load %arg9[%get3A_470] {strides = array<i32>} : memref<128xf32, #tpu.memory_space<vmem>>, vector<16xf32>,
    %sub3A_472 = arith.subf %get3A_469, %get3A_465 : vector<16xf32>
    %sub3A_473 = arith.subf %get3A_471, %get3A_467 : vector<16xf32>
    %mul3A_474 = arith.mulf %sub3A_472, %sub3A_473 : vector<16xf32>
    %add3A_475 = arith.constant 16 : i32
    %add3A_476 = vector.broadcast %add3A_475 : i32 to vector<16xi32>
    %add3A_477 = arith.addi %iota3A, %add3A_476 : vector<16xi32>
    %broadcast_in_dim3A_478 = arith.constant 0.000000e+00 : f32
    %broadcast_in_dim3A_479 = vector.broadcast %broadcast_in_dim3A_478 : f32 to vector<16xf32>
    %scan3A_480 = arith.constant 0 : i32
    %scan3A_481 = arith.constant 25 : i32
    %scan3A_482 = arith.addi %scan3A_480, %scan3A_481 : i32
    %scan3A_483 = arith.constant 1 : i32
    %scan3A_484 = scf.for %scan3A_577 = %scan3A_480 to %scan3A_482 step %scan3A_483 iter_args(%scan3A_578 = %broadcast_in_dim3A_479) -> (vector<16xf32>)  : i32 {
      %mul3A_579 = arith.constant 4 : i32
      %mul3A_580 = arith.muli %scan3A_577, %mul3A_579 : i32
      %add3A_581 = arith.constant 0 : i32
      %add3A_582 = arith.addi %mul3A_580, %add3A_581 : i32
      %add3A_583 = vector.broadcast %add3A_582 : i32 to vector<16xi32>
      %add3A_584 = arith.addi %broadcast_in_dim3A_365, %add3A_583 : vector<16xi32>
      %gather3A = tpu.vector_load_idx %arg13[%add3A_584] : memref<100xi32, #tpu.memory_space<vmem>>[vector<16xi32>], vector<16xi32>,
      %add3A_585 = vector.broadcast %add3A_582 : i32 to vector<16xi32>
      %add3A_586 = arith.addi %broadcast_in_dim3A_365, %add3A_585 : vector<16xi32>
      %gather3A_587 = tpu.vector_load_idx %arg12[%add3A_586] : memref<416xf32, #tpu.memory_space<vmem>>[vector<16xi32>], vector<16xf32>,
      %add3A_588 = arith.constant 104 : i32
      %add3A_589 = arith.addi %add3A_588, %add3A_582 : i32
      %add3A_590 = vector.broadcast %add3A_589 : i32 to vector<16xi32>
      %add3A_591 = arith.addi %broadcast_in_dim3A_365, %add3A_590 : vector<16xi32>
      %gather3A_592 = tpu.vector_load_idx %arg12[%add3A_591] : memref<416xf32, #tpu.memory_space<vmem>>[vector<16xi32>], vector<16xf32>,
      %add3A_593 = arith.constant 208 : i32
      %add3A_594 = arith.addi %add3A_593, %add3A_582 : i32
      %add3A_595 = vector.broadcast %add3A_594 : i32 to vector<16xi32>
      %add3A_596 = arith.addi %broadcast_in_dim3A_365, %add3A_595 : vector<16xi32>
      %gather3A_597 = tpu.vector_load_idx %arg12[%add3A_596] : memref<416xf32, #tpu.memory_space<vmem>>[vector<16xi32>], vector<16xf32>,
      %add3A_598 = arith.constant 312 : i32
      %add3A_599 = arith.addi %add3A_598, %add3A_582 : i32
      %add3A_600 = vector.broadcast %add3A_599 : i32 to vector<16xi32>
      %add3A_601 = arith.addi %broadcast_in_dim3A_365, %add3A_600 : vector<16xi32>
      %gather3A_602 = tpu.vector_load_idx %arg12[%add3A_601] : memref<416xf32, #tpu.memory_space<vmem>>[vector<16xi32>], vector<16xf32>,
      %mul3A_603 = arith.constant 32 : i32
      %mul3A_604 = vector.broadcast %mul3A_603 : i32 to vector<16xi32>
      %mul3A_605 = arith.muli %gather3A, %mul3A_604 : vector<16xi32>
      %add3A_606 = arith.addi %mul3A_605, %add3A_477 : vector<16xi32>
      %gather3A_607 = tpu.vector_load_idx %arg11[%add3A_606] : memref<2560xf32, #tpu.memory_space<vmem>>[vector<16xi32>], vector<16xf32>,
      %neg3A = arith.constant 0.000000e+00 : f32
      %neg3A_608 = vector.broadcast %neg3A : f32 to vector<16xf32>
      %neg3A_609 = arith.subf %neg3A_608, %gather3A_607 : vector<16xf32>
      %exp3A = math.exp %neg3A_609 : vector<16xf32>
      %add3A_610 = arith.constant 1.000000e+00 : f32
      %add3A_611 = vector.broadcast %add3A_610 : f32 to vector<16xf32>
      %add3A_612 = arith.addf %add3A_611, %exp3A : vector<16xf32>
      %div3A_613 = arith.constant 1.000000e+00 : f32
      %div3A_614 = vector.broadcast %div3A_613 : f32 to vector<16xf32>
      %div3A_615 = arith.divf %div3A_614, %add3A_612 : vector<16xf32>
      %sub3A_616 = arith.subf %gather3A_597, %gather3A_587 : vector<16xf32>
      %sub3A_617 = arith.subf %gather3A_602, %gather3A_592 : vector<16xf32>
      %mul3A_618 = arith.mulf %sub3A_616, %sub3A_617 : vector<16xf32>
      %min3A = arith.minimumf %get3A_469, %gather3A_597 : vector<16xf32>
      %max3A_619 = arith.maximumf %get3A_465, %gather3A_587 : vector<16xf32>
      %sub3A_620 = arith.subf %min3A, %max3A_619 : vector<16xf32>
      %max3A_621 = arith.constant 0.000000e+00 : f32
      %max3A_622 = vector.broadcast %max3A_621 : f32 to vector<16xf32>
      %max3A_623 = arith.maximumf %sub3A_620, %max3A_622 : vector<16xf32>
      %min3A_624 = arith.minimumf %get3A_471, %gather3A_602 : vector<16xf32>
      %max3A_625 = arith.maximumf %get3A_467, %gather3A_592 : vector<16xf32>
      %sub3A_626 = arith.subf %min3A_624, %max3A_625 : vector<16xf32>
      %max3A_627 = arith.constant 0.000000e+00 : f32
      %max3A_628 = vector.broadcast %max3A_627 : f32 to vector<16xf32>
      %max3A_629 = arith.maximumf %sub3A_626, %max3A_628 : vector<16xf32>
      %mul3A_630 = arith.mulf %max3A_623, %max3A_629 : vector<16xf32>
      %add3A_631 = arith.addf %mul3A_474, %mul3A_618 : vector<16xf32>
      %sub3A_632 = arith.subf %add3A_631, %mul3A_630 : vector<16xf32>
      %max3A_633 = arith.constant 9.99999997E-7 : f32
      %max3A_634 = vector.broadcast %max3A_633 : f32 to vector<16xf32>
      %max3A_635 = arith.maximumf %sub3A_632, %max3A_634 : vector<16xf32>
      %div3A_636 = arith.divf %mul3A_630, %max3A_635 : vector<16xf32>
      %mul3A_637 = arith.mulf %div3A_636, %div3A_636 : vector<16xf32>
      %mul3A_638 = arith.mulf %mul3A_637, %mul3A_637 : vector<16xf32>
      %mul3A_639 = arith.mulf %div3A_615, %mul3A_638 : vector<16xf32>
      %mul3A_640 = arith.constant 4 : i32
      %mul3A_641 = arith.muli %scan3A_577, %mul3A_640 : i32
      %add3A_642 = arith.constant 1 : i32
      %add3A_643 = arith.addi %mul3A_641, %add3A_642 : i32
      %add3A_644 = vector.broadcast %add3A_643 : i32 to vector<16xi32>
      %add3A_645 = arith.addi %broadcast_in_dim3A_365, %add3A_644 : vector<16xi32>
      %gather3A_646 = tpu.vector_load_idx %arg13[%add3A_645] : memref<100xi32, #tpu.memory_space<vmem>>[vector<16xi32>], vector<16xi32>,
      %add3A_647 = vector.broadcast %add3A_643 : i32 to vector<16xi32>
      %add3A_648 = arith.addi %broadcast_in_dim3A_365, %add3A_647 : vector<16xi32>
      %gather3A_649 = tpu.vector_load_idx %arg12[%add3A_648] : memref<416xf32, #tpu.memory_space<vmem>>[vector<16xi32>], vector<16xf32>,
      %add3A_650 = arith.constant 104 : i32
      %add3A_651 = arith.addi %add3A_650, %add3A_643 : i32
      %add3A_652 = vector.broadcast %add3A_651 : i32 to vector<16xi32>
      %add3A_653 = arith.addi %broadcast_in_dim3A_365, %add3A_652 : vector<16xi32>
      %gather3A_654 = tpu.vector_load_idx %arg12[%add3A_653] : memref<416xf32, #tpu.memory_space<vmem>>[vector<16xi32>], vector<16xf32>,
      %add3A_655 = arith.constant 208 : i32
      %add3A_656 = arith.addi %add3A_655, %add3A_643 : i32
      %add3A_657 = vector.broadcast %add3A_656 : i32 to vector<16xi32>
      %add3A_658 = arith.addi %broadcast_in_dim3A_365, %add3A_657 : vector<16xi32>
      %gather3A_659 = tpu.vector_load_idx %arg12[%add3A_658] : memref<416xf32, #tpu.memory_space<vmem>>[vector<16xi32>], vector<16xf32>,
      %add3A_660 = arith.constant 312 : i32
      %add3A_661 = arith.addi %add3A_660, %add3A_643 : i32
      %add3A_662 = vector.broadcast %add3A_661 : i32 to vector<16xi32>
      %add3A_663 = arith.addi %broadcast_in_dim3A_365, %add3A_662 : vector<16xi32>
      %gather3A_664 = tpu.vector_load_idx %arg12[%add3A_663] : memref<416xf32, #tpu.memory_space<vmem>>[vector<16xi32>], vector<16xf32>,
      %mul3A_665 = arith.constant 32 : i32
      %mul3A_666 = vector.broadcast %mul3A_665 : i32 to vector<16xi32>
      %mul3A_667 = arith.muli %gather3A_646, %mul3A_666 : vector<16xi32>
      %add3A_668 = arith.addi %mul3A_667, %add3A_477 : vector<16xi32>
      %gather3A_669 = tpu.vector_load_idx %arg11[%add3A_668] : memref<2560xf32, #tpu.memory_space<vmem>>[vector<16xi32>], vector<16xf32>,
      %neg3A_670 = arith.constant 0.000000e+00 : f32
      %neg3A_671 = vector.broadcast %neg3A_670 : f32 to vector<16xf32>
      %neg3A_672 = arith.subf %neg3A_671, %gather3A_669 : vector<16xf32>
      %exp3A_673 = math.exp %neg3A_672 : vector<16xf32>
      %add3A_674 = arith.constant 1.000000e+00 : f32
      %add3A_675 = vector.broadcast %add3A_674 : f32 to vector<16xf32>
      %add3A_676 = arith.addf %add3A_675, %exp3A_673 : vector<16xf32>
      %div3A_677 = arith.constant 1.000000e+00 : f32
      %div3A_678 = vector.broadcast %div3A_677 : f32 to vector<16xf32>
      %div3A_679 = arith.divf %div3A_678, %add3A_676 : vector<16xf32>
      %sub3A_680 = arith.subf %gather3A_659, %gather3A_649 : vector<16xf32>
      %sub3A_681 = arith.subf %gather3A_664, %gather3A_654 : vector<16xf32>
      %mul3A_682 = arith.mulf %sub3A_680, %sub3A_681 : vector<16xf32>
      %min3A_683 = arith.minimumf %get3A_469, %gather3A_659 : vector<16xf32>
      %max3A_684 = arith.maximumf %get3A_465, %gather3A_649 : vector<16xf32>
      %sub3A_685 = arith.subf %min3A_683, %max3A_684 : vector<16xf32>
      %max3A_686 = arith.constant 0.000000e+00 : f32
      %max3A_687 = vector.broadcast %max3A_686 : f32 to vector<16xf32>
      %max3A_688 = arith.maximumf %sub3A_685, %max3A_687 : vector<16xf32>
      %min3A_689 = arith.minimumf %get3A_471, %gather3A_664 : vector<16xf32>
      %max3A_690 = arith.maximumf %get3A_467, %gather3A_654 : vector<16xf32>
      %sub3A_691 = arith.subf %min3A_689, %max3A_690 : vector<16xf32>
      %max3A_692 = arith.constant 0.000000e+00 : f32
      %max3A_693 = vector.broadcast %max3A_692 : f32 to vector<16xf32>
      %max3A_694 = arith.maximumf %sub3A_691, %max3A_693 : vector<16xf32>
      %mul3A_695 = arith.mulf %max3A_688, %max3A_694 : vector<16xf32>
      %add3A_696 = arith.addf %mul3A_474, %mul3A_682 : vector<16xf32>
      %sub3A_697 = arith.subf %add3A_696, %mul3A_695 : vector<16xf32>
      %max3A_698 = arith.constant 9.99999997E-7 : f32
      %max3A_699 = vector.broadcast %max3A_698 : f32 to vector<16xf32>
      %max3A_700 = arith.maximumf %sub3A_697, %max3A_699 : vector<16xf32>
      %div3A_701 = arith.divf %mul3A_695, %max3A_700 : vector<16xf32>
      %mul3A_702 = arith.mulf %div3A_701, %div3A_701 : vector<16xf32>
      %mul3A_703 = arith.mulf %mul3A_702, %mul3A_702 : vector<16xf32>
      %mul3A_704 = arith.mulf %div3A_679, %mul3A_703 : vector<16xf32>
      %mul3A_705 = arith.constant 4 : i32
      %mul3A_706 = arith.muli %scan3A_577, %mul3A_705 : i32
      %add3A_707 = arith.constant 2 : i32
      %add3A_708 = arith.addi %mul3A_706, %add3A_707 : i32
      %add3A_709 = vector.broadcast %add3A_708 : i32 to vector<16xi32>
      %add3A_710 = arith.addi %broadcast_in_dim3A_365, %add3A_709 : vector<16xi32>
      %gather3A_711 = tpu.vector_load_idx %arg13[%add3A_710] : memref<100xi32, #tpu.memory_space<vmem>>[vector<16xi32>], vector<16xi32>,
      %add3A_712 = vector.broadcast %add3A_708 : i32 to vector<16xi32>
      %add3A_713 = arith.addi %broadcast_in_dim3A_365, %add3A_712 : vector<16xi32>
      %gather3A_714 = tpu.vector_load_idx %arg12[%add3A_713] : memref<416xf32, #tpu.memory_space<vmem>>[vector<16xi32>], vector<16xf32>,
      %add3A_715 = arith.constant 104 : i32
      %add3A_716 = arith.addi %add3A_715, %add3A_708 : i32
      %add3A_717 = vector.broadcast %add3A_716 : i32 to vector<16xi32>
      %add3A_718 = arith.addi %broadcast_in_dim3A_365, %add3A_717 : vector<16xi32>
      %gather3A_719 = tpu.vector_load_idx %arg12[%add3A_718] : memref<416xf32, #tpu.memory_space<vmem>>[vector<16xi32>], vector<16xf32>,
      %add3A_720 = arith.constant 208 : i32
      %add3A_721 = arith.addi %add3A_720, %add3A_708 : i32
      %add3A_722 = vector.broadcast %add3A_721 : i32 to vector<16xi32>
      %add3A_723 = arith.addi %broadcast_in_dim3A_365, %add3A_722 : vector<16xi32>
      %gather3A_724 = tpu.vector_load_idx %arg12[%add3A_723] : memref<416xf32, #tpu.memory_space<vmem>>[vector<16xi32>], vector<16xf32>,
      %add3A_725 = arith.constant 312 : i32
      %add3A_726 = arith.addi %add3A_725, %add3A_708 : i32
      %add3A_727 = vector.broadcast %add3A_726 : i32 to vector<16xi32>
      %add3A_728 = arith.addi %broadcast_in_dim3A_365, %add3A_727 : vector<16xi32>
      %gather3A_729 = tpu.vector_load_idx %arg12[%add3A_728] : memref<416xf32, #tpu.memory_space<vmem>>[vector<16xi32>], vector<16xf32>,
      %mul3A_730 = arith.constant 32 : i32
      %mul3A_731 = vector.broadcast %mul3A_730 : i32 to vector<16xi32>
      %mul3A_732 = arith.muli %gather3A_711, %mul3A_731 : vector<16xi32>
      %add3A_733 = arith.addi %mul3A_732, %add3A_477 : vector<16xi32>
      %gather3A_734 = tpu.vector_load_idx %arg11[%add3A_733] : memref<2560xf32, #tpu.memory_space<vmem>>[vector<16xi32>], vector<16xf32>,
      %neg3A_735 = arith.constant 0.000000e+00 : f32
      %neg3A_736 = vector.broadcast %neg3A_735 : f32 to vector<16xf32>
      %neg3A_737 = arith.subf %neg3A_736, %gather3A_734 : vector<16xf32>
      %exp3A_738 = math.exp %neg3A_737 : vector<16xf32>
      %add3A_739 = arith.constant 1.000000e+00 : f32
      %add3A_740 = vector.broadcast %add3A_739 : f32 to vector<16xf32>
      %add3A_741 = arith.addf %add3A_740, %exp3A_738 : vector<16xf32>
      %div3A_742 = arith.constant 1.000000e+00 : f32
      %div3A_743 = vector.broadcast %div3A_742 : f32 to vector<16xf32>
      %div3A_744 = arith.divf %div3A_743, %add3A_741 : vector<16xf32>
      %sub3A_745 = arith.subf %gather3A_724, %gather3A_714 : vector<16xf32>
      %sub3A_746 = arith.subf %gather3A_729, %gather3A_719 : vector<16xf32>
      %mul3A_747 = arith.mulf %sub3A_745, %sub3A_746 : vector<16xf32>
      %min3A_748 = arith.minimumf %get3A_469, %gather3A_724 : vector<16xf32>
      %max3A_749 = arith.maximumf %get3A_465, %gather3A_714 : vector<16xf32>
      %sub3A_750 = arith.subf %min3A_748, %max3A_749 : vector<16xf32>
      %max3A_751 = arith.constant 0.000000e+00 : f32
      %max3A_752 = vector.broadcast %max3A_751 : f32 to vector<16xf32>
      %max3A_753 = arith.maximumf %sub3A_750, %max3A_752 : vector<16xf32>
      %min3A_754 = arith.minimumf %get3A_471, %gather3A_729 : vector<16xf32>
      %max3A_755 = arith.maximumf %get3A_467, %gather3A_719 : vector<16xf32>
      %sub3A_756 = arith.subf %min3A_754, %max3A_755 : vector<16xf32>
      %max3A_757 = arith.constant 0.000000e+00 : f32
      %max3A_758 = vector.broadcast %max3A_757 : f32 to vector<16xf32>
      %max3A_759 = arith.maximumf %sub3A_756, %max3A_758 : vector<16xf32>
      %mul3A_760 = arith.mulf %max3A_753, %max3A_759 : vector<16xf32>
      %add3A_761 = arith.addf %mul3A_474, %mul3A_747 : vector<16xf32>
      %sub3A_762 = arith.subf %add3A_761, %mul3A_760 : vector<16xf32>
      %max3A_763 = arith.constant 9.99999997E-7 : f32
      %max3A_764 = vector.broadcast %max3A_763 : f32 to vector<16xf32>
      %max3A_765 = arith.maximumf %sub3A_762, %max3A_764 : vector<16xf32>
      %div3A_766 = arith.divf %mul3A_760, %max3A_765 : vector<16xf32>
      %mul3A_767 = arith.mulf %div3A_766, %div3A_766 : vector<16xf32>
      %mul3A_768 = arith.mulf %mul3A_767, %mul3A_767 : vector<16xf32>
      %mul3A_769 = arith.mulf %div3A_744, %mul3A_768 : vector<16xf32>
      %mul3A_770 = arith.constant 4 : i32
      %mul3A_771 = arith.muli %scan3A_577, %mul3A_770 : i32
      %add3A_772 = arith.constant 3 : i32
      %add3A_773 = arith.addi %mul3A_771, %add3A_772 : i32
      %add3A_774 = vector.broadcast %add3A_773 : i32 to vector<16xi32>
      %add3A_775 = arith.addi %broadcast_in_dim3A_365, %add3A_774 : vector<16xi32>
      %gather3A_776 = tpu.vector_load_idx %arg13[%add3A_775] : memref<100xi32, #tpu.memory_space<vmem>>[vector<16xi32>], vector<16xi32>,
      %add3A_777 = vector.broadcast %add3A_773 : i32 to vector<16xi32>
      %add3A_778 = arith.addi %broadcast_in_dim3A_365, %add3A_777 : vector<16xi32>
      %gather3A_779 = tpu.vector_load_idx %arg12[%add3A_778] : memref<416xf32, #tpu.memory_space<vmem>>[vector<16xi32>], vector<16xf32>,
      %add3A_780 = arith.constant 104 : i32
      %add3A_781 = arith.addi %add3A_780, %add3A_773 : i32
      %add3A_782 = vector.broadcast %add3A_781 : i32 to vector<16xi32>
      %add3A_783 = arith.addi %broadcast_in_dim3A_365, %add3A_782 : vector<16xi32>
      %gather3A_784 = tpu.vector_load_idx %arg12[%add3A_783] : memref<416xf32, #tpu.memory_space<vmem>>[vector<16xi32>], vector<16xf32>,
      %add3A_785 = arith.constant 208 : i32
      %add3A_786 = arith.addi %add3A_785, %add3A_773 : i32
      %add3A_787 = vector.broadcast %add3A_786 : i32 to vector<16xi32>
      %add3A_788 = arith.addi %broadcast_in_dim3A_365, %add3A_787 : vector<16xi32>
      %gather3A_789 = tpu.vector_load_idx %arg12[%add3A_788] : memref<416xf32, #tpu.memory_space<vmem>>[vector<16xi32>], vector<16xf32>,
      %add3A_790 = arith.constant 312 : i32
      %add3A_791 = arith.addi %add3A_790, %add3A_773 : i32
      %add3A_792 = vector.broadcast %add3A_791 : i32 to vector<16xi32>
      %add3A_793 = arith.addi %broadcast_in_dim3A_365, %add3A_792 : vector<16xi32>
      %gather3A_794 = tpu.vector_load_idx %arg12[%add3A_793] : memref<416xf32, #tpu.memory_space<vmem>>[vector<16xi32>], vector<16xf32>,
      %mul3A_795 = arith.constant 32 : i32
      %mul3A_796 = vector.broadcast %mul3A_795 : i32 to vector<16xi32>
      %mul3A_797 = arith.muli %gather3A_776, %mul3A_796 : vector<16xi32>
      %add3A_798 = arith.addi %mul3A_797, %add3A_477 : vector<16xi32>
      %gather3A_799 = tpu.vector_load_idx %arg11[%add3A_798] : memref<2560xf32, #tpu.memory_space<vmem>>[vector<16xi32>], vector<16xf32>,
      %neg3A_800 = arith.constant 0.000000e+00 : f32
      %neg3A_801 = vector.broadcast %neg3A_800 : f32 to vector<16xf32>
      %neg3A_802 = arith.subf %neg3A_801, %gather3A_799 : vector<16xf32>
      %exp3A_803 = math.exp %neg3A_802 : vector<16xf32>
      %add3A_804 = arith.constant 1.000000e+00 : f32
      %add3A_805 = vector.broadcast %add3A_804 : f32 to vector<16xf32>
      %add3A_806 = arith.addf %add3A_805, %exp3A_803 : vector<16xf32>
      %div3A_807 = arith.constant 1.000000e+00 : f32
      %div3A_808 = vector.broadcast %div3A_807 : f32 to vector<16xf32>
      %div3A_809 = arith.divf %div3A_808, %add3A_806 : vector<16xf32>
      %sub3A_810 = arith.subf %gather3A_789, %gather3A_779 : vector<16xf32>
      %sub3A_811 = arith.subf %gather3A_794, %gather3A_784 : vector<16xf32>
      %mul3A_812 = arith.mulf %sub3A_810, %sub3A_811 : vector<16xf32>
      %min3A_813 = arith.minimumf %get3A_469, %gather3A_789 : vector<16xf32>
      %max3A_814 = arith.maximumf %get3A_465, %gather3A_779 : vector<16xf32>
      %sub3A_815 = arith.subf %min3A_813, %max3A_814 : vector<16xf32>
      %max3A_816 = arith.constant 0.000000e+00 : f32
      %max3A_817 = vector.broadcast %max3A_816 : f32 to vector<16xf32>
      %max3A_818 = arith.maximumf %sub3A_815, %max3A_817 : vector<16xf32>
      %min3A_819 = arith.minimumf %get3A_471, %gather3A_794 : vector<16xf32>
      %max3A_820 = arith.maximumf %get3A_467, %gather3A_784 : vector<16xf32>
      %sub3A_821 = arith.subf %min3A_819, %max3A_820 : vector<16xf32>
      %max3A_822 = arith.constant 0.000000e+00 : f32
      %max3A_823 = vector.broadcast %max3A_822 : f32 to vector<16xf32>
      %max3A_824 = arith.maximumf %sub3A_821, %max3A_823 : vector<16xf32>
      %mul3A_825 = arith.mulf %max3A_818, %max3A_824 : vector<16xf32>
      %add3A_826 = arith.addf %mul3A_474, %mul3A_812 : vector<16xf32>
      %sub3A_827 = arith.subf %add3A_826, %mul3A_825 : vector<16xf32>
      %max3A_828 = arith.constant 9.99999997E-7 : f32
      %max3A_829 = vector.broadcast %max3A_828 : f32 to vector<16xf32>
      %max3A_830 = arith.maximumf %sub3A_827, %max3A_829 : vector<16xf32>
      %div3A_831 = arith.divf %mul3A_825, %max3A_830 : vector<16xf32>
      %mul3A_832 = arith.mulf %div3A_831, %div3A_831 : vector<16xf32>
      %mul3A_833 = arith.mulf %mul3A_832, %mul3A_832 : vector<16xf32>
      %mul3A_834 = arith.mulf %div3A_809, %mul3A_833 : vector<16xf32>
      %max3A_835 = arith.maximumf %mul3A_639, %mul3A_704 : vector<16xf32>
      %max3A_836 = arith.maximumf %mul3A_769, %mul3A_834 : vector<16xf32>
      %max3A_837 = arith.maximumf %max3A_835, %max3A_836 : vector<16xf32>
      %max3A_838 = arith.maximumf %scan3A_578, %max3A_837 : vector<16xf32>
      scf.yield %max3A_838 : vector<16xf32>
    }
    %scan3A_485 = arith.constant 25 : i32
    %max3A_486 = arith.constant 1.000000e-30 : f32
    %max3A_487 = vector.broadcast %max3A_486 : f32 to vector<16xf32>
    %max3A_488 = arith.maximumf %scan3A_484, %max3A_487 : vector<16xf32>
    %bitcast3A_489 = vector.bitcast %max3A_488 : vector<16xf32> to vector<16xi32>
    %jit3A_490 = arith.constant 5 : i32
    %div3A_491 = vector.broadcast %jit3A_490 : i32 to vector<16xi32>
    %div3A_492 = arith.divsi %bitcast3A_489, %div3A_491 : vector<16xi32>
    %sign3A_493 = arith.constant 0 : i32
    %sign3A_494 = vector.broadcast %sign3A_493 : i32 to vector<16xi32>
    %sign3A_495 = arith.cmpi sgt, %bitcast3A_489, %sign3A_494 : vector<16xi32>
    %sign3A_496 = arith.extui %sign3A_495 : vector<16xi1> to vector<16xi32>
    %sign3A_497 = arith.constant 0 : i32
    %sign3A_498 = vector.broadcast %sign3A_497 : i32 to vector<16xi32>
    %sign3A_499 = arith.cmpi slt, %bitcast3A_489, %sign3A_498 : vector<16xi32>
    %sign3A_500 = arith.extui %sign3A_499 : vector<16xi1> to vector<16xi32>
    %sign3A_501 = arith.subi %sign3A_496, %sign3A_500 : vector<16xi32>
    %sign3A_502 = arith.constant 0 : i32
    %sign3A_503 = arith.cmpi sgt, %jit3A_490, %sign3A_502 : i32
    %sign3A_504 = arith.extui %sign3A_503 : i1 to i32
    %sign3A_505 = arith.constant 0 : i32
    %sign3A_506 = arith.cmpi slt, %jit3A_490, %sign3A_505 : i32
    %sign3A_507 = arith.extui %sign3A_506 : i1 to i32
    %sign3A_508 = arith.subi %sign3A_504, %sign3A_507 : i32
    %ne3A_509 = vector.broadcast %sign3A_508 : i32 to vector<16xi32>
    %ne3A_510 = arith.cmpi ne, %sign3A_501, %ne3A_509 : vector<16xi32>
    %rem3A_511 = vector.broadcast %jit3A_490 : i32 to vector<16xi32>
    %rem3A_512 = arith.remsi %bitcast3A_489, %rem3A_511 : vector<16xi32>
    %ne3A_513 = arith.constant 0 : i32
    %ne3A_514 = vector.broadcast %ne3A_513 : i32 to vector<16xi32>
    %ne3A_515 = arith.cmpi ne, %rem3A_512, %ne3A_514 : vector<16xi32>
    %and3A_516 = arith.andi %ne3A_510, %ne3A_515 : vector<16xi1>
    %sub3A_517 = arith.constant 1 : i32
    %sub3A_518 = vector.broadcast %sub3A_517 : i32 to vector<16xi32>
    %sub3A_519 = arith.subi %div3A_492, %sub3A_518 : vector<16xi32>
    %select_n3A_520 = arith.select %and3A_516, %sub3A_519, %div3A_492 : vector<16xi1>, vector<16xi32>
    %add3A_521 = arith.constant 852282573 : i32
    %add3A_522 = vector.broadcast %add3A_521 : i32 to vector<16xi32>
    %add3A_523 = arith.addi %select_n3A_520, %add3A_522 : vector<16xi32>
    %bitcast3A_524 = vector.bitcast %add3A_523 : vector<16xi32> to vector<16xf32>
    %mul3A_525 = arith.mulf %bitcast3A_524, %bitcast3A_524 : vector<16xf32>
    %mul3A_526 = arith.constant 4.000000e+00 : f32
    %mul3A_527 = vector.broadcast %mul3A_526 : f32 to vector<16xf32>
    %mul3A_528 = arith.mulf %mul3A_527, %bitcast3A_524 : vector<16xf32>
    %mul3A_529 = arith.mulf %mul3A_525, %mul3A_525 : vector<16xf32>
    %div3A_530 = arith.divf %max3A_488, %mul3A_529 : vector<16xf32>
    %add3A_531 = arith.addf %mul3A_528, %div3A_530 : vector<16xf32>
    %mul3A_532 = arith.constant 2.000000e-01 : f32
    %mul3A_533 = vector.broadcast %mul3A_532 : f32 to vector<16xf32>
    %mul3A_534 = arith.mulf %mul3A_533, %add3A_531 : vector<16xf32>
    %mul3A_535 = arith.mulf %mul3A_534, %mul3A_534 : vector<16xf32>
    %mul3A_536 = arith.constant 4.000000e+00 : f32
    %mul3A_537 = vector.broadcast %mul3A_536 : f32 to vector<16xf32>
    %mul3A_538 = arith.mulf %mul3A_537, %mul3A_534 : vector<16xf32>
    %mul3A_539 = arith.mulf %mul3A_535, %mul3A_535 : vector<16xf32>
    %div3A_540 = arith.divf %max3A_488, %mul3A_539 : vector<16xf32>
    %add3A_541 = arith.addf %mul3A_538, %div3A_540 : vector<16xf32>
    %mul3A_542 = arith.constant 2.000000e-01 : f32
    %mul3A_543 = vector.broadcast %mul3A_542 : f32 to vector<16xf32>
    %mul3A_544 = arith.mulf %mul3A_543, %add3A_541 : vector<16xf32>
    %mul3A_545 = arith.mulf %mul3A_544, %mul3A_544 : vector<16xf32>
    %mul3A_546 = arith.constant 4.000000e+00 : f32
    %mul3A_547 = vector.broadcast %mul3A_546 : f32 to vector<16xf32>
    %mul3A_548 = arith.mulf %mul3A_547, %mul3A_544 : vector<16xf32>
    %mul3A_549 = arith.mulf %mul3A_545, %mul3A_545 : vector<16xf32>
    %div3A_550 = arith.divf %max3A_488, %mul3A_549 : vector<16xf32>
    %add3A_551 = arith.addf %mul3A_548, %div3A_550 : vector<16xf32>
    %mul3A_552 = arith.constant 2.000000e-01 : f32
    %mul3A_553 = vector.broadcast %mul3A_552 : f32 to vector<16xf32>
    %mul3A_554 = arith.mulf %mul3A_553, %add3A_551 : vector<16xf32>
    %mul3A_555 = arith.mulf %mul3A_554, %mul3A_554 : vector<16xf32>
    %mul3A_556 = arith.constant 4.000000e+00 : f32
    %mul3A_557 = vector.broadcast %mul3A_556 : f32 to vector<16xf32>
    %mul3A_558 = arith.mulf %mul3A_557, %mul3A_554 : vector<16xf32>
    %mul3A_559 = arith.mulf %mul3A_555, %mul3A_555 : vector<16xf32>
    %div3A_560 = arith.divf %max3A_488, %mul3A_559 : vector<16xf32>
    %add3A_561 = arith.addf %mul3A_558, %div3A_560 : vector<16xf32>
    %mul3A_562 = arith.constant 2.000000e-01 : f32
    %mul3A_563 = vector.broadcast %mul3A_562 : f32 to vector<16xf32>
    %mul3A_564 = arith.mulf %mul3A_563, %add3A_561 : vector<16xf32>
    %gt3A_565 = arith.constant 0.000000e+00 : f32
    %gt3A_566 = vector.broadcast %gt3A_565 : f32 to vector<16xf32>
    %gt3A_567 = arith.cmpf ogt, %scan3A_484, %gt3A_566 : vector<16xf32>
    %jit3A_568 = arith.constant 0.000000e+00 : f32
    %broadcast_in_dim3A_569 = vector.broadcast %jit3A_568 : f32 to vector<16xf32>
    %select_n3A_570 = arith.select %gt3A_567, %mul3A_564, %broadcast_in_dim3A_569 : vector<16xi1>, vector<16xf32>
    %swap3A_571 = arith.constant 16 : index
    %swap3A_572 = tpu.vector_load %arg14[%swap3A_571] {strides = array<i32>} : memref<32xf32, #tpu.memory_space<vmem>>, vector<16xf32>,
    tpu.vector_store %arg14[%swap3A_571], %select_n3A_570 {strides = array<i32>} : memref<32xf32, #tpu.memory_space<vmem>>, vector<16xf32>,
    %dma_start3A_573 = arith.constant 0 : i32
    %dma_start3A_574 = tpu.memref_slice %arg5[%dma_start3A_573] : memref<20000xf32, #tpu.memory_space<hbm>> -> memref<20000xf32, #tpu.memory_space<hbm>>
    tpu.enqueue_indirect_dma source(%arg14 : memref<32xf32, #tpu.memory_space<vmem>>) target(%dma_start3A_574 : memref<20000xf32, #tpu.memory_space<hbm>>) offsets(%arg7 : memref<32xi32, #tpu.memory_space<vmem>>) semaphore(%arg15 : memref<!tpu.dma_semaphore, #tpu.memory_space<semaphore_mem>>)
    %dma_wait3A_575 = arith.constant 0 : i32
    %dma_wait3A_576 = tpu.memref_slice %arg5[%dma_wait3A_575] : memref<20000xf32, #tpu.memory_space<hbm>> -> memref<20000xf32, #tpu.memory_space<hbm>>
    tpu.wait_indirect_dma semaphore(%arg15 : memref<!tpu.dma_semaphore, #tpu.memory_space<semaphore_mem>>) src(%arg14 : memref<32xf32, #tpu.memory_space<vmem>>) dst(%dma_wait3A_576 : memref<20000xf32, #tpu.memory_space<hbm>>)
    return
  }
}

module attributes {stable_mosaic.version = 14 : i64} {
  func.func @body(%arg0: i32, %arg1: memref<16x20000xf32, #tpu.memory_space<vmem>>, %arg2: memref<4x20000xf32, #tpu.memory_space<vmem>>, %arg3: memref<4x100xf32, #tpu.memory_space<vmem>>, %arg4: memref<321536xf32, #tpu.memory_space<vmem>>) attributes {dimension_semantics = [#tpu.dimension_semantics<arbitrary>], iteration_bounds = array<i64: 6>, scalar_prefetch = 0 : i64, scratch_operands = 0 : i64, tpu.core_type = #tpu.core_type<tc>, window_params = [{transform_indices = @transform_0, window_bounds = array<i64: 16, 20000>}, {pipeline_mode = #tpu.pipeline_mode<synchronous>, transform_indices = @transform_1, window_bounds = array<i64: 4, 20000>}, {pipeline_mode = #tpu.pipeline_mode<synchronous>, transform_indices = @transform_2, window_bounds = array<i64: 4, 100>}, {transform_indices = @transform_3, window_bounds = array<i64: 321536>}]} {
    %lt3A = arith.constant 5 : i32
    %lt3A_0 = arith.cmpi slt, %arg0, %lt3A : i32
    %convert_element_type3A = arith.extui %lt3A_0 : i1 to i32
    %cond3A = arith.constant 0 : i32
    %cond3A_1 = arith.cmpi ne, %convert_element_type3A, %cond3A : i32
    scf.if %cond3A_1 {
      %get3A = arith.constant 0 : index
      %get3A_6 = arith.constant 0 : index
      %get3A_7 = vector.load %arg1[%get3A, %get3A_6] : memref<16x20000xf32, #tpu.memory_space<vmem>>, vector<1x20000xf32>
      %get3A_8 = vector.shape_cast %get3A_7 : vector<1x20000xf32> to vector<20000xf32>
      %swap3A = arith.constant 0 : index
      %swap3A_9 = vector.load %arg4[%swap3A] : memref<321536xf32, #tpu.memory_space<vmem>>, vector<20000xf32>
      tpu.vector_store %arg4[%swap3A], %get3A_8 {strides = array<i32>} : memref<321536xf32, #tpu.memory_space<vmem>>, vector<20000xf32>,
      %get3A_10 = arith.constant 1 : index
      %get3A_11 = arith.constant 0 : index
      %get3A_12 = vector.load %arg1[%get3A_10, %get3A_11] : memref<16x20000xf32, #tpu.memory_space<vmem>>, vector<1x20000xf32>
      %get3A_13 = vector.shape_cast %get3A_12 : vector<1x20000xf32> to vector<20000xf32>
      %swap3A_14 = arith.constant 20096 : index
      %swap3A_15 = vector.load %arg4[%swap3A_14] : memref<321536xf32, #tpu.memory_space<vmem>>, vector<20000xf32>
      tpu.vector_store %arg4[%swap3A_14], %get3A_13 {strides = array<i32>} : memref<321536xf32, #tpu.memory_space<vmem>>, vector<20000xf32>,
      %get3A_16 = arith.constant 2 : index
      %get3A_17 = arith.constant 0 : index
      %get3A_18 = vector.load %arg1[%get3A_16, %get3A_17] : memref<16x20000xf32, #tpu.memory_space<vmem>>, vector<1x20000xf32>
      %get3A_19 = vector.shape_cast %get3A_18 : vector<1x20000xf32> to vector<20000xf32>
      %swap3A_20 = arith.constant 40192 : index
      %swap3A_21 = vector.load %arg4[%swap3A_20] : memref<321536xf32, #tpu.memory_space<vmem>>, vector<20000xf32>
      tpu.vector_store %arg4[%swap3A_20], %get3A_19 {strides = array<i32>} : memref<321536xf32, #tpu.memory_space<vmem>>, vector<20000xf32>,
      %get3A_22 = arith.constant 3 : index
      %get3A_23 = arith.constant 0 : index
      %get3A_24 = vector.load %arg1[%get3A_22, %get3A_23] : memref<16x20000xf32, #tpu.memory_space<vmem>>, vector<1x20000xf32>
      %get3A_25 = vector.shape_cast %get3A_24 : vector<1x20000xf32> to vector<20000xf32>
      %swap3A_26 = arith.constant 60288 : index
      %swap3A_27 = vector.load %arg4[%swap3A_26] : memref<321536xf32, #tpu.memory_space<vmem>>, vector<20000xf32>
      tpu.vector_store %arg4[%swap3A_26], %get3A_25 {strides = array<i32>} : memref<321536xf32, #tpu.memory_space<vmem>>, vector<20000xf32>,
      %get3A_28 = arith.constant 4 : index
      %get3A_29 = arith.constant 0 : index
      %get3A_30 = vector.load %arg1[%get3A_28, %get3A_29] : memref<16x20000xf32, #tpu.memory_space<vmem>>, vector<1x20000xf32>
      %get3A_31 = vector.shape_cast %get3A_30 : vector<1x20000xf32> to vector<20000xf32>
      %swap3A_32 = arith.constant 80384 : index
      %swap3A_33 = vector.load %arg4[%swap3A_32] : memref<321536xf32, #tpu.memory_space<vmem>>, vector<20000xf32>
      tpu.vector_store %arg4[%swap3A_32], %get3A_31 {strides = array<i32>} : memref<321536xf32, #tpu.memory_space<vmem>>, vector<20000xf32>,
      %get3A_34 = arith.constant 5 : index
      %get3A_35 = arith.constant 0 : index
      %get3A_36 = vector.load %arg1[%get3A_34, %get3A_35] : memref<16x20000xf32, #tpu.memory_space<vmem>>, vector<1x20000xf32>
      %get3A_37 = vector.shape_cast %get3A_36 : vector<1x20000xf32> to vector<20000xf32>
      %swap3A_38 = arith.constant 100480 : index
      %swap3A_39 = vector.load %arg4[%swap3A_38] : memref<321536xf32, #tpu.memory_space<vmem>>, vector<20000xf32>
      tpu.vector_store %arg4[%swap3A_38], %get3A_37 {strides = array<i32>} : memref<321536xf32, #tpu.memory_space<vmem>>, vector<20000xf32>,
      %get3A_40 = arith.constant 6 : index
      %get3A_41 = arith.constant 0 : index
      %get3A_42 = vector.load %arg1[%get3A_40, %get3A_41] : memref<16x20000xf32, #tpu.memory_space<vmem>>, vector<1x20000xf32>
      %get3A_43 = vector.shape_cast %get3A_42 : vector<1x20000xf32> to vector<20000xf32>
      %swap3A_44 = arith.constant 120576 : index
      %swap3A_45 = vector.load %arg4[%swap3A_44] : memref<321536xf32, #tpu.memory_space<vmem>>, vector<20000xf32>
      tpu.vector_store %arg4[%swap3A_44], %get3A_43 {strides = array<i32>} : memref<321536xf32, #tpu.memory_space<vmem>>, vector<20000xf32>,
      %get3A_46 = arith.constant 7 : index
      %get3A_47 = arith.constant 0 : index
      %get3A_48 = vector.load %arg1[%get3A_46, %get3A_47] : memref<16x20000xf32, #tpu.memory_space<vmem>>, vector<1x20000xf32>
      %get3A_49 = vector.shape_cast %get3A_48 : vector<1x20000xf32> to vector<20000xf32>
      %swap3A_50 = arith.constant 140672 : index
      %swap3A_51 = vector.load %arg4[%swap3A_50] : memref<321536xf32, #tpu.memory_space<vmem>>, vector<20000xf32>
      tpu.vector_store %arg4[%swap3A_50], %get3A_49 {strides = array<i32>} : memref<321536xf32, #tpu.memory_space<vmem>>, vector<20000xf32>,
      %get3A_52 = arith.constant 8 : index
      %get3A_53 = arith.constant 0 : index
      %get3A_54 = vector.load %arg1[%get3A_52, %get3A_53] : memref<16x20000xf32, #tpu.memory_space<vmem>>, vector<1x20000xf32>
      %get3A_55 = vector.shape_cast %get3A_54 : vector<1x20000xf32> to vector<20000xf32>
      %swap3A_56 = arith.constant 160768 : index
      %swap3A_57 = vector.load %arg4[%swap3A_56] : memref<321536xf32, #tpu.memory_space<vmem>>, vector<20000xf32>
      tpu.vector_store %arg4[%swap3A_56], %get3A_55 {strides = array<i32>} : memref<321536xf32, #tpu.memory_space<vmem>>, vector<20000xf32>,
      %get3A_58 = arith.constant 9 : index
      %get3A_59 = arith.constant 0 : index
      %get3A_60 = vector.load %arg1[%get3A_58, %get3A_59] : memref<16x20000xf32, #tpu.memory_space<vmem>>, vector<1x20000xf32>
      %get3A_61 = vector.shape_cast %get3A_60 : vector<1x20000xf32> to vector<20000xf32>
      %swap3A_62 = arith.constant 180864 : index
      %swap3A_63 = vector.load %arg4[%swap3A_62] : memref<321536xf32, #tpu.memory_space<vmem>>, vector<20000xf32>
      tpu.vector_store %arg4[%swap3A_62], %get3A_61 {strides = array<i32>} : memref<321536xf32, #tpu.memory_space<vmem>>, vector<20000xf32>,
      %get3A_64 = arith.constant 10 : index
      %get3A_65 = arith.constant 0 : index
      %get3A_66 = vector.load %arg1[%get3A_64, %get3A_65] : memref<16x20000xf32, #tpu.memory_space<vmem>>, vector<1x20000xf32>
      %get3A_67 = vector.shape_cast %get3A_66 : vector<1x20000xf32> to vector<20000xf32>
      %swap3A_68 = arith.constant 200960 : index
      %swap3A_69 = vector.load %arg4[%swap3A_68] : memref<321536xf32, #tpu.memory_space<vmem>>, vector<20000xf32>
      tpu.vector_store %arg4[%swap3A_68], %get3A_67 {strides = array<i32>} : memref<321536xf32, #tpu.memory_space<vmem>>, vector<20000xf32>,
      %get3A_70 = arith.constant 11 : index
      %get3A_71 = arith.constant 0 : index
      %get3A_72 = vector.load %arg1[%get3A_70, %get3A_71] : memref<16x20000xf32, #tpu.memory_space<vmem>>, vector<1x20000xf32>
      %get3A_73 = vector.shape_cast %get3A_72 : vector<1x20000xf32> to vector<20000xf32>
      %swap3A_74 = arith.constant 221056 : index
      %swap3A_75 = vector.load %arg4[%swap3A_74] : memref<321536xf32, #tpu.memory_space<vmem>>, vector<20000xf32>
      tpu.vector_store %arg4[%swap3A_74], %get3A_73 {strides = array<i32>} : memref<321536xf32, #tpu.memory_space<vmem>>, vector<20000xf32>,
      %get3A_76 = arith.constant 12 : index
      %get3A_77 = arith.constant 0 : index
      %get3A_78 = vector.load %arg1[%get3A_76, %get3A_77] : memref<16x20000xf32, #tpu.memory_space<vmem>>, vector<1x20000xf32>
      %get3A_79 = vector.shape_cast %get3A_78 : vector<1x20000xf32> to vector<20000xf32>
      %swap3A_80 = arith.constant 241152 : index
      %swap3A_81 = vector.load %arg4[%swap3A_80] : memref<321536xf32, #tpu.memory_space<vmem>>, vector<20000xf32>
      tpu.vector_store %arg4[%swap3A_80], %get3A_79 {strides = array<i32>} : memref<321536xf32, #tpu.memory_space<vmem>>, vector<20000xf32>,
      %get3A_82 = arith.constant 13 : index
      %get3A_83 = arith.constant 0 : index
      %get3A_84 = vector.load %arg1[%get3A_82, %get3A_83] : memref<16x20000xf32, #tpu.memory_space<vmem>>, vector<1x20000xf32>
      %get3A_85 = vector.shape_cast %get3A_84 : vector<1x20000xf32> to vector<20000xf32>
      %swap3A_86 = arith.constant 261248 : index
      %swap3A_87 = vector.load %arg4[%swap3A_86] : memref<321536xf32, #tpu.memory_space<vmem>>, vector<20000xf32>
      tpu.vector_store %arg4[%swap3A_86], %get3A_85 {strides = array<i32>} : memref<321536xf32, #tpu.memory_space<vmem>>, vector<20000xf32>,
      %get3A_88 = arith.constant 14 : index
      %get3A_89 = arith.constant 0 : index
      %get3A_90 = vector.load %arg1[%get3A_88, %get3A_89] : memref<16x20000xf32, #tpu.memory_space<vmem>>, vector<1x20000xf32>
      %get3A_91 = vector.shape_cast %get3A_90 : vector<1x20000xf32> to vector<20000xf32>
      %swap3A_92 = arith.constant 281344 : index
      %swap3A_93 = vector.load %arg4[%swap3A_92] : memref<321536xf32, #tpu.memory_space<vmem>>, vector<20000xf32>
      tpu.vector_store %arg4[%swap3A_92], %get3A_91 {strides = array<i32>} : memref<321536xf32, #tpu.memory_space<vmem>>, vector<20000xf32>,
      %get3A_94 = arith.constant 15 : index
      %get3A_95 = arith.constant 0 : index
      %get3A_96 = vector.load %arg1[%get3A_94, %get3A_95] : memref<16x20000xf32, #tpu.memory_space<vmem>>, vector<1x20000xf32>
      %get3A_97 = vector.shape_cast %get3A_96 : vector<1x20000xf32> to vector<20000xf32>
      %swap3A_98 = arith.constant 301440 : index
      %swap3A_99 = vector.load %arg4[%swap3A_98] : memref<321536xf32, #tpu.memory_space<vmem>>, vector<20000xf32>
      tpu.vector_store %arg4[%swap3A_98], %get3A_97 {strides = array<i32>} : memref<321536xf32, #tpu.memory_space<vmem>>, vector<20000xf32>,
    } else {
    }
    %eq3A = arith.constant 5 : i32
    %eq3A_2 = arith.cmpi eq, %arg0, %eq3A : i32
    %convert_element_type3A_3 = arith.extui %eq3A_2 : i1 to i32
    %cond3A_4 = arith.constant 0 : i32
    %cond3A_5 = arith.cmpi ne, %convert_element_type3A_3, %cond3A_4 : i32
    scf.if %cond3A_5 {
      %get3A = arith.constant 0 : index
      %get3A_6 = arith.constant 0 : index
      %get3A_7 = vector.load %arg2[%get3A, %get3A_6] : memref<4x20000xf32, #tpu.memory_space<vmem>>, vector<1x20000xf32>
      %get3A_8 = vector.shape_cast %get3A_7 : vector<1x20000xf32> to vector<20000xf32>
      %swap3A = arith.constant 0 : index
      %swap3A_9 = vector.load %arg4[%swap3A] : memref<321536xf32, #tpu.memory_space<vmem>>, vector<20000xf32>
      tpu.vector_store %arg4[%swap3A], %get3A_8 {strides = array<i32>} : memref<321536xf32, #tpu.memory_space<vmem>>, vector<20000xf32>,
      %get3A_10 = arith.constant 0 : index
      %get3A_11 = arith.constant 0 : index
      %get3A_12 = vector.load %arg3[%get3A_10, %get3A_11] : memref<4x100xf32, #tpu.memory_space<vmem>>, vector<1x100xf32>
      %get3A_13 = vector.shape_cast %get3A_12 : vector<1x100xf32> to vector<100xf32>
      %swap3A_14 = arith.constant 160768 : index
      %swap3A_15 = vector.load %arg4[%swap3A_14] : memref<321536xf32, #tpu.memory_space<vmem>>, vector<100xf32>
      tpu.vector_store %arg4[%swap3A_14], %get3A_13 {strides = array<i32>} : memref<321536xf32, #tpu.memory_space<vmem>>, vector<100xf32>,
      %get3A_16 = arith.constant 1 : index
      %get3A_17 = arith.constant 0 : index
      %get3A_18 = vector.load %arg2[%get3A_16, %get3A_17] : memref<4x20000xf32, #tpu.memory_space<vmem>>, vector<1x20000xf32>
      %get3A_19 = vector.shape_cast %get3A_18 : vector<1x20000xf32> to vector<20000xf32>
      %swap3A_20 = arith.constant 20096 : index
      %swap3A_21 = vector.load %arg4[%swap3A_20] : memref<321536xf32, #tpu.memory_space<vmem>>, vector<20000xf32>
      tpu.vector_store %arg4[%swap3A_20], %get3A_19 {strides = array<i32>} : memref<321536xf32, #tpu.memory_space<vmem>>, vector<20000xf32>,
      %get3A_22 = arith.constant 1 : index
      %get3A_23 = arith.constant 0 : index
      %get3A_24 = vector.load %arg3[%get3A_22, %get3A_23] : memref<4x100xf32, #tpu.memory_space<vmem>>, vector<1x100xf32>
      %get3A_25 = vector.shape_cast %get3A_24 : vector<1x100xf32> to vector<100xf32>
      %swap3A_26 = arith.constant 180864 : index
      %swap3A_27 = vector.load %arg4[%swap3A_26] : memref<321536xf32, #tpu.memory_space<vmem>>, vector<100xf32>
      tpu.vector_store %arg4[%swap3A_26], %get3A_25 {strides = array<i32>} : memref<321536xf32, #tpu.memory_space<vmem>>, vector<100xf32>,
      %get3A_28 = arith.constant 2 : index
      %get3A_29 = arith.constant 0 : index
      %get3A_30 = vector.load %arg2[%get3A_28, %get3A_29] : memref<4x20000xf32, #tpu.memory_space<vmem>>, vector<1x20000xf32>
      %get3A_31 = vector.shape_cast %get3A_30 : vector<1x20000xf32> to vector<20000xf32>
      %swap3A_32 = arith.constant 40192 : index
      %swap3A_33 = vector.load %arg4[%swap3A_32] : memref<321536xf32, #tpu.memory_space<vmem>>, vector<20000xf32>
      tpu.vector_store %arg4[%swap3A_32], %get3A_31 {strides = array<i32>} : memref<321536xf32, #tpu.memory_space<vmem>>, vector<20000xf32>,
      %get3A_34 = arith.constant 2 : index
      %get3A_35 = arith.constant 0 : index
      %get3A_36 = vector.load %arg3[%get3A_34, %get3A_35] : memref<4x100xf32, #tpu.memory_space<vmem>>, vector<1x100xf32>
      %get3A_37 = vector.shape_cast %get3A_36 : vector<1x100xf32> to vector<100xf32>
      %swap3A_38 = arith.constant 200960 : index
      %swap3A_39 = vector.load %arg4[%swap3A_38] : memref<321536xf32, #tpu.memory_space<vmem>>, vector<100xf32>
      tpu.vector_store %arg4[%swap3A_38], %get3A_37 {strides = array<i32>} : memref<321536xf32, #tpu.memory_space<vmem>>, vector<100xf32>,
      %get3A_40 = arith.constant 3 : index
      %get3A_41 = arith.constant 0 : index
      %get3A_42 = vector.load %arg2[%get3A_40, %get3A_41] : memref<4x20000xf32, #tpu.memory_space<vmem>>, vector<1x20000xf32>
      %get3A_43 = vector.shape_cast %get3A_42 : vector<1x20000xf32> to vector<20000xf32>
      %swap3A_44 = arith.constant 60288 : index
      %swap3A_45 = vector.load %arg4[%swap3A_44] : memref<321536xf32, #tpu.memory_space<vmem>>, vector<20000xf32>
      tpu.vector_store %arg4[%swap3A_44], %get3A_43 {strides = array<i32>} : memref<321536xf32, #tpu.memory_space<vmem>>, vector<20000xf32>,
      %get3A_46 = arith.constant 3 : index
      %get3A_47 = arith.constant 0 : index
      %get3A_48 = vector.load %arg3[%get3A_46, %get3A_47] : memref<4x100xf32, #tpu.memory_space<vmem>>, vector<1x100xf32>
      %get3A_49 = vector.shape_cast %get3A_48 : vector<1x100xf32> to vector<100xf32>
      %swap3A_50 = arith.constant 221056 : index
      %swap3A_51 = vector.load %arg4[%swap3A_50] : memref<321536xf32, #tpu.memory_space<vmem>>, vector<100xf32>
      tpu.vector_store %arg4[%swap3A_50], %get3A_49 {strides = array<i32>} : memref<321536xf32, #tpu.memory_space<vmem>>, vector<100xf32>,
    } else {
    }
    return
  }
  func.func @transform_0(%arg0: i32) -> (i32, i32) {
    %min3A = arith.constant 4 : i32
    %min3A_0 = arith.minsi %arg0, %min3A : i32
    %c0_i32 = arith.constant 0 : i32
    %c0_i32_1 = arith.constant 0 : i32
    return %min3A_0, %c0_i32 : i32, i32
  }
  func.func @transform_1(%arg0: i32) -> (i32, i32) {
    %c0_i32 = arith.constant 0 : i32
    %c0_i32_0 = arith.constant 0 : i32
    %c0_i32_1 = arith.constant 0 : i32
    return %c0_i32, %c0_i32_0 : i32, i32
  }
  func.func @transform_2(%arg0: i32) -> (i32, i32) {
    %c0_i32 = arith.constant 0 : i32
    %c0_i32_0 = arith.constant 0 : i32
    %c0_i32_1 = arith.constant 0 : i32
    return %c0_i32, %c0_i32_0 : i32, i32
  }
  func.func @transform_3(%arg0: i32) -> i32 {
    %c0_i32 = arith.constant 0 : i32
    return %arg0 : i32
  }
}

</mosaic_0001>

<sc_bundles>
// kernel: kernel.4.cloned.1.call-start
scs
__scs_entry_jumppad:
0x0: {  	(pc) =	sbr.rel $0x88, $3  }
0x1: {  	(tag) =	ssettag $0x0;
	lr =	simm.s32 $0x1  }
0x2: {  	[smem:$0x3F9C] =	sst lr;
	_ =	strace $0xD0000000  }
0x3: {  	_ = 	snop  }
0x4: {  	_ = 	snop  }
0x5: {  	_ = 	snop  }
0x6: {  	_ = 	snop  }
0x7: {  	_ = 	snop  }
__scs_overlays_trampoline_lowered:
0x8: {  	[smem:$0x3FAB] =	sst s0  }
0x9: {  	[smem:$0x3FAC] =	sst s1  }
0xa: {  	[smem:$0x3FAD] =	sst s2  }
0xb: {  	[smem:$0x3FAE] =	sst s3  }
0xc: {  	[smem:$0x3FAF] =	sst s4  }
0xd: {  	[smem:$0x3FB0] =	sst s5  }
0xe: {  	[smem:$0x3FB1] =	sst s6  }
0xf: {  	[smem:$0x3FB2] =	sst s7  }
0x10: {  	[smem:$0x3FB3] =	sst s8  }
0x11: {  	[smem:$0x3FB4] =	sst s9;
	s0 =	simm.s32 @!p0 $0x0  }
0x12: {  	s1 =	sld [smem:$0x3F9A];
	s0 =	simm.s32 @p0 $0x1  }
0x13: {  	[smem:$0x3FB5] =	sst s0;
	s0 =	simm.s32 @!p1 $0x0  }
0x14: {  	s2 =	sld [smem:$0x3F99];
	s0 =	simm.s32 @p1 $0x1  }
0x15: {  	[smem:$0x3FB6] =	sst s0;
	s0 =	simm.s32 @!p2 $0x0  }
0x16: {  	s3 =	sld [smem:$0x3FDB];
	s0 =	simm.s32 @p2 $0x1  }
0x17: {  	s4 =	simm.s32 $0x1BF5;
	[smem:$0x3FB8] =	sst s0  }
0x18: {  	s0 =	sld [smem:$0x3F9B];
	_ =	swait.ge [sflag:s4], $0x0  }
0x19: {  	s7 =	sld [smem:$0x3F9C]  }
0x1a: {  	s8 =	sadd.s32 $0xFFFFE003, lr  }
0x1b: {  	s9 =	sadd.s32 $0xFFFFFEF7, lr;
	s5 =	simm.s32 $0xFFFFFFFF;
	p2 =	slt.u32 s8, $0xFFFFF086  }
0x1c: {  	p1 =	slt.u32 s9, $0xF7A;
	s5 =	simm.s32 @!p2 $0x0  }
0x1d: {  	s5 =	simm.s32 @p1 $0x1;
	p0 =	seq.s32 s7, s2  }
0x1e: {  	s7 =	smul.u32 @!p0 $0xF7A, s2;
	p2 =	seq.s32 @!p0 s5, $0x0  }
0x1f: {  	s9 =	smul.u32 $0xF7A, s1;
	s8 =	simm.s32 @!p0 $0x1BF5;
	p2 =	por !p2, p0  }
0x20: {  	[sflag:s8] =	ssyncset.s32 @!p0 $0xFFFFF086;
	s6 =	sadd.s32 @!p0 s3, s7;
	s7 =	simm.s32 @!p0 $0x108  }
0x21: {  	s3 =	sadd.s32 s3, s9;
	s6 =	sadd.s32 @!p0 $0x88, s6;
	s7 =	simm.s32 @p2 $0x1082  }
0x22: {  	[simem:s7], [sflag:s8] =	dma.local @!p0 [hbm:s6], $0xF7A  }
0x23: {  	s9 =	sor.u32 $0xD0000000, s2;
	s6 =	simm.s32 $0x108;
	_ =	swait.ge @!p0 [sflag:s8], $0x0  }
0x24: {  	s3 =	sadd.s32 $0x88, s3;
	s6 =	simm.s32 @!p1 $0x1082;
	[sflag:s4] =	ssyncset.s32 $0xFFFFF086  }
0x25: {  	[simem:s6], [sflag:s4] =	dma.local [hbm:s3], $0xF7A  }
0x26: {  	[smem:$0x3F9C] =	sst s1;
	(tag) =	ssettag s2;
	_ =	strace s9  }
0x27: {  	s1 =	sld [smem:$0x3FAC]  }
0x28: {  	s2 =	sld [smem:$0x3FAD]  }
0x29: {  	s4 =	sld [smem:$0x3FAF]  }
0x2a: {  	p0 =	seq.s32 s5, $0x0;
	s5 =	sld [smem:$0x3FB0]  }
0x2b: {  	s6 =	sld [smem:$0x3FB1]  }
0x2c: {  	s7 =	sld [smem:$0x3FB2]  }
0x2d: {  	s3 =	simm.s32 $0x108;
	s8 =	sld [smem:$0x3FB3]  }
0x2e: {  	s3 =	simm.s32 @!p0 $0x1082;
	s9 =	sld [smem:$0x3FB4]  }
0x2f: {  	lr =	sadd.s32 s0, s3;
	s0 =	sld [smem:$0x3FAB]  }
0x30: {  	s3 =	sld [smem:$0x3FAE]  }
0x31: {  	[smem:$0x3FB7] =	sst s10  }
0x32: {  	s10 =	sld [smem:$0x3FB5];
	_ =	sdelay $0x3  }
0x33: {  	p0 =	seq.s32 s10, $0x1;
	s10 =	sld [smem:$0x3FB7];
	_ =	sdelay $0x3  }
0x34: {  	[smem:$0x3FB7] =	sst s10  }
0x35: {  	s10 =	sld [smem:$0x3FB6];
	_ =	sdelay $0x3  }
0x36: {  	p1 =	seq.s32 s10, $0x1;
	s10 =	sld [smem:$0x3FB7];
	_ =	sdelay $0x3  }
0x37: {  	[smem:$0x3FB7] =	sst s10  }
0x38: {  	s10 =	sld [smem:$0x3FB8]  }
0x39: {  	_ = 	snop;
	(pc) =	sbr.ind lr, $3  }
0x3a: {  	_ = 	snop  }
0x3b: {  	_ = 	snop  }
0x3c: {  	p2 =	seq.s32 s10, $0x1;
	s10 =	sld [smem:$0x3FB7]  }
0x3d: {  	_ =	shalt  }
0x3e: {  	_ =	shalt  }
0x3f: {  	_ =	shalt  }
0x40: {  	_ =	shalt  }
0x41: {  	_ =	shalt  }
0x42: {  	_ =	shalt  }
0x43: {  	_ =	shalt  }
0x44: {  	_ =	shalt  }
0x45: {  	_ =	shalt  }
0x46: {  	_ =	shalt  }
0x47: {  	_ =	shalt  }
0x48: {  	_ =	shalt  }
0x49: {  	_ =	shalt  }
0x4a: {  	_ =	shalt  }
0x4b: {  	_ =	shalt  }
0x4c: {  	_ =	shalt  }
0x4d: {  	_ =	shalt  }
0x4e: {  	_ =	shalt  }
0x4f: {  	_ =	shalt  }
0x50: {  	_ =	shalt  }
0x51: {  	_ =	shalt  }
0x52: {  	_ =	shalt  }
0x53: {  	_ =	shalt  }
0x54: {  	_ =	shalt  }
0x55: {  	_ =	shalt  }
0x56: {  	_ =	shalt  }
0x57: {  	_ =	shalt  }
0x58: {  	_ =	shalt  }
0x59: {  	_ =	shalt  }
0x5a: {  	_ =	shalt  }
0x5b: {  	_ =	shalt  }
0x5c: {  	_ =	shalt  }
0x5d: {  	_ =	shalt  }
0x5e: {  	_ =	shalt  }
0x5f: {  	_ =	shalt  }
0x60: {  	_ =	shalt  }
0x61: {  	_ =	shalt  }
0x62: {  	_ =	shalt  }
0x63: {  	_ =	shalt  }
0x64: {  	_ =	shalt  }
0x65: {  	_ =	shalt  }
0x66: {  	_ =	shalt  }
0x67: {  	_ =	shalt  }
0x68: {  	_ =	shalt  }
0x69: {  	_ =	shalt  }
0x6a: {  	_ =	shalt  }
0x6b: {  	_ =	shalt  }
0x6c: {  	_ =	shalt  }
0x6d: {  	_ =	shalt  }
0x6e: {  	_ =	shalt  }
0x6f: {  	_ =	shalt  }
0x70: {  	_ =	shalt  }
0x71: {  	_ =	shalt  }
0x72: {  	_ =	shalt  }
0x73: {  	_ =	shalt  }
0x74: {  	_ =	shalt  }
0x75: {  	_ =	shalt  }
0x76: {  	_ =	shalt  }
0x77: {  	_ =	shalt  }
0x78: {  	_ =	shalt  }
0x79: {  	_ =	shalt  }
0x7a: {  	_ =	shalt  }
0x7b: {  	_ =	shalt  }
0x7c: {  	_ =	shalt  }
0x7d: {  	_ =	shalt  }
0x7e: {  	_ =	shalt  }
0x7f: {  	_ =	shalt  }
0x80: {  	_ =	shalt  }
0x81: {  	_ =	shalt  }
0x82: {  	_ =	shalt  }
0x83: {  	_ =	shalt  }
0x84: {  	_ =	shalt  }
0x85: {  	_ =	shalt  }
0x86: {  	_ =	shalt  }
0x87: {  	_ =	shalt  }
.Lfunc_end0:
.L_simem_size_0:
called_computation_lowered:
.L_overlay_start_0:
0x88: {  	s0 =	sld [smem:$0x3FD9]  }
0x89: {  	s1 =	sld [smem:$0x3FFE];
	_ =	sdelay $0x3  }
0x8a: {  	s0 =	sadd.s32 s1, s0  }
0x8b: {  	[smem:$0x3FC3] =	sst s0  }
0x8c: {  	_ = 	snop  }
0x8d: {  	s0 =	sld [smem:$0x3FC6]  }
0x8e: {  	s16 =	sld [smem:$0x3FC5]  }
0x8f: {  	s2 =	sld [smem:$0x3FD0];
	(tm) =	ssettm $0x1  }
0x90: {  	s3 =	sld [smem:$0x3FFB];
	_ =	sdelay $0x3  }
0x91: {  	_ =	strace s3  }
0x92: {  	s3 =	sld [smem:$0x3FFC];
	_ =	sdelay $0x3  }
0x93: {  	_ =	strace s3  }
0x94: {  	s3 =	sld [smem:$0x3FFD];
	_ =	sdelay $0x3  }
0x95: {  	_ =	strace s3  }
0x96: {  	_ =	strace $0x8FFFFFFF  }
0x97: {  	s17 =	sld [smem:$0x3FDB];
	_ =	sdelay $0x1  }
0x98: {  	s4 =	simm.s32 $_scs_section_size  }
0x99: {  	s5 =	simm.s32 $_size__tile_overlayer_lowered;
	s6 =	simm.s32 $_tile_overlayer_lowered  }
0x9a: {  	s20 =	simm.s32 $0x1BFF;
	s19 =	sshll.u32 s6, $0x1;
	s3 =	sadd.s32 s4, s17  }
0x9b: {  	s7 =	simm.s32 $0x0;
	s18 =	sshll.u32 s5, $0x1;
	s5 =	sadd.s32 s19, s3  }
0x9c: {  	[timem:s7], [sflag:s20] =	dma.local [hbm:s5], s18  }
0x9d: {  	_ =	swait.ge [sflag:s20], s18  }
0x9e: {  	s4 =	ssub.s32 $0x0, s18;
	[sflag:s20] =	ssyncset.done $0x0  }
0x9f: {  	[sflag:s20] =	ssyncadd.s32 s4;
	_ =	sdelay $0x1  }
0xa0: {  	s21 =	simm.s32 $0x1B8B  }
0xa1: {  	_ =	swait.ge [sflag:s21], $0x1  }
0xa2: {  	[sflag:s21] =	ssyncset.done $0x0  }
0xa3: {  	s23 =	simm.s32 $0x1B8E;
	s22 =	sld [smem:$0x3FFE];
	[sflag:s21] =	ssyncadd.s32 $0xFFFFFFFF  }
0xa4: {  	s24 =	simm.s32 $execute0_lowered;
	[smem:$0x3FD2] =	sst s23  }
0xa5: {  	s5 =	sshll.u32 s24, $0x1;
	_ =	strace $0x80000046;
	[dreg:$0x1] =	wrdreg $0xFFFFFFFF  }
0xa6: {  	s25 =	simm.s32 $_size_execute0_lowered;
	s3 =	sadd.s32 s3, s5;
	[dreg:$0x0] =	wrdreg $0x0  }
0xa7: {  	s5 =	sshll.u32 s25, $0x1;
	[dreg:$0x2] =	wrdreg s3  }
0xa8: {  	[dreg:$0x3] =	wrdreg s5  }
0xa9: {  	[dreg:$0x4] =	wrdreg $0xC0  }
0xaa: {  	_ =	task [dreg:s7], $0x5FFFF  }
0xab: {  	[dreg:$0x1] =	wrdreg $0xFFFFFFFF  }
0xac: {  	[dreg:$0x0] =	wrdreg $0x60  }
0xad: {  	[dreg:$0x2] =	wrdreg s22  }
0xae: {  	[dreg:$0x3] =	wrdreg s0  }
0xaf: {  	[dreg:$0x4] =	wrdreg s16  }
0xb0: {  	[dreg:$0x5] =	wrdreg s2  }
0xb1: {  	[dreg:$0x6] =	wrdreg $0x9  }
0xb2: {  	_ =	task.clear_ibuf [dreg:s7], $0x7FFFF;
	_ =	strace $0x90000046  }
0xb3: {  	s26 =	simm.s32 $0x9;
	_ =	strace $0x80000048  }
0xb4: {  	_ =	swait.ge [sflag:s26], $0x1  }
0xb5: {  	[sflag:s26] =	ssyncadd.s32 $0xFFFFFFFF  }
0xb6: {  	_ =	strace $0x90000048  }
0xb7: {  	_ =	sfence  }
0xb8: {  	s28 =	sld [smem:$0x0];
	_ =	sdelay $0x1  }
0xb9: {  	s29 =	srdreg.scid  }
0xba: {  	s30 =	sshll.u32 s29, $0xD;
	s31 =	sshrl.u32 s29, $0x2  }
0xbb: {  	s1 =	sand.u32 $0x1, s29;
	s2 =	sand.u32 $0x4000, s30;
	s0 =	sadd.s32 s31, s28  }
0xbc: {  	s1 =	sor.u32 s2, s1;
	s0 =	sshll.u32 s0, $0x11  }
0xbd: {  	s0 =	sor.u32 s0, s1  }
0xbe: {  	s0 =	sadd.s32 $0x8F2B, s0  }
0xbf: {  	[sflag:s0] =	ssyncadd.remote.s32 $0x1  }
0xc0: {  	_ =	sfence.sel $0xFFFF  }
0xc1: {  	[dreg:$0x0] =	wrdreg $0xFFFFFFFF;
	(pc) =	sbr.abs _section_cstart, $3  }
0xc2: {  	[dreg:$0x1] =	wrdreg $0xFFFFFFFF  }
0xc3: {  	_ =	task.clear_ibuf [dreg:s7], $0x2FFFF;
	_ =	strace $0x9FFFFFFF  }
0xc4: {  	(tm) =	ssettm $0x7FFFFFFF  }
0xc5: {  	_ =	shalt  }
tec
execute0_lowered:
.L_overlay_start_1:
0x0: {  	(tag) =	ssettag $0x1  }
0x1: {  	s1 =	rddreg [dreg:$0x0]  }
0x2: {  	s3 =	rddreg [dreg:$0x1]  }
0x3: {  	s5 =	rddreg [dreg:$0x2]  }
0x4: {  	s2 =	rddreg [dreg:$0x3]  }
0x5: {  	s0 =	rddreg [dreg:$0x4];
	s4 =	simm.s32 $0x0  }
0x6: {  	s6 =	simm.s32 $0x40;
	s7 =	simm.s32 $0x0;
	[smem:$0x7FF] =	sst s4  }
0x7: {  	v0 =	vimm.f32 $0.0e+00;
	s4 =	sadd.s32 $0xC00, s1;
	s1 =	stileid.u32;
	_ =	strace $0x80000047  }
.LBB2_1:
0x8: {  	p0 =	sne.s32 s6, $0x1380;
	[tilespmem:s7+$0x0] =	vst v0;
	s7 =	smov.u32 s6;
	s6 =	sadd.s32 $0x40, s6  }
.Ltmp0:
0x9: {  	(pc) =	sbr.rel @p0 .LBB2_1-.Ltmp0, $2  }
0xa: {  	_ =	sdelay $0x2  }
0xb: {  	s7 =	sshra.s32 s7, $0x2  }
0xc: {  	p0 =	seq.s32 s1, $0xF  }
0xd: {  	[tilespmem:s7+$0x0] =	vst v0;
	s6 =	sadd.s32 @p0 $0x942, s2;
	s7 =	simm.s32 @p0 $0x0  }
0xe: {  	[hbm4b:s6+s7] =	stream.linear.scatter @p0 [tilespmem:s7], [sflag:$0x4], $0x410, $0x38;
	[tilespmem:$0x1C38] =	vst v63  }
0xf: {  	s6 =	simm.s32 @p0 $0x4  }
0x10: {  	s7 =	smul.u32 @!p0 $0x9E, s1;
	_ =	swait.ge @p0 [sflag:s6], $0x410  }
0x11: {  	[sflag:s6] =	ssyncset.done @p0 $0x0  }
0x12: {  	[sflag:s6] =	ssyncadd.s32 @p0 $0xFFFFFBF0;
	s6 =	sadd.s32 @!p0 s2, s7;
	s7 =	simm.s32 @!p0 $0x0  }
0x13: {  	[hbm4b:s6+s7] =	stream.linear.scatter @!p0 [tilespmem:s7], [sflag:$0x4], $0x4F0, $0x38;
	[tilespmem:$0x1C38] =	vst v63  }
0x14: {  	s6 =	simm.s32 @!p0 $0x4  }
0x15: {  	_ =	swait.ge @!p0 [sflag:s6], $0x4F0  }
0x16: {  	[sflag:s6] =	ssyncset.done @!p0 $0x0  }
0x17: {  	[sflag:s6] =	ssyncadd.s32 @!p0 $0xFFFFFB10  }
0x18: {  	s16 =	simm.s32 $0x0;
	s17 =	simm.s32 $0x1BB0;
	[bflag:$0x0] =	sbarrier.arrive $0xFFFF  }
0x19: {  	[tilespmem:s17], [sflag:$0x3] =	stream.linear.gather [hbm4b:s5+s16], $0x68, $0x38;
	[tilespmem:$0x1C38] =	vst v63  }
0x1a: {  	s18 =	sadd.s32 $0x35F80, s4;
	s19 =	simm.s32 $0x1A10  }
0x1b: {  	[tilespmem:s19], [sflag:$0x3] =	stream.linear.gather [hbm4b:s18+s16], $0x64, $0x38;
	[tilespmem:$0x1C38] =	vst v63  }
0x1c: {  	s20 =	sadd.s32 $0x36950, s4;
	s21 =	simm.s32 $0x1A78  }
0x1d: {  	[tilespmem:s21], [sflag:$0x3] =	stream.linear.gather [hbm4b:s20+s16], $0x64, $0x38;
	[tilespmem:$0x1C38] =	vst v63  }
0x1e: {  	s22 =	sadd.s32 $0x37320, s4;
	s23 =	simm.s32 $0x1AE0  }
0x1f: {  	[tilespmem:s23], [sflag:$0x3] =	stream.linear.gather [hbm4b:s22+s16], $0x64, $0x38;
	[tilespmem:$0x1C38] =	vst v63  }
0x20: {  	s24 =	sadd.s32 $0x37CF0, s4;
	s25 =	sshll.u32 s1, $0x2;
	s8 =	simm.s32 $0x1B48  }
0x21: {  	[tilespmem:s8], [sflag:$0x3] =	stream.linear.gather [hbm4b:s24+s16], $0x64, $0x38;
	[tilespmem:$0x1C38] =	vst v63  }
0x22: {  	s26 =	simm.s32 $0x4F0;
	s28 =	simm.s32 $0x4;
	s3 =	sadd.s32 s3, s25  }
0x23: {  	[tilespmem:s26], [sflag:$0x4] =	stream.linear.gather [hbm4b:s3+s16], $0x20, $0x38;
	[tilespmem:$0x1C38] =	vst v63  }
0x24: {  	_ =	swait.ge [sflag:s28], $0x20  }
0x25: {  	[sflag:s28] =	ssyncset.done $0x0  }
0x26: {  	[sflag:s28] =	ssyncadd.s32 $0xFFFFFFE0  }
0x27: {  	v0 =	vld [tilespmem:$0x4F0]  }
0x28: {  	v1 =	vld [tilespmem:$0x500];
	_ =	sdelay $0x3  }
0x29: {  	v2 =	vadd.s32 $0x188800, v0  }
0x2a: {  	[tilespmem:$0x510] =	vst v2;
	v2 =	vadd.s32 $0x188800, v1  }
0x2b: {  	[tilespmem:$0x520] =	vst v2;
	v2 =	vadd.s32 $0x18D680, v0  }
0x2c: {  	[tilespmem:$0x530] =	vst v2;
	v2 =	vadd.s32 $0x18D680, v1  }
0x2d: {  	[tilespmem:$0x540] =	vst v2;
	v2 =	vadd.s32 $0x192500, v0  }
0x2e: {  	[tilespmem:$0x550] =	vst v2;
	v2 =	vadd.s32 $0x192500, v1  }
0x2f: {  	[tilespmem:$0x560] =	vst v2;
	v2 =	vadd.s32 $0x197380, v0  }
0x30: {  	s29 =	simm.s32 $0x80;
	[tilespmem:$0x570] =	vst v2;
	v2 =	vadd.s32 $0x197380, v1  }
0x31: {  	s30 =	simm.s32 $0x510;
	s31 =	simm.s32 $0x590;
	s3 =	simm.s32 $0x620;
	[tilespmem:$0x580] =	vst v2  }
0x32: {  	v2 =	vadd.s32 s16, v1;
	[tilespmem:s31], [sflag:$0x1] =	stream.indirect.gather [hbm4b:s4+s29], $0x1, s30, s29, $0xb8;
	[tilespmem:$0x1C38] =	vst v63  }
0x33: {  	v3 =	vadd.s32 s16, v0;
	[tilespmem:s3+$0x0] =	vst v2  }
0x34: {  	s5 =	simm.s32 $0x4E80;
	[tilespmem:s3+$0xFFFFFFF0] =	vst v3  }
.LBB2_3:
0x35: {  	p0 =	sne.s32 s5, $0x183980  }
.Ltmp1:
0x36: {  	_ = 	snop;
	(pc) =	sbr.rel @p0 .LBB2_3-.Ltmp1, $4  }
0x37: {  	_ = 	snop  }
0x38: {  	v2 =	vadd.s32 s5, v1;
	s3 =	sadd.s32 $0x20, s3;
	s6 =	smov.u32 s5;
	s5 =	sadd.s32 $0x4E80, s5  }
0x39: {  	v3 =	vadd.s32 s6, v0;
	[tilespmem:s3+$0x0] =	vst v2  }
0x3a: {  	[tilespmem:s3+$0xFFFFFFF0] =	vst v3  }
0x3b: {  	s5 =	simm.s32 $0x80;
	s6 =	simm.s32 $0x610;
	s3 =	simm.s32 $0x1010  }
0x3c: {  	[tilespmem:s3], [sflag:$0x2] =	stream.indirect.gather [hbm4b:s4+s5], $0x1, s6, s5, $0xb8;
	[tilespmem:$0x1C38] =	vst v63  }
0x3d: {  	s8 =	simm.s32 $0x690;
	s7 =	simm.s32 $0x1090  }
0x3e: {  	[tilespmem:s7], [sflag:$0x2] =	stream.indirect.gather [hbm4b:s4+s5], $0x1, s8, s5, $0xb8;
	[tilespmem:$0x1C38] =	vst v63  }
0x3f: {  	s9 =	simm.s32 $0x710;
	s10 =	simm.s32 $0x1110  }
0x40: {  	[tilespmem:s10], [sflag:$0x2] =	stream.indirect.gather [hbm4b:s4+s5], $0x1, s9, s5, $0xb8;
	[tilespmem:$0x1C38] =	vst v63  }
0x41: {  	s11 =	simm.s32 $0x790;
	s12 =	simm.s32 $0x1190  }
0x42: {  	[tilespmem:s12], [sflag:$0x2] =	stream.indirect.gather [hbm4b:s4+s5], $0x1, s11, s5, $0xb8;
	[tilespmem:$0x1C38] =	vst v63  }
0x43: {  	s13 =	simm.s32 $0x810;
	s14 =	simm.s32 $0x1210  }
0x44: {  	[tilespmem:s14], [sflag:$0x2] =	stream.indirect.gather [hbm4b:s4+s5], $0x1, s13, s5, $0xb8;
	[tilespmem:$0x1C38] =	vst v63  }
0x45: {  	s15 =	simm.s32 $0x890;
	s16 =	simm.s32 $0x1290  }
0x46: {  	[tilespmem:s16], [sflag:$0x2] =	stream.indirect.gather [hbm4b:s4+s5], $0x1, s15, s5, $0xb8;
	[tilespmem:$0x1C38] =	vst v63  }
0x47: {  	s17 =	simm.s32 $0x910;
	s18 =	simm.s32 $0x1310  }
0x48: {  	[tilespmem:s18], [sflag:$0x2] =	stream.indirect.gather [hbm4b:s4+s5], $0x1, s17, s5, $0xb8;
	[tilespmem:$0x1C38] =	vst v63  }
0x49: {  	s19 =	simm.s32 $0x990;
	s20 =	simm.s32 $0x1390  }
0x4a: {  	[tilespmem:s20], [sflag:$0x2] =	stream.indirect.gather [hbm4b:s4+s5], $0x1, s19, s5, $0xb8;
	[tilespmem:$0x1C38] =	vst v63  }
0x4b: {  	s21 =	simm.s32 $0xA10;
	s22 =	simm.s32 $0x1410  }
0x4c: {  	[tilespmem:s22], [sflag:$0x2] =	stream.indirect.gather [hbm4b:s4+s5], $0x1, s21, s5, $0xb8;
	[tilespmem:$0x1C38] =	vst v63  }
0x4d: {  	s23 =	simm.s32 $0xA90;
	s24 =	simm.s32 $0x1490  }
0x4e: {  	[tilespmem:s24], [sflag:$0x2] =	stream.indirect.gather [hbm4b:s4+s5], $0x1, s23, s5, $0xb8;
	[tilespmem:$0x1C38] =	vst v63  }
0x4f: {  	s25 =	simm.s32 $0xB10;
	s26 =	simm.s32 $0x1510  }
0x50: {  	[tilespmem:s26], [sflag:$0x2] =	stream.indirect.gather [hbm4b:s4+s5], $0x1, s25, s5, $0xb8;
	[tilespmem:$0x1C38] =	vst v63  }
0x51: {  	s28 =	simm.s32 $0xB90;
	s29 =	simm.s32 $0x1590  }
0x52: {  	[tilespmem:s29], [sflag:$0x2] =	stream.indirect.gather [hbm4b:s4+s5], $0x1, s28, s5, $0xb8;
	[tilespmem:$0x1C38] =	vst v63  }
0x53: {  	s30 =	simm.s32 $0xC10;
	s31 =	simm.s32 $0x1610  }
0x54: {  	[tilespmem:s31], [sflag:$0x2] =	stream.indirect.gather [hbm4b:s4+s5], $0x1, s30, s5, $0xb8;
	[tilespmem:$0x1C38] =	vst v63  }
0x55: {  	s7 =	simm.s32 $0xC90;
	s8 =	simm.s32 $0x1690  }
0x56: {  	[tilespmem:s8], [sflag:$0x2] =	stream.indirect.gather [hbm4b:s4+s5], $0x1, s7, s5, $0xb8;
	[tilespmem:$0x1C38] =	vst v63  }
0x57: {  	s9 =	simm.s32 $0xD10;
	s10 =	simm.s32 $0x1710  }
0x58: {  	[tilespmem:s10], [sflag:$0x2] =	stream.indirect.gather [hbm4b:s4+s5], $0x1, s9, s5, $0xb8;
	[tilespmem:$0x1C38] =	vst v63  }
0x59: {  	s11 =	simm.s32 $0xD90;
	s12 =	simm.s32 $0x1790  }
0x5a: {  	[tilespmem:s12], [sflag:$0x2] =	stream.indirect.gather [hbm4b:s4+s5], $0x1, s11, s5, $0xb8;
	[tilespmem:$0x1C38] =	vst v63  }
0x5b: {  	s13 =	simm.s32 $0xE10;
	s14 =	simm.s32 $0x1810  }
0x5c: {  	[tilespmem:s14], [sflag:$0x2] =	stream.indirect.gather [hbm4b:s4+s5], $0x1, s13, s5, $0xb8;
	[tilespmem:$0x1C38] =	vst v63  }
0x5d: {  	s15 =	simm.s32 $0xE90;
	s16 =	simm.s32 $0x1890  }
0x5e: {  	[tilespmem:s16], [sflag:$0x2] =	stream.indirect.gather [hbm4b:s4+s5], $0x1, s15, s5, $0xb8;
	[tilespmem:$0x1C38] =	vst v63  }
0x5f: {  	s17 =	simm.s32 $0xF10;
	s18 =	simm.s32 $0x1910  }
0x60: {  	[tilespmem:s18], [sflag:$0x2] =	stream.indirect.gather [hbm4b:s4+s5], $0x1, s17, s5, $0xb8;
	[tilespmem:$0x1C38] =	vst v63  }
0x61: {  	s19 =	simm.s32 $0xF90;
	s20 =	simm.s32 $0x1990;
	s21 =	simm.s32 $0x3  }
0x62: {  	[tilespmem:s20], [sflag:$0x2] =	stream.indirect.gather [hbm4b:s4+s5], $0x1, s19, s5, $0xb8;
	[tilespmem:$0x1C38] =	vst v63  }
0x63: {  	_ =	swait.ge [sflag:s21], $0x68  }
0x64: {  	[sflag:s21] =	ssyncset.done $0x0  }
0x65: {  	[sflag:s21] =	ssyncadd.s32 $0xFFFFFF98  }
0x66: {  	_ =	swait.ge [sflag:s21], $0x64  }
0x67: {  	[sflag:s21] =	ssyncset.done $0x0  }
0x68: {  	[sflag:s21] =	ssyncadd.s32 $0xFFFFFF9C  }
0x69: {  	_ =	swait.ge [sflag:s21], $0x64  }
0x6a: {  	[sflag:s21] =	ssyncset.done $0x0  }
0x6b: {  	[sflag:s21] =	ssyncadd.s32 $0xFFFFFF9C  }
0x6c: {  	_ =	swait.ge [sflag:s21], $0x64  }
0x6d: {  	[sflag:s21] =	ssyncset.done $0x0  }
0x6e: {  	[sflag:s21] =	ssyncadd.s32 $0xFFFFFF9C  }
0x6f: {  	_ =	swait.ge [sflag:s21], $0x64  }
0x70: {  	[sflag:s21] =	ssyncset.done $0x0  }
0x71: {  	s22 =	simm.s32 $0x1;
	[sflag:s21] =	ssyncadd.s32 $0xFFFFFF9C  }
0x72: {  	_ =	swait.ge [sflag:s22], $0x80  }
0x73: {  	[sflag:s22] =	ssyncset.done $0x0  }
0x74: {  	s23 =	simm.s32 $0x2;
	[sflag:s22] =	ssyncadd.s32 $0xFFFFFF80  }
0x75: {  	_ =	swait.ge [sflag:s23], $0x80  }
0x76: {  	[sflag:s23] =	ssyncset.done $0x0  }
0x77: {  	[sflag:s23] =	ssyncadd.s32 $0xFFFFFF80  }
0x78: {  	_ =	swait.ge [sflag:s23], $0x80  }
0x79: {  	[sflag:s23] =	ssyncset.done $0x0  }
0x7a: {  	[sflag:s23] =	ssyncadd.s32 $0xFFFFFF80  }
0x7b: {  	_ =	swait.ge [sflag:s23], $0x80  }
0x7c: {  	[sflag:s23] =	ssyncset.done $0x0  }
0x7d: {  	[sflag:s23] =	ssyncadd.s32 $0xFFFFFF80  }
0x7e: {  	_ =	swait.ge [sflag:s23], $0x80  }
0x7f: {  	[sflag:s23] =	ssyncset.done $0x0  }
0x80: {  	[sflag:s23] =	ssyncadd.s32 $0xFFFFFF80  }
0x81: {  	_ =	swait.ge [sflag:s23], $0x80  }
0x82: {  	[sflag:s23] =	ssyncset.done $0x0  }
0x83: {  	[sflag:s23] =	ssyncadd.s32 $0xFFFFFF80  }
0x84: {  	_ =	swait.ge [sflag:s23], $0x80  }
0x85: {  	[sflag:s23] =	ssyncset.done $0x0  }
0x86: {  	[sflag:s23] =	ssyncadd.s32 $0xFFFFFF80  }
0x87: {  	_ =	swait.ge [sflag:s23], $0x80  }
0x88: {  	[sflag:s23] =	ssyncset.done $0x0  }
0x89: {  	[sflag:s23] =	ssyncadd.s32 $0xFFFFFF80  }
0x8a: {  	_ =	swait.ge [sflag:s23], $0x80  }
0x8b: {  	[sflag:s23] =	ssyncset.done $0x0  }
0x8c: {  	[sflag:s23] =	ssyncadd.s32 $0xFFFFFF80  }
0x8d: {  	_ =	swait.ge [sflag:s23], $0x80  }
0x8e: {  	[sflag:s23] =	ssyncset.done $0x0  }
0x8f: {  	[sflag:s23] =	ssyncadd.s32 $0xFFFFFF80  }
0x90: {  	_ =	swait.ge [sflag:s23], $0x80  }
0x91: {  	[sflag:s23] =	ssyncset.done $0x0  }
0x92: {  	[sflag:s23] =	ssyncadd.s32 $0xFFFFFF80  }
0x93: {  	_ =	swait.ge [sflag:s23], $0x80  }
0x94: {  	[sflag:s23] =	ssyncset.done $0x0  }
0x95: {  	[sflag:s23] =	ssyncadd.s32 $0xFFFFFF80  }
0x96: {  	_ =	swait.ge [sflag:s23], $0x80  }
0x97: {  	[sflag:s23] =	ssyncset.done $0x0  }
0x98: {  	[sflag:s23] =	ssyncadd.s32 $0xFFFFFF80  }
0x99: {  	_ =	swait.ge [sflag:s23], $0x80  }
0x9a: {  	[sflag:s23] =	ssyncset.done $0x0  }
0x9b: {  	[sflag:s23] =	ssyncadd.s32 $0xFFFFFF80  }
0x9c: {  	_ =	swait.ge [sflag:s23], $0x80  }
0x9d: {  	[sflag:s23] =	ssyncset.done $0x0  }
0x9e: {  	[sflag:s23] =	ssyncadd.s32 $0xFFFFFF80  }
0x9f: {  	_ =	swait.ge [sflag:s23], $0x80  }
0xa0: {  	[sflag:s23] =	ssyncset.done $0x0  }
0xa1: {  	[sflag:s23] =	ssyncadd.s32 $0xFFFFFF80  }
0xa2: {  	_ =	swait.ge [sflag:s23], $0x80  }
0xa3: {  	[sflag:s23] =	ssyncset.done $0x0  }
0xa4: {  	[sflag:s23] =	ssyncadd.s32 $0xFFFFFF80  }
0xa5: {  	_ =	swait.ge [sflag:s23], $0x80  }
0xa6: {  	[sflag:s23] =	ssyncset.done $0x0  }
0xa7: {  	[sflag:s23] =	ssyncadd.s32 $0xFFFFFF80  }
0xa8: {  	_ =	swait.ge [sflag:s23], $0x80  }
0xa9: {  	[sflag:s23] =	ssyncset.done $0x0  }
0xaa: {  	[sflag:s23] =	ssyncadd.s32 $0xFFFFFF80  }
0xab: {  	_ =	swait.ge [sflag:s23], $0x80  }
0xac: {  	[sflag:s23] =	ssyncset.done $0x0  }
0xad: {  	s24 =	simm.s32 $0x1;
	[sflag:s23] =	ssyncadd.s32 $0xFFFFFF80  }
0xae: {  	v0 =	vmov s24;
	_ =	swait.ge [sflag:s23], $0x80  }
0xaf: {  	v0 =	vand.u32 $0xFFFFFFFD, v0;
	s25 =	simm.s32 $0x13B;
	s26 =	simm.s32 $0x0;
	[sflag:s23] =	ssyncset.done $0x0  }
0xb0: {  	v0 =	vbroadcast v0, $0x0;
	v5 =	vmov s25;
	v6 =	vmov s26;
	s29 =	simm.s32 $0x138;
	[sflag:s23] =	ssyncadd.s32 $0xFFFFFF80  }
0xb1: {  	v6 =	vand.u32 $0xFFFFFFFC, v6;
	v7 =	vmov s29;
	v1 =	vld [tilespmem:$0x590]  }
0xb2: {  	v9 =	vbroadcast v6, $0x0;
	v7 =	vand.u32 $0xFFFFFFFC, v7;
	v2 =	vld [tilespmem:$0x5B0]  }
0xb3: {  	s24 =	simm.s32 $0xD4;
	v7 =	vbroadcast v7, $0x0;
	s11 =	simm.s32 $0xD0;
	v3 =	vld [tilespmem:$0x5D0]  }
0xb4: {  	v62 =	vmov s24;
	s7 =	simm.s32 $0xD3;
	s12 =	simm.s32 $0x68;
	v21 =	vmov s11;
	s4 =	simm.s32 $0x1A10;
	v4 =	vld [tilespmem:$0x5F0]  }
0xb5: {  	s25 =	simm.s32 $0x13E;
	v16 =	vmov s7;
	v22 =	vmov s12;
	v21 =	vand.u32 $0xFFFFFFFC, v21;
	v11 =	vld.idx.msk [tilespmem:v5+s4+$0x0], $0xffff  }
0xb6: {  	s26 =	simm.s32 $0x6D;
	v40 =	vmov s25;
	s8 =	simm.s32 $0x2;
	v22 =	vand.u32 $0xFFFFFFFC, v22;
	v21 =	vbroadcast v21, $0x0;
	s5 =	simm.s32 $0x1BB0;
	v13 =	vld.idx.msk [tilespmem:v0+s4+$0x0], $0xffff  }
0xb7: {  	s28 =	simm.s32 $0x3;
	v41 =	vmov s26;
	v17 =	vmov s8;
	s9 =	simm.s32 $0xD1;
	v22 =	vbroadcast v22, $0x0;
	v15 =	vld.idx.msk [tilespmem:v0+s5+$0x0], $0xffff  }
0xb8: {  	v8 =	vmov s28;
	s10 =	simm.s32 $0x6B;
	v17 =	vand.u32 $0xFFFFFFFE, v17;
	v18 =	vmov s9;
	v20 =	vld.idx.msk [tilespmem:v9+s5+$0x0], $0xffff  }
0xb9: {  	s28 =	simm.s32 $0x6E;
	s31 =	simm.s32 $0x139;
	v19 =	vmov s10;
	v17 =	vbroadcast v17, $0x0;
	v18 =	vand.u32 $0xFFFFFFFD, v18;
	v7 =	vld.idx.msk [tilespmem:v7+s4+$0x0], $0xffff  }
0xba: {  	s29 =	simm.s32 $0xD6;
	s30 =	simm.s32 $0x69;
	v43 =	vmov s28;
	v12 =	vmov s31;
	v18 =	vbroadcast v18, $0x0;
	v16 =	vld.idx.msk [tilespmem:v16+s4+$0x0], $0xffff  }
0xbb: {  	v44 =	vmov s29;
	v6 =	vmov s30;
	s30 =	simm.s32 $0xD7;
	v12 =	vand.u32 $0xFFFFFFFD, v12;
	s13 =	simm.s32 $0x13A;
	s23 =	simm.s32 $0x7;
	v9 =	vld.idx.msk [tilespmem:v9+s4+$0x0], $0xffff  }
0xbc: {  	v33 =	vmov s30;
	s14 =	simm.s32 $0xD2;
	v23 =	vmov s13;
	s15 =	simm.s32 $0x6A;
	v21 =	vld.idx.msk [tilespmem:v21+s4+$0x0], $0xffff;
	v61 =	vmov s23  }
0xbd: {  	v24 =	vmov s14;
	v23 =	vand.u32 $0xFFFFFFFE, v23;
	v25 =	vmov s15;
	v22 =	vld.idx.msk [tilespmem:v22+s4+$0x0], $0xffff  }
0xbe: {  	v24 =	vand.u32 $0xFFFFFFFE, v24;
	v23 =	vbroadcast v23, $0x0;
	v25 =	vand.u32 $0xFFFFFFFE, v25;
	v19 =	vld.idx.msk [tilespmem:v19+s4+$0x0], $0xffff  }
0xbf: {  	v24 =	vbroadcast v24, $0x0;
	v25 =	vbroadcast v25, $0x0;
	v5 =	vand.u32 $0xFFFFFFFD, v6;
	v27 =	vld.idx.msk [tilespmem:v17+s4+$0x0], $0xffff  }
0xc0: {  	v18 =	vld.idx.msk [tilespmem:v18+s4+$0x0], $0xffff;
	v14 =	vbroadcast v5, $0x0;
	v10 =	vsub.f32 v3, v1;
	v6 =	vsub.f32 v4, v2  }
0xc1: {  	v30 =	vmin.f32 v4, v7;
	v58 =	vmax.f32 v1, v9;
	v9 =	vsub.f32 v21, v9;
	v34 =	vld.idx.msk [tilespmem:v61+s4+$0x0], $0xffff  }
0xc2: {  	v7 =	vsub.f32 v7, v22;
	v5 =	vmul.f32 v6, v10;
	v10 =	vbroadcast v12, $0x0;
	v12 =	vld.idx.msk [tilespmem:v8+s5+$0x0], $0xffff  }
0xc3: {  	v0 =	vimm.f32 $0.0e+00;
	v15 =	vshll.u32 v15, $0x5;
	v26 =	vmin.f32 v4, v11;
	v8 =	vld.idx.msk [tilespmem:v8+s4+$0x0], $0xffff  }
0xc4: {  	v20 =	vshll.u32 v20, $0x5;
	v29 =	vmax.f32 v1, v13;
	v7 =	vmul.f32 v7, v9;
	v9 =	vld.idx.msk [tilespmem:v17+s5+$0x0], $0xffff  }
0xc5: {  	v11 =	vsub.f32 v11, v19;
	v19 =	vmax.f32 v2, v19;
	v13 =	vsub.f32 v18, v13  }
0xc6: {  	v18 =	vmin.f32 v3, v18;
	v59 =	vmax.f32 v1, v27;
	v6 =	vlaneseq.u32  }
0xc7: {  	v24 =	vld.idx.msk [tilespmem:v24+s4+$0x0], $0xffff;
	v15 =	vor.u32 v6, v15;
	v20 =	vor.u32 v6, v20;
	v7 =	vadd.f32 v7, v5  }
0xc8: {  	v45 =	vmax.f32 v1, v34;
	v28 =	vmax.f32 v1, v8;
	v8 =	vsub.f32 v16, v8  }
0xc9: {  	v16 =	vmin.f32 v3, v16;
	v12 =	vshll.u32 v12, $0x5;
	v9 =	vshll.u32 v9, $0x5  }
0xca: {  	v12 =	vor.u32 v6, v12;
	v16 =	vsub.f32 v16, v28;
	v9 =	vor.u32 v6, v9  }
0xcb: {  	v14 =	vld.idx.msk [tilespmem:v14+s4+$0x0], $0xffff;
	v28 =	vand.u32 $0xFFFFFFFD, v41;
	v8 =	vmul.f32 v11, v8;
	v11 =	vsub.f32 v26, v19  }
0xcc: {  	v10 =	vld.idx.msk [tilespmem:v10+s4+$0x0], $0xffff;
	v19 =	vmin.f32 v3, v21;
	v21 =	vmax.f32 v2, v22;
	v22 =	vmin.f32 v3, v24  }
0xcd: {  	v20 =	vld.idx.msk [tilespmem:v20+s3+$0x0], $0xffff;
	v24 =	vsub.f32 v24, v27;
	v28 =	vbroadcast v28, $0x0;
	v19 =	vsub.f32 v19, v58  }
0xce: {  	v15 =	vld.idx.msk [tilespmem:v15+s3+$0x0], $0xffff;
	v27 =	vand.u32 $0xFFFFFFFE, v40;
	v21 =	vsub.f32 v30, v21;
	v22 =	vsub.f32 v22, v59  }
0xcf: {  	v30 =	vand.u32 $0xFFFFFFFE, v43;
	v8 =	vadd.f32 v8, v5;
	v11 =	vmax.f32 v11, $0.0e+00  }
0xd0: {  	v30 =	vbroadcast v30, $0x0;
	v21 =	vmax.f32 v21, $0.0e+00;
	v19 =	vmax.f32 v19, $0.0e+00  }
0xd1: {  	v31 =	vsub.f32 v10, v14;
	v10 =	vmin.f32 v4, v10;
	v14 =	vmax.f32 v2, v14  }
0xd2: {  	s20 =	simm.s32 $0xD5;
	v17 =	vsub.f32 $0.0e+00, v20;
	v19 =	vmul.f32 v21, v19;
	v21 =	vmax.f32 v22, $0.0e+00  }
0xd3: {  	v12 =	vld.idx.msk [tilespmem:v12+s3+$0x0], $0xffff;
	v15 =	vsub.f32 $0.0e+00, v15;
	v22 =	vmov s20;
	v10 =	vsub.f32 v10, v14  }
0xd4: {  	v14 =	vld.idx.msk [tilespmem:v25+s4+$0x0], $0xffff;
	v25 =	vand.u32 $0xFFFFFFFC, v62;
	v22 =	vand.u32 $0xFFFFFFFD, v22;
	v17 =	vmul.f32 $1.442695020e+00, v17  }
0xd5: {  	v9 =	vld.idx.msk [tilespmem:v9+s3+$0x0], $0xffff;
	v7 =	vsub.f32 v7, v19;
	v15 =	vmul.f32 $1.442695020e+00, v15;
	v25 =	vbroadcast v25, $0x0  }
0xd6: {  	v23 =	vld.idx.msk [tilespmem:v23+s4+$0x0], $0xffff;
	v22 =	vbroadcast v22, $0x0;
	v10 =	vmax.f32 v10, $0.0e+00;
	(erf) = vpow2.f32 v17  }
0xd7: {  	s8 =	simm.s32 $0x13C;
	v17 =	vmax.f32 v7, $9.999999970e-07;
	v7 =	vmax.f32 v16, $0.0e+00;
	v16 =	vsub.f32 v18, v29  }
0xd8: {  	s16 =	simm.s32 $0x4;
	v18 =	vmov s8;
	v7 =	vmul.f32 v11, v7;
	(erf) = vpow2.f32 v15  }
0xd9: {  	v11 =	vsub.f32 $0.0e+00, v12;
	v12 =	vmul.f32 v31, v13;
	v15 =	vmov s16  }
0xda: {  	v18 =	vand.u32 $0xFFFFFFFC, v18;
	v9 =	vsub.f32 $0.0e+00, v9;
	v31 =	vand.u32 $0xFFFFFFFE, v44  }
0xdb: {  	s18 =	simm.s32 $0x6;
	v60 =	vsub.f32 v23, v14;
	v23 =	vmin.f32 v4, v23;
	v14 =	vmax.f32 v2, v14  }
0xdc: {  	s19 =	simm.s32 $0x13F;
	(erf) = vrcp.f32 v17;
	v13 =	vmax.f32 v16, $0.0e+00;
	v16 =	vmov s18  }
0xdd: {  	v17 =	vmov s19;
	v15 =	vand.u32 $0xFFFFFFFC, v15;
	v18 =	vbroadcast v18, $0x0  }
0xde: {  	s17 =	simm.s32 $0x5;
	v31 =	vbroadcast v31, $0x0;
	v14 =	vsub.f32 v23, v14;
	v11 =	vmul.f32 $1.442695020e+00, v11  }
0xdf: {  	v10 =	vmul.f32 v10, v13;
	v13 =	vmov s17;
	v15 =	vbroadcast v15, $0x0  }
0xe0: {  	v16 =	vand.u32 $0xFFFFFFFE, v16;
	v12 =	vadd.f32 v12, v5;
	v13 =	vand.u32 $0xFFFFFFFD, v13  }
0xe1: {  	s22 =	simm.s32 $0x13D;
	v8 =	vsub.f32 v8, v7;
	v20 =	vmul.f32 v60, v24;
	v24 =	vld.idx.msk [tilespmem:v61+s5+$0x0], $0xffff;
	v13 =	vbroadcast v13, $0x0  }
0xe2: {  	s21 =	simm.s32 $0x6C;
	v23 =	vmov s22;
	v9 =	vmul.f32 $1.442695020e+00, v9;
	v25 =	vld.idx.msk [tilespmem:v25+s4+$0x0], $0xffff;
	(erf) = vpow2.f32 v11  }
0xe3: {  	v23 =	vand.u32 $0xFFFFFFFD, v23;
	v11 =	vmov s21;
	v12 =	vsub.f32 v12, v10;
	v17 =	vld.idx.msk [tilespmem:v17+s4+$0x0], $0xffff  }
0xe4: {  	v16 =	vbroadcast v16, $0x0;
	v14 =	vmax.f32 v14, $0.0e+00;
	v11 =	vand.u32 $0xFFFFFFFC, v11;
	v18 =	vld.idx.msk [tilespmem:v18+s4+$0x0], $0xffff  }
0xe5: {  	v23 =	vbroadcast v23, $0x0;
	v12 =	vmax.f32 v12, $9.999999970e-07;
	v11 =	vbroadcast v11, $0x0;
	v35 =	vld.idx.msk [tilespmem:v15+s5+$0x0], $0xffff  }
0xe6: {  	s31 =	simm.s32 $0x6F;
	v8 =	vmax.f32 v8, $9.999999970e-07;
	v20 =	vadd.f32 v20, v5;
	v14 =	vmul.f32 v14, v21;
	v63 =	vpop (erf);
	v15 =	vld.idx.msk [tilespmem:v15+s4+$0x0], $0xffff  }
0xe7: {  	(erf) = vpow2.f32 v9;
	v9 =	vmov s31;
	v24 =	vshll.u32 v24, $0x5;
	v42 =	vpop (erf);
	v32 =	vld.idx.msk [tilespmem:v13+s5+$0x0], $0xffff  }
0xe8: {  	(erf) = vrcp.f32 v12;
	v26 =	vadd.f32 $1.000000000e+00, v63;
	v24 =	vor.u32 v6, v24;
	v13 =	vld.idx.msk [tilespmem:v13+s4+$0x0], $0xffff;
	v12 =	vpop (erf)  }
0xe9: {  	v33 =	vld.idx.msk [tilespmem:v33+s4+$0x0], $0xffff;
	v29 =	vadd.f32 $1.000000000e+00, v42;
	v12 =	vmul.f32 v12, v19;
	v19 =	vsub.f32 v20, v14  }
0xea: {  	v28 =	vld.idx.msk [tilespmem:v28+s4+$0x0], $0xffff;
	v36 =	vmin.f32 v4, v17;
	(erf) = vrcp.f32 v26;
	v50 =	vmin.f32 v4, v18  }
0xeb: {  	v52 =	vld.idx.msk [tilespmem:v11+s4+$0x0], $0xffff;
	v21 =	vpop (erf);
	v46 =	vshll.u32 v35, $0x5;
	v12 =	vmul.f32 v12, v12;
	v19 =	vmax.f32 v19, $9.999999970e-07  }
0xec: {  	v9 =	vld.idx.msk [tilespmem:v9+s4+$0x0], $0xffff;
	v54 =	vmax.f32 v1, v15;
	v15 =	vsub.f32 v25, v15;
	v20 =	vadd.f32 $1.000000000e+00, v21  }
0xed: {  	v21 =	vld.idx.msk [tilespmem:v23+s4+$0x0], $0xffff;
	v23 =	vbroadcast v27, $0x0;
	v32 =	vshll.u32 v32, $0x5;
	v47 =	vmax.f32 v1, v13  }
0xee: {  	v48 =	vmul.f32 v12, v12;
	v12 =	vld.idx.msk [tilespmem:v22+s4+$0x0], $0xffff;
	v22 =	vmin.f32 v3, v33;
	v32 =	vor.u32 v6, v32  }
0xef: {  	(erf) = vrcp.f32 v20;
	v20 =	vor.u32 v6, v46;
	v22 =	vsub.f32 v22, v45  }
0xf0: {  	(erf) = vrcp.f32 v19;
	v19 =	vsub.f32 v33, v34;
	v49 =	vpop (erf);
	v56 =	vmax.f32 v2, v52  }
0xf1: {  	v18 =	vsub.f32 v18, v52;
	(erf) = vrcp.f32 v29;
	v29 =	vadd.f32 $1.000000000e+00, v49  }
0xf2: {  	v51 =	vpop (erf);
	v17 =	vsub.f32 v17, v9;
	v9 =	vmax.f32 v2, v9;
	(erf) = vrcp.f32 v8  }
0xf3: {  	v8 =	vld.idx.msk [tilespmem:v16+s4+$0x0], $0xffff;
	v37 =	vsub.f32 v21, v28;
	v10 =	vmul.f32 v51, v10;
	v11 =	vmin.f32 v4, v21  }
0xf4: {  	v21 =	vmax.f32 v2, v28;
	v15 =	vmul.f32 v18, v15;
	v23 =	vld.idx.msk [tilespmem:v23+s4+$0x0], $0xffff;
	v17 =	vmul.f32 v17, v19  }
0xf5: {  	v19 =	vsub.f32 v36, v9;
	v9 =	vld.idx.msk [tilespmem:v31+s4+$0x0], $0xffff;
	v13 =	vsub.f32 v12, v13;
	v53 =	vmin.f32 v3, v12  }
0xf6: {  	v11 =	vsub.f32 v11, v21;
	v12 =	vld.idx.msk [tilespmem:v30+s4+$0x0], $0xffff;
	v21 =	vmin.f32 v3, v25;
	v25 =	vsub.f32 v50, v56  }
0xf7: {  	(erf) = vrcp.f32 v29;
	v10 =	vmul.f32 v10, v10;
	v20 =	vld.idx.msk [tilespmem:v20+s3+$0x0], $0xffff;
	v21 =	vsub.f32 v21, v54  }
0xf8: {  	v15 =	vadd.f32 v15, v5;
	v11 =	vmax.f32 v11, $0.0e+00;
	v25 =	vmax.f32 v25, $0.0e+00  }
0xf9: {  	v55 =	vpop (erf);
	v19 =	vmax.f32 v19, $0.0e+00;
	v58 =	vmul.f32 v10, v10;
	v21 =	vmax.f32 v21, $0.0e+00  }
0xfa: {  	v59 =	vmax.f32 v1, v8;
	v57 =	vpop (erf);
	v31 =	vmin.f32 v3, v9;
	v8 =	vsub.f32 v9, v8  }
0xfb: {  	v32 =	vld.idx.msk [tilespmem:v32+s3+$0x0], $0xffff;
	v9 =	vsub.f32 v23, v12;
	v23 =	vmin.f32 v4, v23;
	v18 =	vmax.f32 v2, v12;
	v10 =	vpop (erf)  }
0xfc: {  	v16 =	vld.idx.msk [tilespmem:v16+s5+$0x0], $0xffff;
	v31 =	vsub.f32 v31, v59;
	v20 =	vsub.f32 $0.0e+00, v20;
	v10 =	vmul.f32 v10, v14  }
0xfd: {  	v12 =	vadd.f32 v17, v5;
	v18 =	vsub.f32 v23, v18;
	v14 =	vpop (erf);
	v8 =	vmul.f32 v9, v8  }
0xfe: {  	v60 =	vpop (erf);
	v9 =	vmax.f32 v31, $0.0e+00;
	v20 =	vmul.f32 $1.442695020e+00, v20;
	v17 =	vmul.f32 v10, v10  }
0xff: {  	v7 =	vmul.f32 v60, v7;
	v10 =	vadd.f32 v8, v5;
	v8 =	vmul.f32 v25, v21  }
0x100: {  	v21 =	vld.idx.msk [tilespmem:v24+s3+$0x0], $0xffff;
	(erf) = vpow2.f32 v20;
	v20 =	vsub.f32 $0.0e+00, v32;
	v17 =	vmul.f32 v17, v17  }
0x101: {  	v61 =	vsub.f32 v15, v8;
	v62 =	vmul.f32 v7, v7;
	v7 =	vshll.u32 v16, $0x5  }
0x102: {  	v14 =	vmul.f32 v58, v14;
	v23 =	vpop (erf);
	v63 =	vmul.f32 $1.442695020e+00, v20;
	v20 =	vor.u32 v6, v7  }
0x103: {  	v7 =	vmax.f32 v22, $0.0e+00;
	v15 =	vmul.f32 v17, v23;
	v16 =	vmax.f32 v61, $9.999999970e-07  }
0x104: {  	v17 =	vsub.f32 v53, v47;
	v7 =	vmul.f32 v19, v7;
	(erf) = vpow2.f32 v63  }
0x105: {  	v22 =	vsub.f32 $0.0e+00, v21;
	(erf) = vrcp.f32 v16;
	v16 =	vmul.f32 v62, v62  }
0x106: {  	v19 =	vmul.f32 v37, v13;
	v21 =	vmax.f32 v17, $0.0e+00;
	v17 =	vmul.f32 v48, v55  }
0x107: {  	s6 =	simm.s32 $0x8;
	v13 =	vmax.f32 v18, $0.0e+00;
	v18 =	vmul.f32 $1.442695020e+00, v22;
	v16 =	vmul.f32 v16, v57  }
.LBB2_5:
0x108: {  	s7 =	sadd.s32 $0x1, s6  }
0x109: {  	v22 =	vmov s6;
	s8 =	sadd.s32 $0xD1, s6;
	s9 =	sadd.s32 $0x2, s6;
	v11 =	vmul.f32 v11, v21;
	v20 =	vld.idx.msk [tilespmem:v20+s3+$0x0], $0xffff;
	v21 =	vpop (erf);
	v14 =	vmax.f32 v17, v14;
	s10 =	smov.u32 s6  }
0x10a: {  	s11 =	sadd.s32 $0x68, s6;
	v17 =	vmov s7;
	v23 =	vmov s9;
	s7 =	sadd.s32 $0x13A, s6;
	s9 =	sadd.s32 $0x3, s6;
	v15 =	vmax.f32 v15, v16  }
0x10b: {  	p0 =	sne.s32 s6, $0x60;
	v19 =	vadd.f32 v19, v5;
	s12 =	sadd.s32 $0x13B, s10;
	s6 =	sadd.s32 $0x4, s6;
	v16 =	vand.u32 $0xFFFFFFFD, v17;
	v17 =	vand.u32 $0xFFFFFFFE, v23  }
0x10c: {  	v12 =	vsub.f32 v12, v7;
	s13 =	sadd.s32 $0x138, s10;
	v23 =	vmov s12;
	v16 =	vbroadcast v16, $0x0  }
0x10d: {  	v22 =	vand.u32 $0xFFFFFFFC, v22;
	v24 =	vmov s13;
	s12 =	sadd.s32 $0x139, s10;
	s13 =	sadd.s32 $0xD3, s10;
	v14 =	vmax.f32 v14, v15  }
0x10e: {  	v15 =	vmov s8;
	v25 =	vmov s12;
	v26 =	vpop (erf);
	(erf) = vpow2.f32 v18  }
0x10f: {  	s8 =	sadd.s32 $0x6B, s10;
	v24 =	vand.u32 $0xFFFFFFFC, v24;
	v0 =	vmax.f32 v0, v14;
	v18 =	vmov s11;
	v27 =	vpop (erf)  }
0x110: {  	v14 =	vand.u32 $0xFFFFFFFD, v25;
	v25 =	vmov s9;
	s11 =	sadd.s32 $0xD0, s10;
	v20 =	vsub.f32 $0.0e+00, v20  }
0x111: {  	v22 =	vbroadcast v22, $0x0;
	v24 =	vbroadcast v24, $0x0;
	v28 =	vmov s11;
	v23 =	vld.idx.msk [tilespmem:v23+s4+$0x0], $0xffff  }
0x112: {  	v30 =	vmov s7;
	v15 =	vand.u32 $0xFFFFFFFD, v15;
	s9 =	sadd.s32 $0x69, s10;
	v28 =	vand.u32 $0xFFFFFFFC, v28;
	v29 =	vld.idx.msk [tilespmem:v16+s4+$0x0], $0xffff  }
0x113: {  	s7 =	sadd.s32 $0x6A, s10;
	v31 =	vmov s9;
	v20 =	vmul.f32 $1.442695020e+00, v20;
	v28 =	vbroadcast v28, $0x0  }
0x114: {  	v32 =	vmov s7;
	s7 =	sadd.s32 $0xD2, s10;
	v31 =	vand.u32 $0xFFFFFFFD, v31;
	v26 =	vadd.f32 $1.000000000e+00, v26;
	v16 =	vld.idx.msk [tilespmem:v16+s5+$0x0], $0xffff  }
0x115: {  	v19 =	vsub.f32 v19, v11;
	v33 =	vmov s7;
	v31 =	vbroadcast v31, $0x0  }
0x116: {  	v30 =	vand.u32 $0xFFFFFFFE, v30;
	v32 =	vand.u32 $0xFFFFFFFE, v32;
	v14 =	vbroadcast v14, $0x0;
	v34 =	vld.idx.msk [tilespmem:v25+s5+$0x0], $0xffff  }
0x117: {  	v35 =	vmov s13;
	v32 =	vbroadcast v32, $0x0;
	v33 =	vand.u32 $0xFFFFFFFE, v33;
	v25 =	vld.idx.msk [tilespmem:v25+s4+$0x0], $0xffff;
	v36 =	vpop (erf)  }
0x118: {  	v38 =	vmov s8;
	v19 =	vmax.f32 v19, $9.999999970e-07;
	v33 =	vbroadcast v33, $0x0;
	v37 =	vld.idx.msk [tilespmem:v22+s4+$0x0], $0xffff  }
0x119: {  	v17 =	vbroadcast v17, $0x0;
	v18 =	vand.u32 $0xFFFFFFFC, v18;
	v22 =	vld.idx.msk [tilespmem:v22+s5+$0x0], $0xffff;
	(erf) = vpow2.f32 v20  }
0x11a: {  	v18 =	vbroadcast v18, $0x0;
	v16 =	vshll.u32 v16, $0x5;
	v20 =	vld.idx.msk [tilespmem:v24+s4+$0x0], $0xffff;
	(erf) = vrcp.f32 v19  }
0x11b: {  	v9 =	vmul.f32 v13, v9;
	v15 =	vbroadcast v15, $0x0;
	v16 =	vor.u32 v6, v16;
	v19 =	vld.idx.msk [tilespmem:v31+s4+$0x0], $0xffff  }
0x11c: {  	v21 =	vadd.f32 $1.000000000e+00, v21;
	v8 =	vmul.f32 v27, v8;
	v24 =	vmin.f32 v4, v23;
	v13 =	vld.idx.msk [tilespmem:v35+s4+$0x0], $0xffff  }
0x11d: {  	v10 =	vsub.f32 v10, v9;
	v12 =	vmax.f32 v12, $9.999999970e-07;
	v27 =	vadd.f32 $1.000000000e+00, v36;
	v14 =	vld.idx.msk [tilespmem:v14+s4+$0x0], $0xffff  }
0x11e: {  	v30 =	vbroadcast v30, $0x0;
	v35 =	vmax.f32 v1, v25;
	v31 =	vld.idx.msk [tilespmem:v38+s4+$0x0], $0xffff;
	(erf) = vrcp.f32 v21  }
0x11f: {  	v8 =	vmul.f32 v8, v8;
	v21 =	vshll.u32 v22, $0x5;
	v22 =	vld.idx.msk [tilespmem:v17+s4+$0x0], $0xffff;
	(erf) = vrcp.f32 v27  }
0x120: {  	v10 =	vmax.f32 v10, $9.999999970e-07;
	v27 =	vld.idx.msk [tilespmem:v28+s4+$0x0], $0xffff;
	v28 =	vmax.f32 v1, v29  }
0x121: {  	v36 =	vmul.f32 v8, v8;
	v21 =	vor.u32 v6, v21;
	v15 =	vld.idx.msk [tilespmem:v15+s4+$0x0], $0xffff;
	(erf) = vrcp.f32 v10  }
0x122: {  	v10 =	vsub.f32 v13, v25;
	v13 =	vmin.f32 v3, v13;
	v8 =	vld.idx.msk [tilespmem:v18+s4+$0x0], $0xffff;
	(erf) = vrcp.f32 v26;
	v18 =	vpop (erf)  }
0x123: {  	v25 =	vmin.f32 v4, v20;
	v17 =	vld.idx.msk [tilespmem:v17+s5+$0x0], $0xffff;
	v18 =	vadd.f32 $1.000000000e+00, v18;
	v26 =	vpop (erf);
	(erf) = vrcp.f32 v12  }
0x124: {  	v38 =	vsub.f32 v14, v19;
	v23 =	vsub.f32 v23, v31;
	v12 =	vld.idx.msk [tilespmem:v30+s4+$0x0], $0xffff;
	v26 =	vmul.f32 v26, v11  }
0x125: {  	v11 =	vmin.f32 v4, v14;
	v14 =	vmax.f32 v2, v19;
	v19 =	vmax.f32 v2, v31  }
0x126: {  	v31 =	vshll.u32 v34, $0x5;
	v10 =	vmul.f32 v23, v10;
	v19 =	vsub.f32 v24, v19;
	v30 =	vld.idx.msk [tilespmem:v33+s4+$0x0], $0xffff  }
0x127: {  	v11 =	vsub.f32 v11, v14;
	v23 =	vsub.f32 v15, v29;
	v24 =	vmin.f32 v3, v15;
	v14 =	vld.idx.msk [tilespmem:v32+s4+$0x0], $0xffff;
	v29 =	vpop (erf)  }
0x128: {  	v31 =	vor.u32 v6, v31;
	v15 =	vmin.f32 v3, v27;
	(erf) = vrcp.f32 v18;
	v32 =	vpop (erf)  }
0x129: {  	v34 =	vmul.f32 v26, v26;
	v11 =	vmax.f32 v11, $0.0e+00;
	v18 =	vld.idx.msk [tilespmem:v21+s3+$0x0], $0xffff;
	v21 =	vmax.f32 v1, v37  }
0x12a: {  	v27 =	vsub.f32 v27, v37;
	v15 =	vsub.f32 v15, v21;
	v21 =	vmax.f32 v2, v8;
	v33 =	vpop (erf)  }
0x12b: {  	v13 =	vsub.f32 v13, v35;
	v21 =	vsub.f32 v25, v21;
	v25 =	vmul.f32 v34, v34;
	v26 =	vpop (erf)  }
0x12c: {  	v8 =	vsub.f32 v20, v8;
	v20 =	vmin.f32 v3, v30;
	v34 =	vmax.f32 v1, v22;
	v35 =	vpop (erf)  }
0x12d: {  	v22 =	vsub.f32 v30, v22;
	v33 =	vmul.f32 v33, v9;
	v30 =	vsub.f32 v12, v14  }
0x12e: {  	v9 =	vsub.f32 v20, v34;
	v20 =	vmin.f32 v4, v12;
	v21 =	vmax.f32 v21, $0.0e+00;
	v16 =	vld.idx.msk [tilespmem:v16+s3+$0x0], $0xffff  }
0x12f: {  	v8 =	vmul.f32 v8, v27;
	v14 =	vmax.f32 v2, v14;
	v12 =	vsub.f32 $0.0e+00, v18  }
0x130: {  	v7 =	vmul.f32 v35, v7;
	v18 =	vmul.f32 v30, v22;
	v9 =	vmax.f32 v9, $0.0e+00  }
0x131: {  	v27 =	vmul.f32 v33, v33;
	v22 =	vmul.f32 $1.442695020e+00, v12;
	v12 =	vadd.f32 v10, v5;
	v30 =	vpop (erf)  }
0x132: {  	v15 =	vmax.f32 v15, $0.0e+00;
	v33 =	vadd.f32 v8, v5;
	v10 =	vadd.f32 v18, v5  }
0x133: {  	v8 =	vmul.f32 v21, v15;
	v18 =	vsub.f32 v20, v14;
	v21 =	vld.idx.msk [tilespmem:v31+s3+$0x0], $0xffff;
	(erf) = vpow2.f32 v22  }
0x134: {  	v15 =	vsub.f32 $0.0e+00, v16;
	v16 =	vmax.f32 v19, $0.0e+00;
	v19 =	vmul.f32 v27, v27  }
0x135: {  	v20 =	vsub.f32 v33, v8;
	v14 =	vmul.f32 v25, v26;
	v22 =	vmul.f32 v7, v7  }
0x136: {  	v7 =	vshll.u32 v17, $0x5;
	v25 =	vmul.f32 $1.442695020e+00, v15;
	v15 =	vmul.f32 v19, v30  }
.Ltmp2:
0x137: {  	v17 =	vmax.f32 v20, $9.999999970e-07;
	v20 =	vor.u32 v6, v7;
	v7 =	vmax.f32 v13, $0.0e+00;
	(pc) =	sbr.rel @p0 .LBB2_5-.Ltmp2, $4  }
0x138: {  	v13 =	vsub.f32 v24, v28;
	v7 =	vmul.f32 v16, v7;
	(erf) = vpow2.f32 v25  }
0x139: {  	v22 =	vmul.f32 v22, v22;
	v16 =	vsub.f32 $0.0e+00, v21;
	(erf) = vrcp.f32 v17  }
0x13a: {  	v19 =	vmul.f32 v38, v23;
	v21 =	vmax.f32 v13, $0.0e+00;
	v17 =	vmul.f32 v36, v29  }
0x13b: {  	v13 =	vmax.f32 v18, $0.0e+00;
	v18 =	vmul.f32 $1.442695020e+00, v16;
	v16 =	vmul.f32 v22, v32  }
0x13c: {  	_ =	sdelay $0x3  }
0x13d: {  	v1 =	vld.idx.msk [tilespmem:v20+s3+$0x0], $0xffff;
	_ =	sdelay $0x1  }
0x13e: {  	(erf) = vpow2.f32 v18;
	_ =	sdelay $0x2  }
0x13f: {  	v1 =	vsub.f32 $0.0e+00, v1;
	_ =	sdelay $0x1  }
0x140: {  	v2 =	vmul.f32 v11, v21;
	v3 =	vadd.f32 v19, v5;
	v1 =	vmul.f32 $1.442695020e+00, v1  }
0x141: {  	v4 =	vpop (erf)  }
0x142: {  	v3 =	vsub.f32 v3, v2;
	v5 =	vpop (erf);
	(erf) = vpow2.f32 v1  }
0x143: {  	v6 =	vpop (erf);
	v1 =	vmul.f32 v13, v9  }
0x144: {  	v4 =	vadd.f32 $1.000000000e+00, v4;
	v3 =	vmax.f32 v3, $9.999999970e-07;
	v9 =	vpop (erf)  }
0x145: {  	(erf) = vrcp.f32 v3;
	v3 =	vsub.f32 v10, v1;
	v9 =	vadd.f32 $1.000000000e+00, v9  }
0x146: {  	v10 =	vsub.f32 v12, v7;
	(erf) = vrcp.f32 v4  }
0x147: {  	v4 =	vadd.f32 $1.000000000e+00, v5;
	(erf) = vrcp.f32 v9;
	v3 =	vmax.f32 v3, $9.999999970e-07  }
0x148: {  	(erf) = vrcp.f32 v3;
	v3 =	vmax.f32 v10, $9.999999970e-07  }
0x149: {  	(erf) = vrcp.f32 v4  }
0x14a: {  	(erf) = vrcp.f32 v3  }
0x14b: {  	v3 =	vpop (erf)  }
0x14c: {  	v3 =	vadd.f32 $1.000000000e+00, v3;
	_ =	sdelay $0x1  }
0x14d: {  	v4 =	vpop (erf)  }
0x14e: {  	v5 =	vpop (erf)  }
0x14f: {  	(erf) = vrcp.f32 v3;
	v3 =	vpop (erf)  }
0x150: {  	v9 =	vpop (erf)  }
0x151: {  	v10 =	vpop (erf)  }
0x152: {  	v6 =	vmul.f32 v6, v8;
	v2 =	vmul.f32 v4, v2;
	v4 =	vpop (erf)  }
0x153: {  	v1 =	vmul.f32 v9, v1;
	v4 =	vmul.f32 v4, v7  }
0x154: {  	v6 =	vmul.f32 v6, v6;
	v2 =	vmul.f32 v2, v2  }
0x155: {  	v1 =	vmul.f32 v1, v1;
	v4 =	vmul.f32 v4, v4  }
0x156: {  	v6 =	vmul.f32 v6, v6;
	v2 =	vmul.f32 v2, v2  }
0x157: {  	v1 =	vmul.f32 v1, v1;
	v4 =	vmul.f32 v4, v4  }
0x158: {  	v5 =	vmul.f32 v6, v5;
	v2 =	vmul.f32 v2, v10;
	v7 =	vpop (erf)  }
0x159: {  	v1 =	vmul.f32 v1, v7;
	v3 =	vmul.f32 v4, v3  }
0x15a: {  	v6 =	vmax.f32 v15, v16;
	v4 =	vmax.f32 v17, v14  }
0x15b: {  	v2 =	vmax.f32 v5, v2;
	v4 =	vmax.f32 v4, v6;
	v1 =	vmax.f32 v1, v3  }
0x15c: {  	v0 =	vmax.f32 v0, v4;
	v1 =	vmax.f32 v2, v1  }
0x15d: {  	v0 =	vmax.f32 v0, v1  }
0x15e: {  	v1 =	vmax.f32 v0, $1.000000000e-30  }
0x15f: {  	(v2sf) =	vpush v1, $0xD;
	_ =	sdelay $0x1  }
0x160: {  	(v2sf) =	vpush v1, $0xC;
	_ =	sdelay $0x1  }
0x161: {  	(v2sf) =	vpush v1, $0xE;
	_ =	sdelay $0x1  }
0x162: {  	(v2sf) =	vpush v1, $0xF;
	_ =	sdelay $0x1  }
0x163: {  	(v2sf) =	vpush v1, $0x9;
	_ =	sdelay $0x1  }
0x164: {  	(v2sf) =	vpush v1, $0x8;
	_ =	sdelay $0x1  }
0x165: {  	(v2sf) =	vpush v1, $0xA;
	_ =	sdelay $0x1  }
0x166: {  	(v2sf) =	vpush v1, $0xB  }
0x167: {  	(v2sf) =	vpush v1, $0x0;
	s29 =	spop (v2sf)  }
0x168: {  	s5 =	smulhi.u32 $0x66666667, s29;
	s3 =	sshra.s32 s29, $0x1F  }
0x169: {  	(v2sf) =	vpush v1, $0x1;
	s4 =	spop (v2sf);
	s3 =	smul.u32 $0x66666667, s3  }
0x16a: {  	s8 =	smulhi.u32 $0x66666667, s4;
	s4 =	sshra.s32 s4, $0x1F  }
0x16b: {  	(v2sf) =	vpush v1, $0x2;
	s6 =	spop (v2sf);
	s10 =	smul.u32 $0x66666667, s4  }
0x16c: {  	s11 =	smulhi.u32 $0x66666667, s6;
	s6 =	sshra.s32 s6, $0x1F  }
0x16d: {  	s7 =	spop (v2sf);
	s6 =	smul.u32 $0x66666667, s6  }
0x16e: {  	(v2sf) =	vpush v1, $0x3;
	s15 =	smulhi.u32 $0x66666667, s7;
	s7 =	sshra.s32 s7, $0x1F  }
0x16f: {  	(v2sf) =	vpush v1, $0x4;
	s9 =	spop (v2sf);
	s7 =	smul.u32 $0x66666667, s7  }
0x170: {  	(v2sf) =	vpush v1, $0x5;
	s18 =	smulhi.u32 $0x66666667, s9;
	s9 =	sshra.s32 s9, $0x1F  }
0x171: {  	(v2sf) =	vpush v1, $0x6;
	s30 =	spop (v2sf);
	s20 =	smul.u32 $0x66666667, s9  }
0x172: {  	(v2sf) =	vpush v1, $0x7;
	s21 =	smulhi.u32 $0x66666667, s30;
	s4 =	sshra.s32 s30, $0x1F  }
0x173: {  	s12 =	spop (v2sf);
	s24 =	smul.u32 $0x66666667, s4  }
0x174: {  	s9 =	sadd.s32 s10, s8;
	s25 =	smulhi.u32 $0x66666667, s12;
	s31 =	sshra.s32 s12, $0x1F  }
0x175: {  	s14 =	spop (v2sf);
	s4 =	sadd.s32 s3, s5;
	s26 =	smul.u32 $0x66666667, s31  }
0x176: {  	s3 =	sadd.s32 s7, s15;
	s16 =	spop (v2sf);
	s28 =	smulhi.u32 $0x66666667, s14  }
0x177: {  	s5 =	sshra.s32 s14, $0x1F;
	s14 =	sshrl.u32 s4, $0x1F;
	s7 =	sadd.s32 s20, s18  }
0x178: {  	s4 =	sshra.s32 s4, $0x1;
	s17 =	spop (v2sf);
	s29 =	smul.u32 $0x66666667, s5  }
0x179: {  	s5 =	sadd.s32 s6, s11;
	s11 =	smulhi.u32 $0x66666667, s16;
	s8 =	sshra.s32 s16, $0x1F  }
0x17a: {  	s16 =	sshrl.u32 s9, $0x1F;
	s19 =	spop (v2sf);
	s31 =	smul.u32 $0x66666667, s8  }
0x17b: {  	s30 =	sshrl.u32 s5, $0x1F;
	s15 =	smulhi.u32 $0x66666667, s17;
	s10 =	sshra.s32 s17, $0x1F  }
0x17c: {  	s17 =	sshrl.u32 s3, $0x1F;
	s8 =	sadd.s32 s26, s25;
	s18 =	smul.u32 $0x66666667, s10  }
0x17d: {  	s22 =	spop (v2sf);
	s10 =	sadd.s32 s24, s21;
	s20 =	smulhi.u32 $0x66666667, s19  }
0x17e: {  	s24 =	sshra.s32 s19, $0x1F;
	s19 =	sshrl.u32 s7, $0x1F;
	s23 =	spop (v2sf)  }
0x17f: {  	s6 =	sadd.s32 s29, s28;
	s21 =	smul.u32 $0x66666667, s24;
	s13 =	spop (v2sf)  }
0x180: {  	s24 =	smulhi.u32 $0x66666667, s22;
	s22 =	sshra.s32 s22, $0x1F;
	s12 =	spop (v2sf)  }
0x181: {  	vm1 =	vcmask $0xB08;
	v2 =	vmov s16;
	s26 =	sadd.s32 s31, s11;
	s11 =	smul.u32 $0x66666667, s22;
	s28 =	spop (v2sf)  }
0x182: {  	vm0 =	vcmask $0x1310;
	vm7 =	vcmask $0x300;
	v2 =	vsel vm1, s14, v2;
	s15 =	sadd.s32 s18, s15;
	s29 =	smulhi.u32 $0x66666667, s28;
	s18 =	sshra.s32 s28, $0x1F  }
0x183: {  	vm2 =	vcmask $0x1B18;
	vm3 =	vcmask $0x2320;
	s25 =	sshrl.u32 s10, $0x1F;
	v2 =	vsel vm0, s30, v2;
	s30 =	sshrl.u32 s8, $0x1F;
	s18 =	smul.u32 $0x66666667, s18  }
0x184: {  	vm15 =	vcmask $0x704;
	vm6 =	vcmask $0x2B28;
	s31 =	sshrl.u32 s26, $0x1F;
	s22 =	smulhi.u32 $0x66666667, s23;
	s23 =	sshra.s32 s23, $0x1F;
	v3 =	vmov s25  }
0x185: {  	vm14 =	vcmask $0xF0C;
	vm5 =	vcmask $0x3330;
	s23 =	smul.u32 $0x66666667, s23;
	v3 =	vsel vm1, s19, v3;
	s16 =	sadd.s32 s11, s24;
	s11 =	sadd.s32 s18, s29  }
0x186: {  	v5 =	vimm.s32 $0xECA86420;
	s20 =	sadd.s32 s21, s20;
	v4 =	vmov s31;
	s31 =	sshrl.u32 s6, $0x1F;
	v3 =	vsel vm0, s30, v3;
	s29 =	sshra.s32 s11, $0x1F  }
0x187: {  	v4 =	vnsel vm7, $0x0, v4;
	s14 =	sadd.s32 s23, s22;
	s23 =	sshrl.u32 s15, $0x1F;
	v3 =	vsel vm2, s31, v3;
	s31 =	sshra.s32 s26, $0x1;
	v6 =	vmov s29  }
0x188: {  	s9 =	sshra.s32 s9, $0x1;
	v2 =	vsel vm2, s17, v2;
	s24 =	sshrl.u32 s20, $0x1F;
	s22 =	sshra.s32 s26, $0x1F;
	v4 =	vsel vm1, s23, v4;
	v6 =	vsel vm7, s31, v6  }
0x189: {  	s28 =	smulhi.u32 $0x66666667, s13;
	s13 =	sshra.s32 s13, $0x1F;
	v2 =	vcombine.low v3, v2;
	v3 =	vunpack.c.l.s4.s8 v5;
	s23 =	sshra.s32 s15, $0x1;
	v5 =	vsel vm15, s22, v6  }
0x18a: {  	vm13 =	vcmask $0x1714;
	s25 =	sshrl.u32 s16, $0x1F;
	s13 =	smul.u32 $0x66666667, s13;
	s15 =	sshra.s32 s15, $0x1F;
	v4 =	vsel vm0, s24, v4;
	v5 =	vsel vm1, s23, v5  }
0x18b: {  	vm4 =	vcmask $0x3B38;
	s5 =	sshra.s32 s5, $0x1;
	s21 =	smulhi.u32 $0x66666667, s12;
	v4 =	vsel vm2, s25, v4;
	s25 =	sshra.s32 s20, $0x1;
	v5 =	vsel vm14, s15, v5  }
0x18c: {  	vm11 =	vcmask $0x1F1C;
	vm8 =	vcmask $0x2724;
	s12 =	sshra.s32 s12, $0x1F;
	s13 =	sadd.s32 s13, s28;
	s28 =	sshra.s32 s20, $0x1F;
	v5 =	vsel vm0, s25, v5  }
0x18d: {  	vm10 =	vcmask $0x3734;
	v8 =	vmov s9;
	s12 =	smul.u32 $0x66666667, s12;
	s30 =	sshrl.u32 s14, $0x1F;
	s29 =	sshra.s32 s16, $0x1;
	v5 =	vsel vm13, s28, v5  }
0x18e: {  	s3 =	sshra.s32 s3, $0x1;
	v8 =	vsel vm1, s4, v8;
	s10 =	sshra.s32 s10, $0x1;
	v4 =	vsel vm3, s30, v4;
	s30 =	sshra.s32 s16, $0x1F;
	v5 =	vsel vm2, s29, v5  }
0x18f: {  	v8 =	vsel vm0, s5, v8;
	v9 =	vmov s10;
	s12 =	sadd.s32 s12, s21;
	s24 =	sshrl.u32 s13, $0x1F;
	s31 =	sshra.s32 s14, $0x1;
	v5 =	vsel vm11, s30, v5  }
0x190: {  	v8 =	vsel vm2, s3, v8;
	s26 =	sshrl.u32 s12, $0x1F;
	v4 =	vsel vm6, s24, v4;
	s14 =	sshra.s32 s14, $0x1F;
	v5 =	vsel vm3, s31, v5  }
0x191: {  	v3 =	vunpack.c.0.s8.s32 v3;
	s16 =	sshra.s32 s13, $0x1;
	v4 =	vsel vm5, s26, v4;
	s15 =	sshra.s32 s7, $0x1;
	v5 =	vsel vm8, s14, v5  }
0x192: {  	s17 =	sshra.s32 s8, $0x1;
	s18 =	sshra.s32 s13, $0x1F;
	v9 =	vsel vm1, s15, v9;
	vm8 =	vcmask $0x2F2C;
	v5 =	vsel vm6, s16, v5  }
0x193: {  	s19 =	sshra.s32 s6, $0x1;
	s20 =	sshra.s32 s12, $0x1;
	v6 =	vlaneseq.u32;
	v9 =	vsel vm0, s17, v9;
	v5 =	vsel vm8, s18, v5  }
0x194: {  	s21 =	sshrl.u32 s11, $0x1F;
	s22 =	sshra.s32 s12, $0x1F;
	v7 =	vmul.u32 $0x2, v6;
	v9 =	vsel vm2, s19, v9;
	v5 =	vsel vm5, s20, v5  }
0x195: {  	v4 =	vsel vm4, s21, v4;
	s23 =	sshra.s32 s11, $0x1;
	v8 =	vcombine.low v9, v8;
	v5 =	vsel vm10, s22, v5  }
0x196: {  	v2 =	vperm.xlane v2, v3;
	v4 =	vperm.xlane v4, v7;
	v5 =	vsel vm4, s23, v5  }
0x197: {  	v3 =	vperm.xlane v8, v3;
	v5 =	vperm.xlane v5, v7  }
0x198: {  	vm12 =	vmmov $0xff  }
0x199: {  	v2 =	vsel vm12, v4, v2;
	v3 =	vsel vm12, v5, v3  }
0x19a: {  	v2 =	vadd.s32 v2, v3  }
0x19b: {  	v3 =	vmul.u32 $0xFFFFFFFB, v2  }
0x19c: {  	v4 =	vsub.s32 $0x0, v1  }
0x19d: {  	vm8 =	vlt.s32 v1, $0x1;
	vm9 =	vne.s32 v3, v4  }
0x19e: {  	v3 =	vimm.s32 $0x0;
	vm8 =	vmand vm8, vm9  }
0x19f: {  	v3 =	vsel vm8, $0xFFFFFFFF, v3  }
0x1a0: {  	v2 =	vadd.s32 v3, v2  }
0x1a1: {  	v2 =	vadd.s32 $0x32CCCCCD, v2  }
0x1a2: {  	v3 =	vmul.f32 v2, v2;
	_ =	sdelay $0x1  }
0x1a3: {  	v3 =	vmul.f32 v3, v3;
	_ =	sdelay $0x1  }
0x1a4: {  	(erf) = vrcp.f32 v3;
	_ =	sdelay $0x8  }
0x1a5: {  	v3 =	vpop (erf)  }
0x1a6: {  	v2 =	vmul.f32 $4.000000000e+00, v2;
	v3 =	vmul.f32 v3, v1;
	_ =	sdelay $0x1  }
0x1a7: {  	v2 =	vadd.f32 v3, v2;
	_ =	sdelay $0x1  }
0x1a8: {  	v2 =	vmul.f32 $2.000000030e-01, v2;
	_ =	sdelay $0x1  }
0x1a9: {  	v3 =	vmul.f32 v2, v2;
	_ =	sdelay $0x1  }
0x1aa: {  	v3 =	vmul.f32 v3, v3;
	_ =	sdelay $0x1  }
0x1ab: {  	(erf) = vrcp.f32 v3;
	_ =	sdelay $0x8  }
0x1ac: {  	v3 =	vpop (erf)  }
0x1ad: {  	v2 =	vmul.f32 $4.000000000e+00, v2;
	v3 =	vmul.f32 v3, v1;
	_ =	sdelay $0x1  }
0x1ae: {  	v2 =	vadd.f32 v3, v2;
	_ =	sdelay $0x1  }
0x1af: {  	v2 =	vmul.f32 $2.000000030e-01, v2;
	_ =	sdelay $0x1  }
0x1b0: {  	v3 =	vmul.f32 v2, v2;
	_ =	sdelay $0x1  }
0x1b1: {  	v3 =	vmul.f32 v3, v3;
	_ =	sdelay $0x1  }
0x1b2: {  	(erf) = vrcp.f32 v3;
	_ =	sdelay $0x8  }
0x1b3: {  	v3 =	vpop (erf)  }
0x1b4: {  	v2 =	vmul.f32 $4.000000000e+00, v2;
	v3 =	vmul.f32 v3, v1;
	_ =	sdelay $0x1  }
0x1b5: {  	v2 =	vadd.f32 v3, v2;
	_ =	sdelay $0x1  }
0x1b6: {  	v2 =	vmul.f32 $2.000000030e-01, v2;
	_ =	sdelay $0x1  }
0x1b7: {  	v3 =	vmul.f32 v2, v2;
	_ =	sdelay $0x1  }
0x1b8: {  	v3 =	vmul.f32 v3, v3;
	_ =	sdelay $0x1  }
0x1b9: {  	(erf) = vrcp.f32 v3;
	_ =	sdelay $0x8  }
0x1ba: {  	v3 =	vpop (erf)  }
0x1bb: {  	s24 =	simm.s32 $0x1;
	v2 =	vmul.f32 $4.000000000e+00, v2;
	v1 =	vmul.f32 v3, v1  }
0x1bc: {  	s9 =	simm.s32 $0x6B;
	v3 =	vmov s24  }
0x1bd: {  	v19 =	vmov s9;
	s10 =	simm.s32 $0xD0;
	s25 =	simm.s32 $0x13B;
	v3 =	vand.u32 $0xFFFFFFFD, v3;
	v2 =	vadd.f32 v1, v2  }
0x1be: {  	s6 =	simm.s32 $0xD3;
	v21 =	vmov s10;
	v7 =	vmov s25;
	v5 =	vbroadcast v3, $0x0  }
0x1bf: {  	v18 =	vmov s6;
	v21 =	vand.u32 $0xFFFFFFFC, v21;
	s13 =	simm.s32 $0xD2;
	s26 =	simm.s32 $0x0;
	v1 =	vld [tilespmem:$0x5A0];
	v4 =	vmul.f32 $2.000000030e-01, v2  }
0x1c0: {  	v24 =	vmov s13;
	s28 =	simm.s32 $0x3;
	v8 =	vmov s26;
	vm8 =	vgt.f32 v0, $0.0e+00;
	v3 =	vld [tilespmem:$0x5E0]  }
0x1c1: {  	v10 =	vmov s28;
	v8 =	vand.u32 $0xFFFFFFFC, v8;
	v2 =	vld [tilespmem:$0x5C0];
	v0 =	vnsel vm8, $0x0, v4  }
0x1c2: {  	s3 =	simm.s32 $0x1A10;
	v21 =	vbroadcast v21, $0x0;
	s12 =	simm.s32 $0x13A;
	v24 =	vand.u32 $0xFFFFFFFE, v24;
	s11 =	simm.s32 $0x68;
	v8 =	vbroadcast v8, $0x0;
	v4 =	vld [tilespmem:$0x600];
	[tilespmem:$0x1C18] =	vst v0  }
0x1c3: {  	v6 =	vor.u32 $0x10, v6;
	v23 =	vmov s12;
	v22 =	vmov s11;
	v7 =	vld.idx.msk [tilespmem:v7+s3+$0x0], $0xffff  }
0x1c4: {  	s4 =	simm.s32 $0x1BB0;
	v24 =	vbroadcast v24, $0x0;
	v23 =	vand.u32 $0xFFFFFFFE, v23;
	v22 =	vand.u32 $0xFFFFFFFC, v22;
	s14 =	simm.s32 $0x6A;
	v12 =	vld.idx.msk [tilespmem:v5+s3+$0x0], $0xffff  }
0x1c5: {  	v23 =	vbroadcast v23, $0x0;
	v22 =	vbroadcast v22, $0x0;
	s29 =	simm.s32 $0x138;
	s28 =	simm.s32 $0x6E;
	v25 =	vmov s14;
	v16 =	vld.idx.msk [tilespmem:v5+s4+$0x0], $0xffff  }
0x1c6: {  	v9 =	vmov s29;
	v45 =	vmov s28;
	s29 =	simm.s32 $0xD6;
	s26 =	simm.s32 $0x6D;
	v25 =	vand.u32 $0xFFFFFFFE, v25;
	v17 =	vld.idx.msk [tilespmem:v10+s4+$0x0], $0xffff  }
0x1c7: {  	v46 =	vmov s29;
	v43 =	vmov s26;
	v25 =	vbroadcast v25, $0x0;
	s23 =	simm.s32 $0x7;
	s25 =	simm.s32 $0x13E;
	s24 =	simm.s32 $0xD4;
	v10 =	vld.idx.msk [tilespmem:v10+s3+$0x0], $0xffff  }
0x1c8: {  	s30 =	simm.s32 $0x69;
	v63 =	vmov s23;
	v42 =	vmov s25;
	v40 =	vmov s24;
	v20 =	vld.idx.msk [tilespmem:v8+s4+$0x0], $0xffff  }
0x1c9: {  	s31 =	simm.s32 $0x139;
	v0 =	vand.u32 $0xFFFFFFFC, v9;
	v9 =	vmov s30;
	v14 =	vsub.f32 v3, v1;
	v18 =	vld.idx.msk [tilespmem:v18+s3+$0x0], $0xffff  }
0x1ca: {  	s30 =	simm.s32 $0xD7;
	v11 =	vbroadcast v0, $0x0;
	v0 =	vand.u32 $0xFFFFFFFD, v9;
	v9 =	vmov s31;
	v19 =	vld.idx.msk [tilespmem:v19+s3+$0x0], $0xffff  }
0x1cb: {  	v8 =	vld.idx.msk [tilespmem:v8+s3+$0x0], $0xffff;
	v33 =	vmov s30;
	v9 =	vand.u32 $0xFFFFFFFD, v9;
	v15 =	vsub.f32 v4, v2  }
0x1cc: {  	s8 =	simm.s32 $0xD1;
	s7 =	simm.s32 $0x2;
	v21 =	vld.idx.msk [tilespmem:v21+s3+$0x0], $0xffff;
	v13 =	vbroadcast v0, $0x0;
	v0 =	vimm.f32 $0.0e+00;
	v9 =	vbroadcast v9, $0x0  }
0x1cd: {  	v34 =	vld.idx.msk [tilespmem:v63+s3+$0x0], $0xffff;
	v5 =	vmul.f32 v15, v14;
	v14 =	vmov s7;
	v15 =	vmov s8  }
0x1ce: {  	v16 =	vshll.u32 v16, $0x5;
	v26 =	vmin.f32 v4, v7;
	v28 =	vmax.f32 v1, v10  }
0x1cf: {  	v20 =	vshll.u32 v20, $0x5;
	v29 =	vmax.f32 v1, v12;
	v10 =	vsub.f32 v18, v10  }
0x1d0: {  	v22 =	vld.idx.msk [tilespmem:v22+s3+$0x0], $0xffff;
	v18 =	vmin.f32 v3, v18;
	v7 =	vsub.f32 v7, v19;
	v19 =	vmax.f32 v2, v19  }
0x1d1: {  	v24 =	vld.idx.msk [tilespmem:v24+s3+$0x0], $0xffff;
	v17 =	vshll.u32 v17, $0x5;
	v60 =	vmax.f32 v1, v8;
	v8 =	vsub.f32 v21, v8  }
0x1d2: {  	v47 =	vmax.f32 v1, v34;
	v14 =	vand.u32 $0xFFFFFFFE, v14;
	v15 =	vand.u32 $0xFFFFFFFD, v15;
	v11 =	vld.idx.msk [tilespmem:v11+s3+$0x0], $0xffff  }
0x1d3: {  	v16 =	vor.u32 v6, v16;
	v20 =	vor.u32 v6, v20;
	v13 =	vld.idx.msk [tilespmem:v13+s3+$0x0], $0xffff;
	v15 =	vbroadcast v15, $0x0  }
0x1d4: {  	v7 =	vmul.f32 v7, v10;
	v10 =	vsub.f32 v26, v19;
	v19 =	vmin.f32 v3, v21;
	v9 =	vld.idx.msk [tilespmem:v9+s3+$0x0], $0xffff  }
0x1d5: {  	v17 =	vor.u32 v6, v17;
	v14 =	vbroadcast v14, $0x0;
	v19 =	vsub.f32 v19, v60  }
0x1d6: {  	v18 =	vsub.f32 v18, v28;
	v28 =	vand.u32 $0xFFFFFFFD, v43;
	v21 =	vmax.f32 v2, v22  }
0x1d7: {  	s5 =	simm.s32 $0x1010;
	v23 =	vld.idx.msk [tilespmem:v23+s3+$0x0], $0xffff;
	v28 =	vbroadcast v28, $0x0;
	v10 =	vmax.f32 v10, $0.0e+00;
	v19 =	vmax.f32 v19, $0.0e+00  }
0x1d8: {  	v30 =	vmin.f32 v4, v11;
	v20 =	vld.idx.msk [tilespmem:v20+s5+$0x0], $0xffff;
	v11 =	vsub.f32 v11, v22;
	v22 =	vmin.f32 v3, v24  }
0x1d9: {  	v16 =	vld.idx.msk [tilespmem:v16+s5+$0x0], $0xffff;
	v21 =	vsub.f32 v30, v21;
	v30 =	vand.u32 $0xFFFFFFFE, v45;
	v31 =	vsub.f32 v9, v13  }
0x1da: {  	v15 =	vld.idx.msk [tilespmem:v15+s3+$0x0], $0xffff;
	v9 =	vmin.f32 v4, v9;
	v13 =	vmax.f32 v2, v13;
	v8 =	vmul.f32 v11, v8  }
0x1db: {  	v27 =	vld.idx.msk [tilespmem:v14+s3+$0x0], $0xffff;
	v30 =	vbroadcast v30, $0x0;
	v9 =	vsub.f32 v9, v13;
	v21 =	vmax.f32 v21, $0.0e+00  }
0x1dc: {  	v13 =	vld.idx.msk [tilespmem:v25+s3+$0x0], $0xffff;
	v25 =	vand.u32 $0xFFFFFFFC, v40;
	v8 =	vadd.f32 v8, v5;
	v19 =	vmul.f32 v21, v19  }
0x1dd: {  	s18 =	simm.s32 $0x13F;
	v21 =	vadd.f32 v7, v5;
	v25 =	vbroadcast v25, $0x0;
	v9 =	vmax.f32 v9, $0.0e+00  }
0x1de: {  	v11 =	vld.idx.msk [tilespmem:v14+s4+$0x0], $0xffff;
	v14 =	vsub.f32 $0.0e+00, v20;
	v7 =	vsub.f32 $0.0e+00, v16;
	v16 =	vmov s18  }
0x1df: {  	v8 =	vsub.f32 v8, v19;
	v12 =	vsub.f32 v15, v12;
	v15 =	vmin.f32 v3, v15  }
0x1e0: {  	v61 =	vmax.f32 v1, v27;
	v24 =	vsub.f32 v24, v27;
	v14 =	vmul.f32 $1.442695020e+00, v14  }
0x1e1: {  	v27 =	vand.u32 $0xFFFFFFFE, v42;
	v62 =	vsub.f32 v23, v13;
	v22 =	vsub.f32 v22, v61  }
0x1e2: {  	v17 =	vld.idx.msk [tilespmem:v17+s5+$0x0], $0xffff;
	v23 =	vmin.f32 v4, v23;
	v13 =	vmax.f32 v2, v13;
	v8 =	vmax.f32 v8, $9.999999970e-07  }
0x1e3: {  	s22 =	simm.s32 $0x13D;
	v15 =	vsub.f32 v15, v29;
	v13 =	vsub.f32 v23, v13;
	(erf) = vpow2.f32 v14  }
0x1e4: {  	v14 =	vmul.f32 $1.442695020e+00, v7;
	v7 =	vshll.u32 v11, $0x5;
	v23 =	vmov s22  }
0x1e5: {  	s20 =	simm.s32 $0x13C;
	v20 =	vmul.f32 v62, v24;
	v22 =	vmax.f32 v22, $0.0e+00;
	v11 =	vor.u32 v6, v7  }
0x1e6: {  	v7 =	vmax.f32 v18, $0.0e+00;
	v18 =	vmov s20;
	v23 =	vand.u32 $0xFFFFFFFD, v23  }
0x1e7: {  	s15 =	simm.s32 $0x4;
	v7 =	vmul.f32 v10, v7;
	(erf) = vpow2.f32 v14;
	v10 =	vsub.f32 $0.0e+00, v17  }
0x1e8: {  	v13 =	vmax.f32 v13, $0.0e+00;
	v14 =	vmov s15;
	v23 =	vbroadcast v23, $0x0  }
0x1e9: {  	v18 =	vand.u32 $0xFFFFFFFC, v18;
	(erf) = vrcp.f32 v8;
	v8 =	vmul.f32 v31, v12  }
0x1ea: {  	s16 =	simm.s32 $0x5;
	v12 =	vmax.f32 v15, $0.0e+00;
	v14 =	vand.u32 $0xFFFFFFFC, v14;
	v18 =	vbroadcast v18, $0x0  }
0x1eb: {  	s17 =	simm.s32 $0x6;
	v16 =	vld.idx.msk [tilespmem:v16+s3+$0x0], $0xffff;
	v9 =	vmul.f32 v9, v12;
	v12 =	vmov s16;
	v14 =	vbroadcast v14, $0x0  }
0x1ec: {  	v20 =	vadd.f32 v20, v5;
	v15 =	vmov s17;
	v12 =	vand.u32 $0xFFFFFFFD, v12;
	v11 =	vld.idx.msk [tilespmem:v11+s5+$0x0], $0xffff  }
0x1ed: {  	v24 =	vld.idx.msk [tilespmem:v63+s4+$0x0], $0xffff;
	v31 =	vand.u32 $0xFFFFFFFE, v46;
	v10 =	vmul.f32 $1.442695020e+00, v10;
	v12 =	vbroadcast v12, $0x0  }
0x1ee: {  	s19 =	simm.s32 $0xD5;
	v13 =	vmul.f32 v13, v22;
	v15 =	vand.u32 $0xFFFFFFFE, v15;
	v17 =	vsub.f32 v21, v7  }
0x1ef: {  	v25 =	vld.idx.msk [tilespmem:v25+s3+$0x0], $0xffff;
	v21 =	vmov s19;
	v8 =	vadd.f32 v8, v5;
	(erf) = vpow2.f32 v10  }
0x1f0: {  	s21 =	simm.s32 $0x6C;
	v31 =	vbroadcast v31, $0x0;
	v21 =	vand.u32 $0xFFFFFFFD, v21;
	v15 =	vbroadcast v15, $0x0;
	v18 =	vld.idx.msk [tilespmem:v18+s3+$0x0], $0xffff  }
0x1f1: {  	v10 =	vmov s21;
	v8 =	vsub.f32 v8, v9;
	v35 =	vld.idx.msk [tilespmem:v14+s4+$0x0], $0xffff;
	v11 =	vsub.f32 $0.0e+00, v11  }
0x1f2: {  	v21 =	vbroadcast v21, $0x0;
	v36 =	vmin.f32 v4, v16;
	v24 =	vshll.u32 v24, $0x5;
	v14 =	vld.idx.msk [tilespmem:v14+s3+$0x0], $0xffff  }
0x1f3: {  	v10 =	vand.u32 $0xFFFFFFFC, v10;
	v8 =	vmax.f32 v8, $9.999999970e-07;
	v32 =	vld.idx.msk [tilespmem:v12+s4+$0x0], $0xffff;
	v11 =	vmul.f32 $1.442695020e+00, v11  }
0x1f4: {  	s31 =	simm.s32 $0x6F;
	v17 =	vmax.f32 v17, $9.999999970e-07;
	v24 =	vor.u32 v6, v24;
	v10 =	vbroadcast v10, $0x0;
	v41 =	vpop (erf)  }
0x1f5: {  	v26 =	vadd.f32 $1.000000000e+00, v41;
	v44 =	vpop (erf);
	v12 =	vld.idx.msk [tilespmem:v12+s3+$0x0], $0xffff;
	(erf) = vpow2.f32 v11;
	v11 =	vmov s31  }
0x1f6: {  	v29 =	vadd.f32 $1.000000000e+00, v44;
	v52 =	vmin.f32 v4, v18;
	(erf) = vrcp.f32 v8;
	v8 =	vpop (erf)  }
0x1f7: {  	v33 =	vld.idx.msk [tilespmem:v33+s3+$0x0], $0xffff;
	v48 =	vshll.u32 v35, $0x5;
	v56 =	vmax.f32 v1, v14;
	v8 =	vmul.f32 v8, v19  }
0x1f8: {  	v28 =	vld.idx.msk [tilespmem:v28+s3+$0x0], $0xffff;
	v14 =	vsub.f32 v25, v14;
	v32 =	vshll.u32 v32, $0x5;
	v22 =	vpop (erf);
	v19 =	vsub.f32 v20, v13  }
0x1f9: {  	(erf) = vrcp.f32 v26;
	v20 =	vadd.f32 $1.000000000e+00, v22;
	v22 =	vld.idx.msk [tilespmem:v23+s3+$0x0], $0xffff;
	v8 =	vmul.f32 v8, v8  }
0x1fa: {  	v49 =	vmax.f32 v1, v12;
	v32 =	vor.u32 v6, v32;
	v23 =	vbroadcast v27, $0x0;
	v11 =	vld.idx.msk [tilespmem:v11+s3+$0x0], $0xffff  }
0x1fb: {  	v19 =	vmax.f32 v19, $9.999999970e-07;
	(erf) = vrcp.f32 v20;
	v50 =	vmul.f32 v8, v8;
	v8 =	vld.idx.msk [tilespmem:v21+s3+$0x0], $0xffff  }
0x1fc: {  	v20 =	vor.u32 v6, v48;
	(erf) = vrcp.f32 v19;
	v21 =	vmin.f32 v3, v33  }
0x1fd: {  	v19 =	vsub.f32 v33, v34;
	(erf) = vrcp.f32 v29;
	v21 =	vsub.f32 v21, v47  }
0x1fe: {  	v31 =	vld.idx.msk [tilespmem:v31+s3+$0x0], $0xffff;
	v37 =	vsub.f32 v22, v28;
	v22 =	vmin.f32 v4, v22;
	v28 =	vmax.f32 v2, v28;
	v51 =	vpop (erf)  }
0x1ff: {  	v10 =	vld.idx.msk [tilespmem:v10+s3+$0x0], $0xffff;
	(erf) = vrcp.f32 v17;
	v29 =	vadd.f32 $1.000000000e+00, v51;
	v53 =	vpop (erf);
	v16 =	vsub.f32 v16, v11  }
0x200: {  	v17 =	vld.idx.msk [tilespmem:v15+s3+$0x0], $0xffff;
	v11 =	vmax.f32 v2, v11;
	v9 =	vmul.f32 v53, v9;
	v54 =	vsub.f32 v8, v12  }
0x201: {  	v23 =	vld.idx.msk [tilespmem:v23+s3+$0x0], $0xffff;
	v55 =	vmin.f32 v3, v8;
	v8 =	vsub.f32 v22, v28;
	v22 =	vmin.f32 v3, v25  }
0x202: {  	v12 =	vld.idx.msk [tilespmem:v30+s3+$0x0], $0xffff;
	v16 =	vmul.f32 v16, v19;
	v19 =	vsub.f32 v36, v11;
	(erf) = vrcp.f32 v29  }
0x203: {  	v11 =	vmax.f32 v8, $0.0e+00;
	v8 =	vmul.f32 v9, v9;
	v9 =	vld.idx.msk [tilespmem:v20+s5+$0x0], $0xffff;
	v20 =	vsub.f32 v22, v56  }
0x204: {  	v22 =	vmax.f32 v2, v10;
	v10 =	vsub.f32 v18, v10;
	v18 =	vmin.f32 v3, v31  }
0x205: {  	v57 =	vpop (erf);
	v22 =	vsub.f32 v52, v22;
	v60 =	vmax.f32 v1, v17;
	v17 =	vsub.f32 v31, v17  }
0x206: {  	v58 =	vpop (erf);
	v19 =	vmax.f32 v19, $0.0e+00;
	v59 =	vmul.f32 v8, v8;
	v18 =	vsub.f32 v18, v60  }
0x207: {  	v10 =	vmul.f32 v10, v14;
	v30 =	vsub.f32 v23, v12;
	v22 =	vmax.f32 v22, $0.0e+00;
	v8 =	vpop (erf)  }
0x208: {  	v62 =	vld.idx.msk [tilespmem:v32+s5+$0x0], $0xffff;
	v23 =	vmin.f32 v4, v23;
	v8 =	vmul.f32 v8, v13;
	v13 =	vpop (erf);
	v63 =	vsub.f32 $0.0e+00, v9  }
0x209: {  	v14 =	vmax.f32 v2, v12;
	v12 =	vadd.f32 v16, v5;
	v17 =	vmul.f32 v30, v17;
	v61 =	vpop (erf)  }
0x20a: {  	v15 =	vld.idx.msk [tilespmem:v15+s4+$0x0], $0xffff;
	v9 =	vmax.f32 v18, $0.0e+00;
	v7 =	vmul.f32 v61, v7;
	v18 =	vmul.f32 $1.442695020e+00, v63  }
0x20b: {  	v16 =	vmul.f32 v8, v8;
	v8 =	vmax.f32 v20, $0.0e+00;
	v20 =	vadd.f32 v10, v5  }
0x20c: {  	v10 =	vadd.f32 v17, v5;
	v8 =	vmul.f32 v22, v8;
	v22 =	vsub.f32 v23, v14  }
0x20d: {  	v17 =	vld.idx.msk [tilespmem:v24+s5+$0x0], $0xffff;
	(erf) = vpow2.f32 v18;
	v18 =	vsub.f32 $0.0e+00, v62;
	v16 =	vmul.f32 v16, v16  }
0x20e: {  	v23 =	vpop (erf);
	v14 =	vmul.f32 v59, v13;
	v13 =	vmul.f32 v7, v7;
	v20 =	vsub.f32 v20, v8  }
0x20f: {  	v7 =	vshll.u32 v15, $0x5;
	v18 =	vmul.f32 $1.442695020e+00, v18;
	v15 =	vmul.f32 v16, v23  }
0x210: {  	v16 =	vmax.f32 v20, $9.999999970e-07;
	v20 =	vor.u32 v6, v7;
	v7 =	vmax.f32 v21, $0.0e+00  }
0x211: {  	v21 =	vsub.f32 v55, v49;
	v7 =	vmul.f32 v19, v7;
	(erf) = vpow2.f32 v18  }
0x212: {  	v18 =	vsub.f32 $0.0e+00, v17;
	(erf) = vrcp.f32 v16;
	v16 =	vmul.f32 v13, v13  }
0x213: {  	v19 =	vmul.f32 v37, v54;
	v17 =	vmul.f32 v50, v57;
	v21 =	vmax.f32 v21, $0.0e+00  }
0x214: {  	s6 =	simm.s32 $0x8;
	v13 =	vmax.f32 v22, $0.0e+00;
	v18 =	vmul.f32 $1.442695020e+00, v18;
	v16 =	vmul.f32 v16, v58  }
.LBB2_7:
0x215: {  	s7 =	sadd.s32 $0x1, s6  }
0x216: {  	v22 =	vmov s6;
	s8 =	sadd.s32 $0xD1, s6;
	s9 =	sadd.s32 $0x2, s6;
	v11 =	vmul.f32 v11, v21;
	v20 =	vld.idx.msk [tilespmem:v20+s5+$0x0], $0xffff;
	v21 =	vpop (erf);
	v14 =	vmax.f32 v17, v14;
	s10 =	smov.u32 s6  }
0x217: {  	s11 =	sadd.s32 $0x68, s6;
	v17 =	vmov s7;
	v23 =	vmov s9;
	s7 =	sadd.s32 $0x13A, s6;
	s9 =	sadd.s32 $0x3, s6;
	v15 =	vmax.f32 v15, v16  }
0x218: {  	p0 =	sne.s32 s6, $0x60;
	v19 =	vadd.f32 v19, v5;
	s12 =	sadd.s32 $0x13B, s10;
	s6 =	sadd.s32 $0x4, s6;
	v16 =	vand.u32 $0xFFFFFFFD, v17;
	v17 =	vand.u32 $0xFFFFFFFE, v23  }
0x219: {  	v12 =	vsub.f32 v12, v7;
	s13 =	sadd.s32 $0x138, s10;
	v23 =	vmov s12;
	v16 =	vbroadcast v16, $0x0  }
0x21a: {  	v22 =	vand.u32 $0xFFFFFFFC, v22;
	v24 =	vmov s13;
	s12 =	sadd.s32 $0x139, s10;
	s13 =	sadd.s32 $0xD3, s10;
	v14 =	vmax.f32 v14, v15  }
0x21b: {  	v15 =	vmov s8;
	v25 =	vmov s12;
	v26 =	vpop (erf);
	(erf) = vpow2.f32 v18  }
0x21c: {  	s8 =	sadd.s32 $0x6B, s10;
	v24 =	vand.u32 $0xFFFFFFFC, v24;
	v0 =	vmax.f32 v0, v14;
	v18 =	vmov s11;
	v27 =	vpop (erf)  }
0x21d: {  	v14 =	vand.u32 $0xFFFFFFFD, v25;
	v25 =	vmov s9;
	s11 =	sadd.s32 $0xD0, s10;
	v20 =	vsub.f32 $0.0e+00, v20  }
0x21e: {  	v22 =	vbroadcast v22, $0x0;
	v24 =	vbroadcast v24, $0x0;
	v28 =	vmov s11;
	v23 =	vld.idx.msk [tilespmem:v23+s3+$0x0], $0xffff  }
0x21f: {  	v30 =	vmov s7;
	v15 =	vand.u32 $0xFFFFFFFD, v15;
	s9 =	sadd.s32 $0x69, s10;
	v28 =	vand.u32 $0xFFFFFFFC, v28;
	v29 =	vld.idx.msk [tilespmem:v16+s3+$0x0], $0xffff  }
0x220: {  	s7 =	sadd.s32 $0x6A, s10;
	v31 =	vmov s9;
	v20 =	vmul.f32 $1.442695020e+00, v20;
	v28 =	vbroadcast v28, $0x0  }
0x221: {  	v32 =	vmov s7;
	s7 =	sadd.s32 $0xD2, s10;
	v31 =	vand.u32 $0xFFFFFFFD, v31;
	v26 =	vadd.f32 $1.000000000e+00, v26;
	v16 =	vld.idx.msk [tilespmem:v16+s4+$0x0], $0xffff  }
0x222: {  	v19 =	vsub.f32 v19, v11;
	v33 =	vmov s7;
	v31 =	vbroadcast v31, $0x0  }
0x223: {  	v30 =	vand.u32 $0xFFFFFFFE, v30;
	v32 =	vand.u32 $0xFFFFFFFE, v32;
	v14 =	vbroadcast v14, $0x0;
	v34 =	vld.idx.msk [tilespmem:v25+s4+$0x0], $0xffff  }
0x224: {  	v35 =	vmov s13;
	v32 =	vbroadcast v32, $0x0;
	v33 =	vand.u32 $0xFFFFFFFE, v33;
	v25 =	vld.idx.msk [tilespmem:v25+s3+$0x0], $0xffff;
	v36 =	vpop (erf)  }
0x225: {  	v38 =	vmov s8;
	v19 =	vmax.f32 v19, $9.999999970e-07;
	v33 =	vbroadcast v33, $0x0;
	v37 =	vld.idx.msk [tilespmem:v22+s3+$0x0], $0xffff  }
0x226: {  	v17 =	vbroadcast v17, $0x0;
	v18 =	vand.u32 $0xFFFFFFFC, v18;
	v22 =	vld.idx.msk [tilespmem:v22+s4+$0x0], $0xffff;
	(erf) = vpow2.f32 v20  }
0x227: {  	v18 =	vbroadcast v18, $0x0;
	v16 =	vshll.u32 v16, $0x5;
	v20 =	vld.idx.msk [tilespmem:v24+s3+$0x0], $0xffff;
	(erf) = vrcp.f32 v19  }
0x228: {  	v9 =	vmul.f32 v13, v9;
	v15 =	vbroadcast v15, $0x0;
	v16 =	vor.u32 v6, v16;
	v19 =	vld.idx.msk [tilespmem:v31+s3+$0x0], $0xffff  }
0x229: {  	v21 =	vadd.f32 $1.000000000e+00, v21;
	v8 =	vmul.f32 v27, v8;
	v24 =	vmin.f32 v4, v23;
	v13 =	vld.idx.msk [tilespmem:v35+s3+$0x0], $0xffff  }
0x22a: {  	v10 =	vsub.f32 v10, v9;
	v12 =	vmax.f32 v12, $9.999999970e-07;
	v27 =	vadd.f32 $1.000000000e+00, v36;
	v14 =	vld.idx.msk [tilespmem:v14+s3+$0x0], $0xffff  }
0x22b: {  	v30 =	vbroadcast v30, $0x0;
	v35 =	vmax.f32 v1, v25;
	v31 =	vld.idx.msk [tilespmem:v38+s3+$0x0], $0xffff;
	(erf) = vrcp.f32 v21  }
0x22c: {  	v8 =	vmul.f32 v8, v8;
	v21 =	vshll.u32 v22, $0x5;
	v22 =	vld.idx.msk [tilespmem:v17+s3+$0x0], $0xffff;
	(erf) = vrcp.f32 v27  }
0x22d: {  	v10 =	vmax.f32 v10, $9.999999970e-07;
	v27 =	vld.idx.msk [tilespmem:v28+s3+$0x0], $0xffff;
	v28 =	vmax.f32 v1, v29  }
0x22e: {  	v36 =	vmul.f32 v8, v8;
	v21 =	vor.u32 v6, v21;
	v15 =	vld.idx.msk [tilespmem:v15+s3+$0x0], $0xffff;
	(erf) = vrcp.f32 v10  }
0x22f: {  	v10 =	vsub.f32 v13, v25;
	v13 =	vmin.f32 v3, v13;
	v8 =	vld.idx.msk [tilespmem:v18+s3+$0x0], $0xffff;
	(erf) = vrcp.f32 v26;
	v18 =	vpop (erf)  }
0x230: {  	v25 =	vmin.f32 v4, v20;
	v17 =	vld.idx.msk [tilespmem:v17+s4+$0x0], $0xffff;
	v18 =	vadd.f32 $1.000000000e+00, v18;
	v26 =	vpop (erf);
	(erf) = vrcp.f32 v12  }
0x231: {  	v38 =	vsub.f32 v14, v19;
	v23 =	vsub.f32 v23, v31;
	v12 =	vld.idx.msk [tilespmem:v30+s3+$0x0], $0xffff;
	v26 =	vmul.f32 v26, v11  }
0x232: {  	v11 =	vmin.f32 v4, v14;
	v14 =	vmax.f32 v2, v19;
	v19 =	vmax.f32 v2, v31  }
0x233: {  	v31 =	vshll.u32 v34, $0x5;
	v10 =	vmul.f32 v23, v10;
	v19 =	vsub.f32 v24, v19;
	v30 =	vld.idx.msk [tilespmem:v33+s3+$0x0], $0xffff  }
0x234: {  	v11 =	vsub.f32 v11, v14;
	v23 =	vsub.f32 v15, v29;
	v24 =	vmin.f32 v3, v15;
	v14 =	vld.idx.msk [tilespmem:v32+s3+$0x0], $0xffff;
	v29 =	vpop (erf)  }
0x235: {  	v31 =	vor.u32 v6, v31;
	v15 =	vmin.f32 v3, v27;
	(erf) = vrcp.f32 v18;
	v32 =	vpop (erf)  }
0x236: {  	v34 =	vmul.f32 v26, v26;
	v11 =	vmax.f32 v11, $0.0e+00;
	v18 =	vld.idx.msk [tilespmem:v21+s5+$0x0], $0xffff;
	v21 =	vmax.f32 v1, v37  }
0x237: {  	v27 =	vsub.f32 v27, v37;
	v15 =	vsub.f32 v15, v21;
	v21 =	vmax.f32 v2, v8;
	v33 =	vpop (erf)  }
0x238: {  	v13 =	vsub.f32 v13, v35;
	v21 =	vsub.f32 v25, v21;
	v25 =	vmul.f32 v34, v34;
	v26 =	vpop (erf)  }
0x239: {  	v8 =	vsub.f32 v20, v8;
	v20 =	vmin.f32 v3, v30;
	v34 =	vmax.f32 v1, v22;
	v35 =	vpop (erf)  }
0x23a: {  	v22 =	vsub.f32 v30, v22;
	v33 =	vmul.f32 v33, v9;
	v30 =	vsub.f32 v12, v14  }
0x23b: {  	v9 =	vsub.f32 v20, v34;
	v20 =	vmin.f32 v4, v12;
	v21 =	vmax.f32 v21, $0.0e+00;
	v16 =	vld.idx.msk [tilespmem:v16+s5+$0x0], $0xffff  }
0x23c: {  	v8 =	vmul.f32 v8, v27;
	v14 =	vmax.f32 v2, v14;
	v12 =	vsub.f32 $0.0e+00, v18  }
0x23d: {  	v7 =	vmul.f32 v35, v7;
	v18 =	vmul.f32 v30, v22;
	v9 =	vmax.f32 v9, $0.0e+00  }
0x23e: {  	v27 =	vmul.f32 v33, v33;
	v22 =	vmul.f32 $1.442695020e+00, v12;
	v12 =	vadd.f32 v10, v5;
	v30 =	vpop (erf)  }
0x23f: {  	v15 =	vmax.f32 v15, $0.0e+00;
	v33 =	vadd.f32 v8, v5;
	v10 =	vadd.f32 v18, v5  }
0x240: {  	v8 =	vmul.f32 v21, v15;
	v18 =	vsub.f32 v20, v14;
	v21 =	vld.idx.msk [tilespmem:v31+s5+$0x0], $0xffff;
	(erf) = vpow2.f32 v22  }
0x241: {  	v15 =	vsub.f32 $0.0e+00, v16;
	v16 =	vmax.f32 v19, $0.0e+00;
	v19 =	vmul.f32 v27, v27  }
0x242: {  	v20 =	vsub.f32 v33, v8;
	v14 =	vmul.f32 v25, v26;
	v22 =	vmul.f32 v7, v7  }
0x243: {  	v7 =	vshll.u32 v17, $0x5;
	v25 =	vmul.f32 $1.442695020e+00, v15;
	v15 =	vmul.f32 v19, v30  }
.Ltmp3:
0x244: {  	v17 =	vmax.f32 v20, $9.999999970e-07;
	v20 =	vor.u32 v6, v7;
	v7 =	vmax.f32 v13, $0.0e+00;
	(pc) =	sbr.rel @p0 .LBB2_7-.Ltmp3, $4  }
0x245: {  	v13 =	vsub.f32 v24, v28;
	v7 =	vmul.f32 v16, v7;
	(erf) = vpow2.f32 v25  }
0x246: {  	v22 =	vmul.f32 v22, v22;
	v16 =	vsub.f32 $0.0e+00, v21;
	(erf) = vrcp.f32 v17  }
0x247: {  	v19 =	vmul.f32 v38, v23;
	v21 =	vmax.f32 v13, $0.0e+00;
	v17 =	vmul.f32 v36, v29  }
0x248: {  	v13 =	vmax.f32 v18, $0.0e+00;
	v18 =	vmul.f32 $1.442695020e+00, v16;
	v16 =	vmul.f32 v22, v32  }
0x249: {  	_ =	sdelay $0x3  }
0x24a: {  	v1 =	vld.idx.msk [tilespmem:v20+s5+$0x0], $0xffff;
	(erf) = vpow2.f32 v18;
	_ =	sdelay $0x4  }
0x24b: {  	v2 =	vmul.f32 v11, v21;
	v3 =	vadd.f32 v19, v5;
	v1 =	vsub.f32 $0.0e+00, v1  }
0x24c: {  	v4 =	vpop (erf)  }
0x24d: {  	v3 =	vsub.f32 v3, v2;
	v30 =	vpop (erf);
	v1 =	vmul.f32 $1.442695020e+00, v1  }
0x24e: {  	v31 =	vmul.f32 v13, v9;
	v6 =	vpop (erf)  }
0x24f: {  	v4 =	vadd.f32 $1.000000000e+00, v4;
	v3 =	vmax.f32 v3, $9.999999970e-07;
	(erf) = vpow2.f32 v1;
	v32 =	vpop (erf)  }
0x250: {  	v33 =	vsub.f32 v10, v31;
	(erf) = vrcp.f32 v3;
	v9 =	vadd.f32 $1.000000000e+00, v32  }
0x251: {  	v34 =	vsub.f32 v12, v7;
	(erf) = vrcp.f32 v4  }
0x252: {  	v35 =	vadd.f32 $1.000000000e+00, v30;
	v3 =	vmax.f32 v33, $9.999999970e-07;
	(erf) = vrcp.f32 v9  }
0x253: {  	(erf) = vrcp.f32 v3  }
0x254: {  	v36 =	vmax.f32 v34, $9.999999970e-07;
	(erf) = vrcp.f32 v35  }
0x255: {  	(erf) = vrcp.f32 v36;
	_ =	sdelay $0x2  }
0x256: {  	v37 =	vpop (erf)  }
0x257: {  	v3 =	vadd.f32 $1.000000000e+00, v37;
	v38 =	vpop (erf)  }
0x258: {  	v39 =	vpop (erf)  }
0x259: {  	(erf) = vrcp.f32 v3;
	v40 =	vpop (erf)  }
0x25a: {  	v41 =	vpop (erf)  }
0x25b: {  	v42 =	vpop (erf)  }
0x25c: {  	v6 =	vmul.f32 v6, v8;
	v2 =	vmul.f32 v38, v2;
	v43 =	vpop (erf)  }
0x25d: {  	v1 =	vmul.f32 v41, v31;
	v4 =	vmul.f32 v43, v7  }
0x25e: {  	v6 =	vmul.f32 v6, v6;
	v2 =	vmul.f32 v2, v2  }
0x25f: {  	v1 =	vmul.f32 v1, v1;
	v4 =	vmul.f32 v4, v4  }
0x260: {  	v6 =	vmul.f32 v6, v6;
	v2 =	vmul.f32 v2, v2  }
0x261: {  	v1 =	vmul.f32 v1, v1;
	v4 =	vmul.f32 v4, v4  }
0x262: {  	v5 =	vmul.f32 v6, v39;
	v2 =	vmul.f32 v2, v42;
	v44 =	vpop (erf)  }
0x263: {  	v1 =	vmul.f32 v1, v44;
	v3 =	vmul.f32 v4, v40  }
0x264: {  	v45 =	vmax.f32 v17, v14;
	v46 =	vmax.f32 v15, v16  }
0x265: {  	v2 =	vmax.f32 v5, v2;
	v4 =	vmax.f32 v45, v46;
	v1 =	vmax.f32 v1, v3  }
0x266: {  	v0 =	vmax.f32 v0, v4;
	v1 =	vmax.f32 v2, v1  }
0x267: {  	v0 =	vmax.f32 v0, v1  }
0x268: {  	v1 =	vmax.f32 v0, $1.000000000e-30  }
0x269: {  	(v2sf) =	vpush v1, $0xD;
	_ =	sdelay $0x1  }
0x26a: {  	(v2sf) =	vpush v1, $0xC;
	_ =	sdelay $0x1  }
0x26b: {  	(v2sf) =	vpush v1, $0xE;
	_ =	sdelay $0x1  }
0x26c: {  	(v2sf) =	vpush v1, $0xF;
	_ =	sdelay $0x1  }
0x26d: {  	(v2sf) =	vpush v1, $0x9;
	_ =	sdelay $0x1  }
0x26e: {  	(v2sf) =	vpush v1, $0x8;
	_ =	sdelay $0x1  }
0x26f: {  	(v2sf) =	vpush v1, $0xA;
	_ =	sdelay $0x1  }
0x270: {  	(v2sf) =	vpush v1, $0xB  }
0x271: {  	s3 =	spop (v2sf)  }
0x272: {  	(v2sf) =	vpush v1, $0x0;
	s4 =	smulhi.u32 $0x66666667, s3;
	s3 =	sshra.s32 s3, $0x1F  }
0x273: {  	s26 =	spop (v2sf);
	s3 =	smul.u32 $0x66666667, s3  }
0x274: {  	(v2sf) =	vpush v1, $0x1;
	s6 =	smulhi.u32 $0x66666667, s26;
	s5 =	sshra.s32 s26, $0x1F  }
0x275: {  	(v2sf) =	vpush v1, $0x2;
	s7 =	spop (v2sf);
	s8 =	smul.u32 $0x66666667, s5  }
0x276: {  	(v2sf) =	vpush v1, $0x3;
	s9 =	smulhi.u32 $0x66666667, s7;
	s7 =	sshra.s32 s7, $0x1F  }
0x277: {  	(v2sf) =	vpush v1, $0x4;
	s28 =	spop (v2sf);
	s11 =	smul.u32 $0x66666667, s7  }
0x278: {  	(v2sf) =	vpush v1, $0x5;
	s13 =	smulhi.u32 $0x66666667, s28;
	s5 =	sshra.s32 s28, $0x1F  }
0x279: {  	(v2sf) =	vpush v1, $0x6;
	s10 =	spop (v2sf);
	s14 =	smul.u32 $0x66666667, s5  }
0x27a: {  	(v2sf) =	vpush v1, $0x7;
	s15 =	smulhi.u32 $0x66666667, s10;
	s30 =	sshra.s32 s10, $0x1F  }
0x27b: {  	s29 =	spop (v2sf);
	s17 =	smul.u32 $0x66666667, s30  }
0x27c: {  	s5 =	sadd.s32 s3, s4;
	s19 =	smulhi.u32 $0x66666667, s29;
	s26 =	sshra.s32 s29, $0x1F  }
0x27d: {  	s7 =	sadd.s32 s8, s6;
	s12 =	spop (v2sf);
	s21 =	smul.u32 $0x66666667, s26  }
0x27e: {  	s4 =	sadd.s32 s11, s9;
	s23 =	smulhi.u32 $0x66666667, s12;
	s28 =	sshra.s32 s12, $0x1F  }
0x27f: {  	s31 =	spop (v2sf);
	s3 =	sadd.s32 s14, s13;
	s25 =	smul.u32 $0x66666667, s28  }
0x280: {  	s14 =	sshrl.u32 s7, $0x1F;
	s28 =	smulhi.u32 $0x66666667, s31;
	s29 =	sshra.s32 s31, $0x1F  }
0x281: {  	s7 =	sshra.s32 s7, $0x1;
	s16 =	spop (v2sf);
	s10 =	smul.u32 $0x66666667, s29  }
0x282: {  	s9 =	sadd.s32 s17, s15;
	s29 =	smulhi.u32 $0x66666667, s16;
	s30 =	sshra.s32 s16, $0x1F  }
0x283: {  	s18 =	spop (v2sf);
	s16 =	sshrl.u32 s5, $0x1F;
	s30 =	smul.u32 $0x66666667, s30  }
0x284: {  	s5 =	sshra.s32 s5, $0x1;
	s20 =	spop (v2sf);
	s31 =	smulhi.u32 $0x66666667, s18  }
0x285: {  	s11 =	sshra.s32 s18, $0x1F;
	s18 =	sshrl.u32 s4, $0x1F;
	s22 =	spop (v2sf)  }
0x286: {  	s8 =	sadd.s32 s25, s23;
	s23 =	sshrl.u32 s3, $0x1F;
	s24 =	spop (v2sf)  }
0x287: {  	s17 =	smul.u32 $0x66666667, s11;
	s11 =	sadd.s32 s21, s19;
	s26 =	spop (v2sf)  }
0x288: {  	s19 =	smulhi.u32 $0x66666667, s20;
	s21 =	sshra.s32 s20, $0x1F;
	s12 =	spop (v2sf)  }
0x289: {  	s25 =	smul.u32 $0x66666667, s21;
	s21 =	sadd.s32 s30, s29;
	s29 =	spop (v2sf)  }
0x28a: {  	v47 =	vmov s14;
	s6 =	sadd.s32 s10, s28;
	s30 =	smulhi.u32 $0x66666667, s29;
	s10 =	sshra.s32 s29, $0x1F  }
0x28b: {  	v2 =	vsel vm1, s16, v47;
	s4 =	sshra.s32 s4, $0x1;
	s3 =	sshra.s32 s3, $0x1;
	s10 =	smul.u32 $0x66666667, s10  }
0x28c: {  	v2 =	vsel vm0, s18, v2;
	s18 =	sshra.s32 s9, $0x1;
	s20 =	smulhi.u32 $0x66666667, s22;
	s28 =	sshra.s32 s22, $0x1F  }
0x28d: {  	v51 =	vimm.s32 $0xECA86420;
	s15 =	sshrl.u32 s11, $0x1F;
	s22 =	smul.u32 $0x66666667, s28;
	s10 =	sadd.s32 s10, s30  }
0x28e: {  	v6 =	vunpack.c.l.s4.s8 v51;
	s13 =	sadd.s32 s17, s31;
	s31 =	smulhi.u32 $0x66666667, s24;
	s30 =	sshra.s32 s10, $0x1F  }
0x28f: {  	v54 =	vlaneseq.u32;
	s24 =	sshra.s32 s24, $0x1F;
	s20 =	sadd.s32 s22, s20;
	s22 =	sshra.s32 s21, $0x1;
	v49 =	vmov s30  }
0x290: {  	vm9 =	vcmask $0x2724;
	v53 =	vunpack.c.0.s8.s32 v6;
	s28 =	smul.u32 $0x66666667, s24;
	s24 =	sshrl.u32 s21, $0x1F;
	s21 =	sshra.s32 s21, $0x1F;
	v4 =	vsel vm7, s22, v49  }
0x291: {  	v6 =	vmul.u32 $0x2, v54;
	v48 =	vmov s15;
	s17 =	sadd.s32 s25, s19;
	s25 =	sshrl.u32 s9, $0x1F;
	s30 =	sshra.s32 s13, $0x1;
	v4 =	vsel vm15, s21, v4  }
0x292: {  	v55 =	vmov s7;
	s11 =	sshra.s32 s11, $0x1;
	v3 =	vsel vm1, s25, v48;
	s25 =	sshrl.u32 s13, $0x1F;
	s13 =	sshra.s32 s13, $0x1F;
	v4 =	vsel vm1, s30, v4  }
0x293: {  	v7 =	vsel vm1, s5, v55;
	v50 =	vmov s24;
	s24 =	sshra.s32 s17, $0x1F;
	s14 =	sadd.s32 s28, s31;
	s22 =	sshra.s32 s17, $0x1;
	v4 =	vsel vm14, s13, v4  }
0x294: {  	v7 =	vsel vm0, s4, v7;
	v2 =	vsel vm2, s23, v2;
	s31 =	sshrl.u32 s6, $0x1F;
	s28 =	smulhi.u32 $0x66666667, s26;
	s29 =	sshrl.u32 s8, $0x1F;
	v4 =	vsel vm0, s22, v4  }
0x295: {  	v5 =	vnsel vm7, $0x0, v50;
	s23 =	sshrl.u32 s20, $0x1F;
	v3 =	vsel vm0, s29, v3;
	s29 =	sshra.s32 s26, $0x1F;
	s26 =	sshra.s32 s20, $0x1;
	v4 =	vsel vm13, s24, v4  }
0x296: {  	v5 =	vsel vm1, s25, v5;
	v3 =	vsel vm2, s31, v3;
	s31 =	sshrl.u32 s17, $0x1F;
	s19 =	smul.u32 $0x66666667, s29;
	s29 =	sshra.s32 s20, $0x1F;
	v4 =	vsel vm2, s26, v4  }
0x297: {  	v56 =	vmov s11;
	v5 =	vsel vm0, s31, v5;
	s31 =	sshra.s32 s14, $0x1;
	s21 =	smulhi.u32 $0x66666667, s12;
	s12 =	sshra.s32 s12, $0x1F;
	v4 =	vsel vm11, s29, v4  }
0x298: {  	v7 =	vsel vm2, s3, v7;
	v8 =	vsel vm1, s18, v56;
	s16 =	sadd.s32 s19, s28;
	s17 =	sshra.s32 s14, $0x1F;
	s12 =	smul.u32 $0x66666667, s12;
	v4 =	vsel vm3, s31, v4  }
0x299: {  	s25 =	sshrl.u32 s14, $0x1F;
	s20 =	sshra.s32 s8, $0x1;
	v2 =	vcombine.low v3, v2;
	v52 =	vsel vm2, s23, v5;
	s19 =	sshra.s32 s16, $0x1;
	v4 =	vsel vm9, s17, v4  }
0x29a: {  	v3 =	vsel vm3, s25, v52;
	s28 =	sshrl.u32 s16, $0x1F;
	s12 =	sadd.s32 s12, s21;
	s21 =	sshra.s32 s16, $0x1F;
	vm11 =	vcmask $0x2F2C;
	v4 =	vsel vm6, s19, v4  }
0x29b: {  	v8 =	vsel vm0, s20, v8;
	v3 =	vsel vm6, s28, v3;
	s22 =	sshra.s32 s6, $0x1;
	s30 =	sshrl.u32 s12, $0x1F;
	s23 =	sshra.s32 s12, $0x1;
	v4 =	vsel vm11, s21, v4  }
0x29c: {  	s24 =	sshrl.u32 s10, $0x1F;
	v8 =	vsel vm2, s22, v8;
	s25 =	sshra.s32 s12, $0x1F;
	v3 =	vsel vm5, s30, v3;
	v4 =	vsel vm5, s23, v4  }
0x29d: {  	v7 =	vcombine.low v8, v7;
	s26 =	sshra.s32 s10, $0x1;
	v3 =	vsel vm4, s24, v3;
	v4 =	vsel vm10, s25, v4  }
0x29e: {  	v2 =	vperm.xlane v2, v53;
	v3 =	vperm.xlane v3, v6;
	v4 =	vsel vm4, s26, v4  }
0x29f: {  	v5 =	vperm.xlane v7, v53;
	v4 =	vperm.xlane v4, v6;
	_ =	sdelay $0x1  }
0x2a0: {  	v2 =	vsel vm12, v3, v2;
	v57 =	vsel vm12, v4, v5  }
0x2a1: {  	v2 =	vadd.s32 v2, v57  }
0x2a2: {  	v3 =	vmul.u32 $0xFFFFFFFB, v2  }
0x2a3: {  	v58 =	vsub.s32 $0x0, v1  }
0x2a4: {  	vm13 =	vlt.s32 v1, $0x1;
	vm14 =	vne.s32 v3, v58  }
0x2a5: {  	v59 =	vimm.s32 $0x0;
	vm0 =	vmand vm13, vm14  }
0x2a6: {  	v3 =	vsel vm0, $0xFFFFFFFF, v59  }
0x2a7: {  	v2 =	vadd.s32 v3, v2  }
0x2a8: {  	v2 =	vadd.s32 $0x32CCCCCD, v2  }
0x2a9: {  	v60 =	vmul.f32 v2, v2;
	_ =	sdelay $0x1  }
0x2aa: {  	v3 =	vmul.f32 v60, v60;
	_ =	sdelay $0x1  }
0x2ab: {  	(erf) = vrcp.f32 v3;
	_ =	sdelay $0x8  }
0x2ac: {  	v3 =	vpop (erf)  }
0x2ad: {  	v2 =	vmul.f32 $4.000000000e+00, v2;
	v3 =	vmul.f32 v3, v1;
	_ =	sdelay $0x1  }
0x2ae: {  	v2 =	vadd.f32 v3, v2;
	_ =	sdelay $0x1  }
0x2af: {  	v2 =	vmul.f32 $2.000000030e-01, v2;
	_ =	sdelay $0x1  }
0x2b0: {  	v61 =	vmul.f32 v2, v2;
	_ =	sdelay $0x1  }
0x2b1: {  	v3 =	vmul.f32 v61, v61;
	_ =	sdelay $0x1  }
0x2b2: {  	(erf) = vrcp.f32 v3;
	_ =	sdelay $0x8  }
0x2b3: {  	v3 =	vpop (erf)  }
0x2b4: {  	v2 =	vmul.f32 $4.000000000e+00, v2;
	v3 =	vmul.f32 v3, v1;
	_ =	sdelay $0x1  }
0x2b5: {  	v2 =	vadd.f32 v3, v2;
	_ =	sdelay $0x1  }
0x2b6: {  	v2 =	vmul.f32 $2.000000030e-01, v2;
	_ =	sdelay $0x1  }
0x2b7: {  	v62 =	vmul.f32 v2, v2;
	_ =	sdelay $0x1  }
0x2b8: {  	v3 =	vmul.f32 v62, v62;
	_ =	sdelay $0x1  }
0x2b9: {  	(erf) = vrcp.f32 v3;
	_ =	sdelay $0x8  }
0x2ba: {  	v3 =	vpop (erf)  }
0x2bb: {  	v2 =	vmul.f32 $4.000000000e+00, v2;
	v3 =	vmul.f32 v3, v1;
	_ =	sdelay $0x1  }
0x2bc: {  	v2 =	vadd.f32 v3, v2;
	_ =	sdelay $0x1  }
0x2bd: {  	v2 =	vmul.f32 $2.000000030e-01, v2;
	_ =	sdelay $0x1  }
0x2be: {  	v63 =	vmul.f32 v2, v2;
	_ =	sdelay $0x1  }
0x2bf: {  	v3 =	vmul.f32 v63, v63;
	_ =	sdelay $0x1  }
0x2c0: {  	(erf) = vrcp.f32 v3;
	_ =	sdelay $0x8  }
0x2c1: {  	v3 =	vpop (erf)  }
0x2c2: {  	v2 =	vmul.f32 $4.000000000e+00, v2;
	v1 =	vmul.f32 v3, v1;
	_ =	sdelay $0x1  }
0x2c3: {  	v1 =	vadd.f32 v1, v2;
	_ =	sdelay $0x1  }
0x2c4: {  	v1 =	vmul.f32 $2.000000030e-01, v1  }
0x2c5: {  	vm15 =	vgt.f32 v0, $0.0e+00  }
0x2c6: {  	s28 =	simm.s32 $0x20;
	v0 =	vnsel vm15, $0x0, v1  }
0x2c7: {  	s30 =	simm.s32 $0x1C18;
	s29 =	simm.s32 $0x4F0;
	s31 =	simm.s32 $0x1;
	[tilespmem:$0x1C28] =	vst v0  }
0x2c8: {  	[hbm4b:s2+s28] =	stream.indirect.scatter [tilespmem:s30], [sflag:$0x1], $0x1, s29, s28, $0xb8;
	[tilespmem:$0x1C38] =	vst v63  }
0x2c9: {  	_ =	swait.ge [sflag:s31], $0x20  }
0x2ca: {  	[sflag:s31] =	ssyncset.done $0x0  }
0x2cb: {  	[sflag:s31] =	ssyncadd.s32 $0xFFFFFFE0  }
0x2cc: {  	_ =	sfence.sel $0x180000  }
0x2cd: {  	[bflag:$0x0] =	sbarrier.arrive $0xFFFF  }
0x2ce: {  	p0 =	sne.s32 s1, $0x0;
	_ =	strace $0x90000047  }
0x2cf: {  	s0 =	sadd.s32 @!p0 $0x100000, s0;
	[bflag:$0x2] =	sbarrier.arrive $0xFFFF  }
0x2d0: {  	[sflag:s0] =	ssyncadd.tile.s32 @!p0 $0x1;
	_ =	shalt  }
.Lfunc_end2:
_tile_overlayer_lowered:
.L_overlay_start_2:
0x2d1: {  	(tag) =	ssettag $0x2  }
0x2d2: {  	s0 =	rddreg [dreg:$0x0];
	s2 =	stileid.u32  }
0x2d3: {  	s1 =	rddreg [dreg:$0x1];
	p0 =	sne.s32 s2, $0x0  }
0x2d4: {  	s3 =	rddreg [dreg:$0x2];
	[bflag:$0x3] =	sbarrier.arrive $0xFFFF;
	s2 =	simm.s32 @!p0 $0x1C04  }
0x2d5: {  	[timem:s3], [sflag:s2] =	dma.local @!p0 [hbm:s0], s1  }
0x2d6: {  	s0 =	simm.s32 @!p0 $0x4  }
0x2d7: {  	_ =	swait.ge @!p0 [sflag:s0], s1  }
0x2d8: {  	s1 =	ssub.s32 @!p0 $0x0, s1;
	[sflag:s0] =	ssyncset.done @!p0 $0x0  }
0x2d9: {  	[sflag:s0] =	ssyncadd.s32 @!p0 s1  }
0x2da: {  	[bflag:$0x3] =	sbarrier.arrive $0xFFFF  }
0x2db: {  	_ =	shalt  }

</sc_bundles>
